<compile_context>
chip_gen: v7x
topology: tpu7x:2x2x1
jax: 0.10.2.dev20260603
libtpu: 0.0.44.dev20260713+nightly
codegen_flags: <defaults>
</compile_context>

<pallas_src>
import functools

import jax
import jax.numpy as jnp
from jax import lax
from jax.experimental import pallas as pl
from jax.experimental.pallas import tpu as pltpu
from jax.experimental.pallas import tpu_sc as plsc

N_NODES = 10000
D_IN = 128
D_HID = 64

NC = 2
NS = 16
NW = NC * NS

CHUNK = 128
NP = 10112
RPT = NP // NS
NPD = 10240
DRT = NPD // NW

NBUF = 3

_sc_params = pltpu.CompilerParams(
    use_tc_tiling_on_sc=False, needs_layout_passes=False)
_mesh = plsc.VectorSubcoreMesh(
    core_axis_name="c", subcore_axis_name="s", num_cores=NC, num_subcores=NS)


def _chunk_split(n_chunks):
  base = n_chunks // NW
  left = n_chunks - base * NW
  return base, left


def _make_deg_count_kernel(n_chunks):
  base, left = _chunk_split(n_chunks)

  @functools.partial(
      pl.kernel,
      out_type=jax.ShapeDtypeStruct((NW, NPD), jnp.float32),
      mesh=_mesh,
      scratch_types=[
          pltpu.VMEM((base + 1, CHUNK), jnp.int32),
          pltpu.VMEM((NPD,), jnp.float32),
          pltpu.SemaphoreType.DMA,
      ],
      compiler_params=_sc_params,
  )
  def deg_count(edges2d, out, idx_v, deg_v, sem):
    cid = lax.axis_index("c")
    sid = lax.axis_index("s")
    wid = cid * NS + sid
    ld = pltpu.async_copy(edges2d.at[1].at[pl.ds(wid * base, base)],
                          idx_v.at[pl.ds(0, base)], sem)
    zeros = jnp.zeros((16,), jnp.float32)

    @pl.loop(0, NPD // 16)
    def _(i):
      deg_v[pl.ds(i * 16, 16)] = zeros

    ld.wait()

    @pl.when(wid < left)
    def _():
      pltpu.sync_copy(edges2d.at[1].at[pl.ds(NW * base + wid, 1)],
                      idx_v.at[pl.ds(base, 1)])

    ones = jnp.ones((16,), jnp.float32)
    nmine = jnp.where(wid < left, base + 1, base)

    @pl.loop(0, nmine)
    def _(j):
      row = idx_v.at[j]
      for i in range(CHUNK // 16):
        idx16 = row[pl.ds(i * 16, 16)]
        plsc.addupdate_scatter(deg_v, [idx16], ones)

    pltpu.sync_copy(deg_v, out.at[wid])

  return deg_count


def _make_edge_kernel(n_chunks):
  base, left = _chunk_split(n_chunks)
  assert base % NBUF == 0 and base >= 2 * NBUF

  @functools.partial(
      pl.kernel,
      out_type=jax.ShapeDtypeStruct((NC, NP, D_HID), jnp.float32),
      mesh=_mesh,
      scratch_types=[
          pltpu.VMEM((base + 1, CHUNK), jnp.int32),
          pltpu.VMEM((base + 1, CHUNK), jnp.int32),
          pltpu.VMEM((NBUF, CHUNK, D_HID), jnp.float32),
          pltpu.VMEM((RPT, D_HID), jnp.float32),
          pltpu.VMEM_SHARED((NP, D_HID), jnp.float32),
      ] + [pltpu.SemaphoreType.DMA] * NBUF,
      compiler_params=_sc_params,
  )
  def edge_kernel(table, edges2d, out, src_v, dst_v, bufs,
                  stage_v, agg_sh, *gsem):
    cid = lax.axis_index("c")
    sid = lax.axis_index("s")
    wid = cid * NS + sid
    ld_src = pltpu.async_copy(edges2d.at[0].at[pl.ds(wid * base, base)],
                              src_v.at[pl.ds(0, base)], gsem[0])
    ld_dst = pltpu.async_copy(edges2d.at[1].at[pl.ds(wid * base, base)],
                              dst_v.at[pl.ds(0, base)], gsem[1])
    zeros = jnp.zeros((16,), jnp.float32)

    @pl.loop(0, RPT)
    def _(r):
      row = stage_v.at[r]
      for i in range(D_HID // 16):
        row[pl.ds(i * 16, 16)] = zeros

    pltpu.sync_copy(stage_v, agg_sh.at[pl.ds(sid * RPT, RPT)])
    ld_src.wait()
    ld_dst.wait()

    @pl.when(wid < left)
    def _():
      pltpu.sync_copy(edges2d.at[0].at[pl.ds(NW * base + wid, 1)],
                      src_v.at[pl.ds(base, 1)])
      pltpu.sync_copy(edges2d.at[1].at[pl.ds(NW * base + wid, 1)],
                      dst_v.at[pl.ds(base, 1)])

    plsc.subcore_barrier()

    for b in range(NBUF):
      pltpu.async_copy(table.at[src_v.at[b]], bufs.at[b], gsem[b])

    @pl.loop(0, base // NBUF)
    def _(g):
      bb = g * NBUF
      for b in range(NBUF):
        j = bb + b
        pltpu.make_async_copy(
            table.at[src_v.at[j]], bufs.at[b], gsem[b]).wait()
        pltpu.sync_copy(bufs.at[b], agg_sh.at[dst_v.at[j]], add=True)

        @pl.when(j + NBUF < base)
        def _():
          pltpu.async_copy(
              table.at[src_v.at[j + NBUF]], bufs.at[b], gsem[b])

    @pl.when(wid < left)
    def _():
      pltpu.async_copy(table.at[src_v.at[base]], bufs.at[0], gsem[0]).wait()
      pltpu.sync_copy(bufs.at[0], agg_sh.at[dst_v.at[base]], add=True)

    plsc.subcore_barrier()
    pltpu.sync_copy(agg_sh.at[pl.ds(sid * RPT, RPT)], stage_v)
    pltpu.sync_copy(stage_v, out.at[cid].at[pl.ds(sid * RPT, RPT)])

  return edge_kernel


BR = 2000


BR1 = 2048


def _tc_layer1(xp, W1, degp):
  def body(x_ref, w_ref, d_ref, scaled_ref, dinv_ref):
    deg_row = jnp.sum(d_ref[...], axis=0, keepdims=True)
    dinv = lax.rsqrt(jnp.transpose(deg_row) + 1.0)
    h = jnp.dot(x_ref[...], w_ref[...], preferred_element_type=jnp.float32)
    scaled_ref[...] = h * dinv
    dinv_ref[...] = dinv

  grid = (NPD // BR1,)
  return pl.pallas_call(
      body,
      grid=grid,
      in_specs=[
          pl.BlockSpec((BR1, D_IN), lambda i: (i, 0)),
          pl.BlockSpec((D_IN, D_HID), lambda i: (0, 0)),
          pl.BlockSpec((NW, BR1), lambda i: (0, i)),
      ],
      out_specs=[
          pl.BlockSpec((BR1, D_HID), lambda i: (i, 0)),
          pl.BlockSpec((BR1, 1), lambda i: (i, 0)),
      ],
      out_shape=[
          jax.ShapeDtypeStruct((NPD, D_HID), jnp.float32),
          jax.ShapeDtypeStruct((NPD, 1), jnp.float32),
      ],
  )(xp, W1, degp)


def _tc_layer2(agg, scaled1, dinv, W2, b1):
  def body(a0_ref, a1_ref, s_ref, dinv_ref, w_ref, b_ref, out_ref):
    dinv = dinv_ref[...]
    z = (a0_ref[0] + a1_ref[0] + s_ref[...]) * dinv + b_ref[...]
    h1 = jnp.maximum(z, 0.0)
    out_ref[...] = jnp.dot(
        h1, w_ref[...], preferred_element_type=jnp.float32) * dinv

  grid = (N_NODES // BR,)
  return pl.pallas_call(
      body,
      grid=grid,
      in_specs=[
          pl.BlockSpec((1, BR, D_HID), lambda i: (0, i, 0)),
          pl.BlockSpec((1, BR, D_HID), lambda i: (1, i, 0)),
          pl.BlockSpec((BR, D_HID), lambda i: (i, 0)),
          pl.BlockSpec((BR, 1), lambda i: (i, 0)),
          pl.BlockSpec((D_HID, D_HID), lambda i: (0, 0)),
          pl.BlockSpec((1, D_HID), lambda i: (0, 0)),
      ],
      out_specs=pl.BlockSpec((BR, D_HID), lambda i: (i, 0)),
      out_shape=jax.ShapeDtypeStruct((N_NODES, D_HID), jnp.float32),
  )(agg, agg, scaled1, dinv, W2, b1)


def _tc_heads(agg, scaled2, dinv, b2, W_he, b_he):
  def body(a0_ref, a1_ref, s_ref, dinv_ref, b2_ref, w_ref, bh_ref,
           t_ref, e_ref):
    dinv = dinv_ref[...]
    z = (a0_ref[0] + a1_ref[0] + s_ref[...]) * dinv + b2_ref[...]
    h = jnp.maximum(z, 0.0)
    o = jnp.dot(h, w_ref[...], preferred_element_type=jnp.float32)
    o = o + bh_ref[...]
    t_ref[...] = o[:, 0:1]
    e_ref[...] = o[:, 1:2]

  grid = (N_NODES // BR,)
  return pl.pallas_call(
      body,
      grid=grid,
      in_specs=[
          pl.BlockSpec((1, BR, D_HID), lambda i: (0, i, 0)),
          pl.BlockSpec((1, BR, D_HID), lambda i: (1, i, 0)),
          pl.BlockSpec((BR, D_HID), lambda i: (i, 0)),
          pl.BlockSpec((BR, 1), lambda i: (i, 0)),
          pl.BlockSpec((1, D_HID), lambda i: (0, 0)),
          pl.BlockSpec((D_HID, 2), lambda i: (0, 0)),
          pl.BlockSpec((1, 2), lambda i: (0, 0)),
      ],
      out_specs=[
          pl.BlockSpec((BR, 1), lambda i: (i, 0)),
          pl.BlockSpec((BR, 1), lambda i: (i, 0)),
      ],
      out_shape=[
          jax.ShapeDtypeStruct((N_NODES, 1), jnp.float32),
          jax.ShapeDtypeStruct((N_NODES, 1), jnp.float32),
      ],
  )(agg, agg, scaled2, dinv, b2, W_he, b_he)


def kernel(x, edge_index, W1, b1, W2, b2, W_time, b_time, W_event, b_event):
  n_edges = edge_index.shape[1]
  assert n_edges % CHUNK == 0
  n_chunks = n_edges // CHUNK
  edges2d = edge_index.reshape(2, n_chunks, CHUNK)

  degp = _make_deg_count_kernel(n_chunks)(edges2d)
  xp = jnp.concatenate(
      [x, jnp.zeros((NPD - N_NODES, D_IN), jnp.float32)])
  scaled1, dinv = _tc_layer1(xp, W1, degp)

  edge_k = _make_edge_kernel(n_chunks)
  agg1 = edge_k(scaled1, edges2d)
  scaled2 = _tc_layer2(agg1, scaled1, dinv, W2, b1.reshape(1, D_HID))

  agg2 = edge_k(scaled2, edges2d)
  W_he = jnp.concatenate([W_time, W_event], axis=1)
  b_he = jnp.concatenate([b_time, b_event]).reshape(1, 2)
  t_out, e_out = _tc_heads(agg2, scaled2, dinv, b2.reshape(1, D_HID), W_he,
                           b_he)
  return (t_out, e_out)

# --- scband reference (transcript-rebuilt; emitter-appended) ---
"""Pipeline reference for scband-survival-gnn-16647293239617 (READ-ONLY COPY).

The authoritative reference and input builder live on the scoring server;
editing this copy changes nothing except your own understanding.
"""

import jax, jax.numpy as jnp
import numpy as np

N_NODES = 10000
N_EDGES = 320000
D_IN = 128
D_HID = 64


def setup_inputs(seed: int = 0) -> dict:
    key = jax.random.key(seed)
    ks = jax.random.split(key, 10)
    x = jax.random.normal(ks[0], (N_NODES, D_IN), dtype=jnp.float32)
    edge_index = jax.random.randint(ks[1], (2, N_EDGES), 0, N_NODES, dtype=jnp.int64 if jax.config.jax_enable_x64 else jnp.int32).astype(jnp.int32)
    # GCNConv weights (glorot-ish scaling) and linear heads
    W1 = jax.random.normal(ks[2], (D_IN, D_HID), dtype=jnp.float32) * (1.0 / np.sqrt(D_IN))
    b1 = jnp.zeros((D_HID,), dtype=jnp.float32)
    W2 = jax.random.normal(ks[3], (D_HID, D_HID), dtype=jnp.float32) * (1.0 / np.sqrt(D_HID))
    b2 = jnp.zeros((D_HID,), dtype=jnp.float32)
    W_time = jax.random.normal(ks[4], (D_HID, 1), dtype=jnp.float32) * (1.0 / np.sqrt(D_HID))
    b_time = jnp.zeros((1,), dtype=jnp.float32)
    W_event = jax.random.normal(ks[5], (D_HID, 1), dtype=jnp.float32) * (1.0 / np.sqrt(D_HID))
    b_event = jnp.zeros((1,), dtype=jnp.float32)
    return {"x": x, "edge_index": edge_index, "W1": W1, "b1": b1, "W2": W2, "b2": b2,
            "W_time": W_time, "b_time": b_time, "W_event": W_event, "b_event": b_event}


def _gcn_conv(x, edge_index, W, b):
    n = x.shape[0]
    src = edge_index[0]
    dst = edge_index[1]
    # add self-loops (PyG GCNConv default)
    loop = jnp.arange(n, dtype=src.dtype)
    src = jnp.concatenate([src, loop])
    dst = jnp.concatenate([dst, loop])
    deg = jnp.zeros((n,), dtype=x.dtype).at[dst].add(1.0)
    dinv = jnp.where(deg > 0, jax.lax.rsqrt(deg), 0.0)
    norm = dinv[src] * dinv[dst]
    h = x @ W
    msg = h[src] * norm[:, None]
    out = jnp.zeros((n, W.shape[1]), dtype=x.dtype).at[dst].add(msg)
    return out + b


def reference(x, edge_index, W1, b1, W2, b2, W_time, b_time, W_event, b_event):
    h = jax.nn.relu(_gcn_conv(x, edge_index, W1, b1))
    # dropout is identity in eval/deterministic mode
    h = jax.nn.relu(_gcn_conv(h, edge_index, W2, b2))
    survival_time_output = h @ W_time + b_time
    event_status_output = h @ W_event + b_event
    return (survival_time_output, event_status_output)

if __name__ == "__main__":
    import jax
    _d = setup_inputs()
    print(jax.jit(kernel)(*tuple(_d.values())))

</pallas_src>

<mosaic_0001>
#map = affine_map<(d0, d1) -> (0, 0, 0)>
#map1 = affine_map<(d0, d1) -> (0, 0)>
module attributes {stable_mosaic.version = 14 : i64} {
  func.func @deg_count(%arg0: i32, %arg1: i32, %arg2: memref<2x2500x128xi32, #tpu.memory_space<hbm>>, %arg3: memref<32x10240xf32, #tpu.memory_space<hbm>>, %arg4: memref<79x128xi32, #tpu.memory_space<vmem>>, %arg5: memref<10240xf32, #tpu.memory_space<vmem>>, %arg6: memref<!tpu.dma_semaphore, #tpu.memory_space<semaphore_mem>>) attributes {dimension_semantics = [#tpu.dimension_semantics<core_parallel>, #tpu.dimension_semantics<subcore_parallel>], iteration_bounds = array<i64: 2, 16>, scalar_prefetch = 0 : i64, scratch_operands = 3 : i64, tpu.core_type = #tpu.core_type<sc_vector_subcore>, window_params = [{transform_indices = #map}, {transform_indices = #map1}]} {
    %mul3A = arith.constant 16 : i32
    %mul3A_0 = arith.muli %arg0, %mul3A : i32
    %add3A = arith.addi %mul3A_0, %arg1 : i32
    %mul3A_1 = arith.constant 78 : i32
    %mul3A_2 = arith.muli %add3A, %mul3A_1 : i32
    %dma_start3A = arith.constant 1 : i32
    %dma_start3A_3 = arith.constant 0 : i32
    %dma_start3A_4 = arith.constant 0 : i32
    %dma_start3A_5 = tpu.memref_slice %arg4[%dma_start3A_3, %dma_start3A_4] : memref<79x128xi32, #tpu.memory_space<vmem>> -> memref<78x128xi32, #tpu.memory_space<vmem>>
    %dma_start3A_6 = arith.constant 0 : i32
    %dma_start3A_7 = arith.constant 0 : i32
    %dma_start3A_8 = tpu.memref_slice %arg2[%dma_start3A, %dma_start3A_6, %dma_start3A_7] : memref<2x2500x128xi32, #tpu.memory_space<hbm>> -> memref<1x2500x128xi32, #tpu.memory_space<hbm>>
    %dma_start3A_9 = tpu.memref_squeeze %dma_start3A_8 : memref<1x2500x128xi32, #tpu.memory_space<hbm>> -> memref<2500x128xi32, #tpu.memory_space<hbm>>
    %dma_start3A_10 = arith.constant 0 : i32
    %dma_start3A_11 = tpu.memref_slice %dma_start3A_9[%mul3A_2, %dma_start3A_10] : memref<2500x128xi32, #tpu.memory_space<hbm>> -> memref<78x128xi32, #tpu.memory_space<hbm>>
    %dma_start3A_12 = arith.constant 0 : i32
    %dma_start3A_13 = arith.constant 0 : i32
    %dma_start3A_14 = tpu.memref_slice %arg4[%dma_start3A_12, %dma_start3A_13] : memref<79x128xi32, #tpu.memory_space<vmem>> -> memref<78x128xi32, #tpu.memory_space<vmem>>
    %dma_start3A_15 = arith.constant 0 : i32
    %dma_start3A_16 = arith.constant 0 : i32
    %dma_start3A_17 = tpu.memref_slice %arg2[%dma_start3A, %dma_start3A_15, %dma_start3A_16] : memref<2x2500x128xi32, #tpu.memory_space<hbm>> -> memref<1x2500x128xi32, #tpu.memory_space<hbm>>
    %dma_start3A_18 = tpu.memref_squeeze %dma_start3A_17 : memref<1x2500x128xi32, #tpu.memory_space<hbm>> -> memref<2500x128xi32, #tpu.memory_space<hbm>>
    %dma_start3A_19 = arith.constant 0 : i32
    %dma_start3A_20 = tpu.memref_slice %dma_start3A_18[%mul3A_2, %dma_start3A_19] : memref<2500x128xi32, #tpu.memory_space<hbm>> -> memref<78x128xi32, #tpu.memory_space<hbm>>
    tpu.enqueue_dma source(%dma_start3A_20 : memref<78x128xi32, #tpu.memory_space<hbm>>) target(%dma_start3A_14 : memref<78x128xi32, #tpu.memory_space<vmem>>) target_semaphore(%arg6 : memref<!tpu.dma_semaphore, #tpu.memory_space<semaphore_mem>>)
    %broadcast_in_dim3A = arith.constant 0.000000e+00 : f32
    %broadcast_in_dim3A_21 = vector.broadcast %broadcast_in_dim3A : f32 to vector<16xf32>
    %scan3A = arith.constant 0 : i32
    %scan3A_22 = arith.constant 640 : i32
    %scan3A_23 = arith.addi %scan3A, %scan3A_22 : i32
    %scan3A_24 = arith.constant 1 : i32
    scf.for %scan3A_67 = %scan3A to %scan3A_23 step %scan3A_24  : i32 {
      %mul3A_68 = arith.constant 1 : i32
      %mul3A_69 = arith.muli %scan3A_67, %mul3A_68 : i32
      %add3A_70 = arith.constant 0 : i32
      %add3A_71 = arith.addi %add3A_70, %mul3A_69 : i32
      %mul3A_72 = arith.constant 16 : i32
      %mul3A_73 = arith.muli %add3A_71, %mul3A_72 : i32
      %swap3A = arith.index_cast %mul3A_73 : i32 to index
      %swap3A_74 = tpu.vector_load %arg5[%swap3A] {strides = array<i32>} : memref<10240xf32, #tpu.memory_space<vmem>>, vector<16xf32>,
      tpu.vector_store %arg5[%swap3A], %broadcast_in_dim3A_21 {strides = array<i32>} : memref<10240xf32, #tpu.memory_space<vmem>>, vector<16xf32>,
    }
    %scan3A_25 = arith.constant 640 : i32
    %dma_wait3A = arith.constant 1 : i32
    %dma_wait3A_26 = arith.constant 0 : i32
    %dma_wait3A_27 = arith.constant 0 : i32
    %dma_wait3A_28 = tpu.memref_slice %arg4[%dma_wait3A_26, %dma_wait3A_27] : memref<79x128xi32, #tpu.memory_space<vmem>> -> memref<78x128xi32, #tpu.memory_space<vmem>>
    %dma_wait3A_29 = arith.constant 0 : i32
    %dma_wait3A_30 = arith.constant 0 : i32
    %dma_wait3A_31 = tpu.memref_slice %arg2[%dma_wait3A, %dma_wait3A_29, %dma_wait3A_30] : memref<2x2500x128xi32, #tpu.memory_space<hbm>> -> memref<1x2500x128xi32, #tpu.memory_space<hbm>>
    %dma_wait3A_32 = tpu.memref_squeeze %dma_wait3A_31 : memref<1x2500x128xi32, #tpu.memory_space<hbm>> -> memref<2500x128xi32, #tpu.memory_space<hbm>>
    %dma_wait3A_33 = arith.constant 0 : i32
    %dma_wait3A_34 = tpu.memref_slice %dma_wait3A_32[%mul3A_2, %dma_wait3A_33] : memref<2500x128xi32, #tpu.memory_space<hbm>> -> memref<78x128xi32, #tpu.memory_space<hbm>>
    %dma_wait3A_35 = arith.constant 0 : i32
    %dma_wait3A_36 = arith.constant 0 : i32
    %dma_wait3A_37 = tpu.memref_slice %arg4[%dma_wait3A_35, %dma_wait3A_36] : memref<79x128xi32, #tpu.memory_space<vmem>> -> memref<78x128xi32, #tpu.memory_space<vmem>>
    %dma_wait3A_38 = arith.constant 0 : i32
    %dma_wait3A_39 = arith.constant 0 : i32
    %dma_wait3A_40 = tpu.memref_slice %arg2[%dma_wait3A, %dma_wait3A_38, %dma_wait3A_39] : memref<2x2500x128xi32, #tpu.memory_space<hbm>> -> memref<1x2500x128xi32, #tpu.memory_space<hbm>>
    %dma_wait3A_41 = tpu.memref_squeeze %dma_wait3A_40 : memref<1x2500x128xi32, #tpu.memory_space<hbm>> -> memref<2500x128xi32, #tpu.memory_space<hbm>>
    %dma_wait3A_42 = arith.constant 0 : i32
    %dma_wait3A_43 = tpu.memref_slice %dma_wait3A_41[%mul3A_2, %dma_wait3A_42] : memref<2500x128xi32, #tpu.memory_space<hbm>> -> memref<78x128xi32, #tpu.memory_space<hbm>>
    tpu.wait_dma2 semaphore(%arg6 : memref<!tpu.dma_semaphore, #tpu.memory_space<semaphore_mem>>) src(%dma_wait3A_43 : memref<78x128xi32, #tpu.memory_space<hbm>>) dst(%dma_wait3A_37 : memref<78x128xi32, #tpu.memory_space<vmem>>)
    %lt3A = arith.constant 4 : i32
    %lt3A_44 = arith.cmpi slt, %add3A, %lt3A : i32
    %convert_element_type3A = arith.extui %lt3A_44 : i1 to i32
    %cond3A = arith.constant 0 : i32
    %cond3A_45 = arith.cmpi ne, %convert_element_type3A, %cond3A : i32
    scf.if %cond3A_45 {
      %add3A_67 = arith.constant 2496 : i32
      %add3A_68 = arith.addi %add3A_67, %add3A : i32
      %run_scoped3A = arith.constant 1 : i32
      "tpu.region"() ({
        %run_scoped3A_69 = tpu.sem_alloc : memref<!tpu.dma_semaphore, #tpu.memory_space<semaphore_mem>>
        %dma_start3A_70 = arith.constant 78 : i32
        %dma_start3A_71 = arith.constant 0 : i32
        %dma_start3A_72 = tpu.memref_slice %arg4[%dma_start3A_70, %dma_start3A_71] : memref<79x128xi32, #tpu.memory_space<vmem>> -> memref<1x128xi32, #tpu.memory_space<vmem>>
        %dma_start3A_73 = arith.constant 0 : i32
        %dma_start3A_74 = arith.constant 0 : i32
        %dma_start3A_75 = tpu.memref_slice %arg2[%run_scoped3A, %dma_start3A_73, %dma_start3A_74] : memref<2x2500x128xi32, #tpu.memory_space<hbm>> -> memref<1x2500x128xi32, #tpu.memory_space<hbm>>
        %dma_start3A_76 = tpu.memref_squeeze %dma_start3A_75 : memref<1x2500x128xi32, #tpu.memory_space<hbm>> -> memref<2500x128xi32, #tpu.memory_space<hbm>>
        %dma_start3A_77 = arith.constant 0 : i32
        %dma_start3A_78 = tpu.memref_slice %dma_start3A_76[%add3A_68, %dma_start3A_77] : memref<2500x128xi32, #tpu.memory_space<hbm>> -> memref<1x128xi32, #tpu.memory_space<hbm>>
        %dma_start3A_79 = arith.constant 78 : i32
        %dma_start3A_80 = arith.constant 0 : i32
        %dma_start3A_81 = tpu.memref_slice %arg4[%dma_start3A_79, %dma_start3A_80] : memref<79x128xi32, #tpu.memory_space<vmem>> -> memref<1x128xi32, #tpu.memory_space<vmem>>
        %dma_start3A_82 = arith.constant 0 : i32
        %dma_start3A_83 = arith.constant 0 : i32
        %dma_start3A_84 = tpu.memref_slice %arg2[%run_scoped3A, %dma_start3A_82, %dma_start3A_83] : memref<2x2500x128xi32, #tpu.memory_space<hbm>> -> memref<1x2500x128xi32, #tpu.memory_space<hbm>>
        %dma_start3A_85 = tpu.memref_squeeze %dma_start3A_84 : memref<1x2500x128xi32, #tpu.memory_space<hbm>> -> memref<2500x128xi32, #tpu.memory_space<hbm>>
        %dma_start3A_86 = arith.constant 0 : i32
        %dma_start3A_87 = tpu.memref_slice %dma_start3A_85[%add3A_68, %dma_start3A_86] : memref<2500x128xi32, #tpu.memory_space<hbm>> -> memref<1x128xi32, #tpu.memory_space<hbm>>
        tpu.enqueue_dma source(%dma_start3A_87 : memref<1x128xi32, #tpu.memory_space<hbm>>) target(%dma_start3A_81 : memref<1x128xi32, #tpu.memory_space<vmem>>) target_semaphore(%run_scoped3A_69 : memref<!tpu.dma_semaphore, #tpu.memory_space<semaphore_mem>>)
        %dma_wait3A_88 = arith.constant 78 : i32
        %dma_wait3A_89 = arith.constant 0 : i32
        %dma_wait3A_90 = tpu.memref_slice %arg4[%dma_wait3A_88, %dma_wait3A_89] : memref<79x128xi32, #tpu.memory_space<vmem>> -> memref<1x128xi32, #tpu.memory_space<vmem>>
        %dma_wait3A_91 = arith.constant 0 : i32
        %dma_wait3A_92 = arith.constant 0 : i32
        %dma_wait3A_93 = tpu.memref_slice %arg2[%run_scoped3A, %dma_wait3A_91, %dma_wait3A_92] : memref<2x2500x128xi32, #tpu.memory_space<hbm>> -> memref<1x2500x128xi32, #tpu.memory_space<hbm>>
        %dma_wait3A_94 = tpu.memref_squeeze %dma_wait3A_93 : memref<1x2500x128xi32, #tpu.memory_space<hbm>> -> memref<2500x128xi32, #tpu.memory_space<hbm>>
        %dma_wait3A_95 = arith.constant 0 : i32
        %dma_wait3A_96 = tpu.memref_slice %dma_wait3A_94[%add3A_68, %dma_wait3A_95] : memref<2500x128xi32, #tpu.memory_space<hbm>> -> memref<1x128xi32, #tpu.memory_space<hbm>>
        %dma_wait3A_97 = arith.constant 78 : i32
        %dma_wait3A_98 = arith.constant 0 : i32
        %dma_wait3A_99 = tpu.memref_slice %arg4[%dma_wait3A_97, %dma_wait3A_98] : memref<79x128xi32, #tpu.memory_space<vmem>> -> memref<1x128xi32, #tpu.memory_space<vmem>>
        %dma_wait3A_100 = arith.constant 0 : i32
        %dma_wait3A_101 = arith.constant 0 : i32
        %dma_wait3A_102 = tpu.memref_slice %arg2[%run_scoped3A, %dma_wait3A_100, %dma_wait3A_101] : memref<2x2500x128xi32, #tpu.memory_space<hbm>> -> memref<1x2500x128xi32, #tpu.memory_space<hbm>>
        %dma_wait3A_103 = tpu.memref_squeeze %dma_wait3A_102 : memref<1x2500x128xi32, #tpu.memory_space<hbm>> -> memref<2500x128xi32, #tpu.memory_space<hbm>>
        %dma_wait3A_104 = arith.constant 0 : i32
        %dma_wait3A_105 = tpu.memref_slice %dma_wait3A_103[%add3A_68, %dma_wait3A_104] : memref<2500x128xi32, #tpu.memory_space<hbm>> -> memref<1x128xi32, #tpu.memory_space<hbm>>
        tpu.wait_dma2 semaphore(%run_scoped3A_69 : memref<!tpu.dma_semaphore, #tpu.memory_space<semaphore_mem>>) src(%dma_wait3A_105 : memref<1x128xi32, #tpu.memory_space<hbm>>) dst(%dma_wait3A_99 : memref<1x128xi32, #tpu.memory_space<vmem>>)
        tpu.yield
      }) : () -> ()
    } else {
    }
    %broadcast_in_dim3A_46 = arith.constant 1.000000e+00 : f32
    %broadcast_in_dim3A_47 = vector.broadcast %broadcast_in_dim3A_46 : f32 to vector<16xf32>
    %lt3A_48 = arith.constant 4 : i32
    %lt3A_49 = arith.cmpi slt, %add3A, %lt3A_48 : i32
    %jit3A = arith.constant 79 : i32
    %jit3A_50 = arith.constant 78 : i32
    %select_n3A = arith.select %lt3A_49, %jit3A, %jit3A_50 : i32
    %sub3A = arith.constant 0 : i32
    %sub3A_51 = arith.subi %select_n3A, %sub3A : i32
    %sub3A_52 = arith.constant 1 : i32
    %sub3A_53 = arith.constant 1 : i32
    %sub3A_54 = arith.subi %sub3A_52, %sub3A_53 : i32
    %add3A_55 = arith.addi %sub3A_51, %sub3A_54 : i32
    %div3A = arith.constant 1 : i32
    %div3A_56 = arith.divsi %add3A_55, %div3A : i32
    %while3A = arith.constant 1 : i32
    %while3A_57 = arith.constant 0 : i32
    %while3A_58 = arith.constant 0 : i32
    %while3A_59 = arith.subi %div3A_56, %while3A_58 : i32
    %while3A_60 = arith.addi %while3A_58, %while3A_59 : i32
    %while3A_61 = arith.constant 1 : i32
    %while3A_62 = arith.divsi %while3A_59, %while3A_61 : i32
    %while3A_63 = arith.muli %while3A_62, %while3A_61 : i32
    %while3A_64 = arith.addi %while3A_58, %while3A_63 : i32
    %while3A_65 = arith.constant 1 : i32
    scf.for %while3A_67 = %while3A_58 to %while3A_64 step %while3A_65  : i32 {
      %mul3A_68 = arith.muli %while3A_67, %while3A : i32
      %add3A_69 = arith.addi %while3A_57, %mul3A_68 : i32
      %get3A = arith.constant 0 : i32
      %get3A_70 = tpu.memref_slice %arg4[%add3A_69, %get3A] : memref<79x128xi32, #tpu.memory_space<vmem>> -> memref<1x128xi32, #tpu.memory_space<vmem>>
      %get3A_71 = tpu.memref_squeeze %get3A_70 : memref<1x128xi32, #tpu.memory_space<vmem>> -> memref<128xi32, #tpu.memory_space<vmem>>
      %get3A_72 = arith.constant 0 : index
      %get3A_73 = tpu.vector_load %get3A_71[%get3A_72] {strides = array<i32>} : memref<128xi32, #tpu.memory_space<vmem>>, vector<16xi32>,
      tpu.vector_store_idx %arg5[%get3A_73], %broadcast_in_dim3A_47 {add = true} : memref<10240xf32, #tpu.memory_space<vmem>>[vector<16xi32>], vector<16xf32>,
      %get3A_74 = arith.constant 0 : i32
      %get3A_75 = tpu.memref_slice %arg4[%add3A_69, %get3A_74] : memref<79x128xi32, #tpu.memory_space<vmem>> -> memref<1x128xi32, #tpu.memory_space<vmem>>
      %get3A_76 = tpu.memref_squeeze %get3A_75 : memref<1x128xi32, #tpu.memory_space<vmem>> -> memref<128xi32, #tpu.memory_space<vmem>>
      %get3A_77 = arith.constant 16 : index
      %get3A_78 = tpu.vector_load %get3A_76[%get3A_77] {strides = array<i32>} : memref<128xi32, #tpu.memory_space<vmem>>, vector<16xi32>,
      tpu.vector_store_idx %arg5[%get3A_78], %broadcast_in_dim3A_47 {add = true} : memref<10240xf32, #tpu.memory_space<vmem>>[vector<16xi32>], vector<16xf32>,
      %get3A_79 = arith.constant 0 : i32
      %get3A_80 = tpu.memref_slice %arg4[%add3A_69, %get3A_79] : memref<79x128xi32, #tpu.memory_space<vmem>> -> memref<1x128xi32, #tpu.memory_space<vmem>>
      %get3A_81 = tpu.memref_squeeze %get3A_80 : memref<1x128xi32, #tpu.memory_space<vmem>> -> memref<128xi32, #tpu.memory_space<vmem>>
      %get3A_82 = arith.constant 32 : index
      %get3A_83 = tpu.vector_load %get3A_81[%get3A_82] {strides = array<i32>} : memref<128xi32, #tpu.memory_space<vmem>>, vector<16xi32>,
      tpu.vector_store_idx %arg5[%get3A_83], %broadcast_in_dim3A_47 {add = true} : memref<10240xf32, #tpu.memory_space<vmem>>[vector<16xi32>], vector<16xf32>,
      %get3A_84 = arith.constant 0 : i32
      %get3A_85 = tpu.memref_slice %arg4[%add3A_69, %get3A_84] : memref<79x128xi32, #tpu.memory_space<vmem>> -> memref<1x128xi32, #tpu.memory_space<vmem>>
      %get3A_86 = tpu.memref_squeeze %get3A_85 : memref<1x128xi32, #tpu.memory_space<vmem>> -> memref<128xi32, #tpu.memory_space<vmem>>
      %get3A_87 = arith.constant 48 : index
      %get3A_88 = tpu.vector_load %get3A_86[%get3A_87] {strides = array<i32>} : memref<128xi32, #tpu.memory_space<vmem>>, vector<16xi32>,
      tpu.vector_store_idx %arg5[%get3A_88], %broadcast_in_dim3A_47 {add = true} : memref<10240xf32, #tpu.memory_space<vmem>>[vector<16xi32>], vector<16xf32>,
      %get3A_89 = arith.constant 0 : i32
      %get3A_90 = tpu.memref_slice %arg4[%add3A_69, %get3A_89] : memref<79x128xi32, #tpu.memory_space<vmem>> -> memref<1x128xi32, #tpu.memory_space<vmem>>
      %get3A_91 = tpu.memref_squeeze %get3A_90 : memref<1x128xi32, #tpu.memory_space<vmem>> -> memref<128xi32, #tpu.memory_space<vmem>>
      %get3A_92 = arith.constant 64 : index
      %get3A_93 = tpu.vector_load %get3A_91[%get3A_92] {strides = array<i32>} : memref<128xi32, #tpu.memory_space<vmem>>, vector<16xi32>,
      tpu.vector_store_idx %arg5[%get3A_93], %broadcast_in_dim3A_47 {add = true} : memref<10240xf32, #tpu.memory_space<vmem>>[vector<16xi32>], vector<16xf32>,
      %get3A_94 = arith.constant 0 : i32
      %get3A_95 = tpu.memref_slice %arg4[%add3A_69, %get3A_94] : memref<79x128xi32, #tpu.memory_space<vmem>> -> memref<1x128xi32, #tpu.memory_space<vmem>>
      %get3A_96 = tpu.memref_squeeze %get3A_95 : memref<1x128xi32, #tpu.memory_space<vmem>> -> memref<128xi32, #tpu.memory_space<vmem>>
      %get3A_97 = arith.constant 80 : index
      %get3A_98 = tpu.vector_load %get3A_96[%get3A_97] {strides = array<i32>} : memref<128xi32, #tpu.memory_space<vmem>>, vector<16xi32>,
      tpu.vector_store_idx %arg5[%get3A_98], %broadcast_in_dim3A_47 {add = true} : memref<10240xf32, #tpu.memory_space<vmem>>[vector<16xi32>], vector<16xf32>,
      %get3A_99 = arith.constant 0 : i32
      %get3A_100 = tpu.memref_slice %arg4[%add3A_69, %get3A_99] : memref<79x128xi32, #tpu.memory_space<vmem>> -> memref<1x128xi32, #tpu.memory_space<vmem>>
      %get3A_101 = tpu.memref_squeeze %get3A_100 : memref<1x128xi32, #tpu.memory_space<vmem>> -> memref<128xi32, #tpu.memory_space<vmem>>
      %get3A_102 = arith.constant 96 : index
      %get3A_103 = tpu.vector_load %get3A_101[%get3A_102] {strides = array<i32>} : memref<128xi32, #tpu.memory_space<vmem>>, vector<16xi32>,
      tpu.vector_store_idx %arg5[%get3A_103], %broadcast_in_dim3A_47 {add = true} : memref<10240xf32, #tpu.memory_space<vmem>>[vector<16xi32>], vector<16xf32>,
      %get3A_104 = arith.constant 0 : i32
      %get3A_105 = tpu.memref_slice %arg4[%add3A_69, %get3A_104] : memref<79x128xi32, #tpu.memory_space<vmem>> -> memref<1x128xi32, #tpu.memory_space<vmem>>
      %get3A_106 = tpu.memref_squeeze %get3A_105 : memref<1x128xi32, #tpu.memory_space<vmem>> -> memref<128xi32, #tpu.memory_space<vmem>>
      %get3A_107 = arith.constant 112 : index
      %get3A_108 = tpu.vector_load %get3A_106[%get3A_107] {strides = array<i32>} : memref<128xi32, #tpu.memory_space<vmem>>, vector<16xi32>,
      tpu.vector_store_idx %arg5[%get3A_108], %broadcast_in_dim3A_47 {add = true} : memref<10240xf32, #tpu.memory_space<vmem>>[vector<16xi32>], vector<16xf32>,
    }
    %while3A_66 = arith.constant 1 : i32
    scf.for %while3A_67 = %while3A_64 to %while3A_60 step %while3A_66  : i32 {
      %mul3A_68 = arith.muli %while3A_67, %while3A : i32
      %add3A_69 = arith.addi %while3A_57, %mul3A_68 : i32
      %get3A = arith.constant 0 : i32
      %get3A_70 = tpu.memref_slice %arg4[%add3A_69, %get3A] : memref<79x128xi32, #tpu.memory_space<vmem>> -> memref<1x128xi32, #tpu.memory_space<vmem>>
      %get3A_71 = tpu.memref_squeeze %get3A_70 : memref<1x128xi32, #tpu.memory_space<vmem>> -> memref<128xi32, #tpu.memory_space<vmem>>
      %get3A_72 = arith.constant 0 : index
      %get3A_73 = tpu.vector_load %get3A_71[%get3A_72] {strides = array<i32>} : memref<128xi32, #tpu.memory_space<vmem>>, vector<16xi32>,
      tpu.vector_store_idx %arg5[%get3A_73], %broadcast_in_dim3A_47 {add = true} : memref<10240xf32, #tpu.memory_space<vmem>>[vector<16xi32>], vector<16xf32>,
      %get3A_74 = arith.constant 0 : i32
      %get3A_75 = tpu.memref_slice %arg4[%add3A_69, %get3A_74] : memref<79x128xi32, #tpu.memory_space<vmem>> -> memref<1x128xi32, #tpu.memory_space<vmem>>
      %get3A_76 = tpu.memref_squeeze %get3A_75 : memref<1x128xi32, #tpu.memory_space<vmem>> -> memref<128xi32, #tpu.memory_space<vmem>>
      %get3A_77 = arith.constant 16 : index
      %get3A_78 = tpu.vector_load %get3A_76[%get3A_77] {strides = array<i32>} : memref<128xi32, #tpu.memory_space<vmem>>, vector<16xi32>,
      tpu.vector_store_idx %arg5[%get3A_78], %broadcast_in_dim3A_47 {add = true} : memref<10240xf32, #tpu.memory_space<vmem>>[vector<16xi32>], vector<16xf32>,
      %get3A_79 = arith.constant 0 : i32
      %get3A_80 = tpu.memref_slice %arg4[%add3A_69, %get3A_79] : memref<79x128xi32, #tpu.memory_space<vmem>> -> memref<1x128xi32, #tpu.memory_space<vmem>>
      %get3A_81 = tpu.memref_squeeze %get3A_80 : memref<1x128xi32, #tpu.memory_space<vmem>> -> memref<128xi32, #tpu.memory_space<vmem>>
      %get3A_82 = arith.constant 32 : index
      %get3A_83 = tpu.vector_load %get3A_81[%get3A_82] {strides = array<i32>} : memref<128xi32, #tpu.memory_space<vmem>>, vector<16xi32>,
      tpu.vector_store_idx %arg5[%get3A_83], %broadcast_in_dim3A_47 {add = true} : memref<10240xf32, #tpu.memory_space<vmem>>[vector<16xi32>], vector<16xf32>,
      %get3A_84 = arith.constant 0 : i32
      %get3A_85 = tpu.memref_slice %arg4[%add3A_69, %get3A_84] : memref<79x128xi32, #tpu.memory_space<vmem>> -> memref<1x128xi32, #tpu.memory_space<vmem>>
      %get3A_86 = tpu.memref_squeeze %get3A_85 : memref<1x128xi32, #tpu.memory_space<vmem>> -> memref<128xi32, #tpu.memory_space<vmem>>
      %get3A_87 = arith.constant 48 : index
      %get3A_88 = tpu.vector_load %get3A_86[%get3A_87] {strides = array<i32>} : memref<128xi32, #tpu.memory_space<vmem>>, vector<16xi32>,
      tpu.vector_store_idx %arg5[%get3A_88], %broadcast_in_dim3A_47 {add = true} : memref<10240xf32, #tpu.memory_space<vmem>>[vector<16xi32>], vector<16xf32>,
      %get3A_89 = arith.constant 0 : i32
      %get3A_90 = tpu.memref_slice %arg4[%add3A_69, %get3A_89] : memref<79x128xi32, #tpu.memory_space<vmem>> -> memref<1x128xi32, #tpu.memory_space<vmem>>
      %get3A_91 = tpu.memref_squeeze %get3A_90 : memref<1x128xi32, #tpu.memory_space<vmem>> -> memref<128xi32, #tpu.memory_space<vmem>>
      %get3A_92 = arith.constant 64 : index
      %get3A_93 = tpu.vector_load %get3A_91[%get3A_92] {strides = array<i32>} : memref<128xi32, #tpu.memory_space<vmem>>, vector<16xi32>,
      tpu.vector_store_idx %arg5[%get3A_93], %broadcast_in_dim3A_47 {add = true} : memref<10240xf32, #tpu.memory_space<vmem>>[vector<16xi32>], vector<16xf32>,
      %get3A_94 = arith.constant 0 : i32
      %get3A_95 = tpu.memref_slice %arg4[%add3A_69, %get3A_94] : memref<79x128xi32, #tpu.memory_space<vmem>> -> memref<1x128xi32, #tpu.memory_space<vmem>>
      %get3A_96 = tpu.memref_squeeze %get3A_95 : memref<1x128xi32, #tpu.memory_space<vmem>> -> memref<128xi32, #tpu.memory_space<vmem>>
      %get3A_97 = arith.constant 80 : index
      %get3A_98 = tpu.vector_load %get3A_96[%get3A_97] {strides = array<i32>} : memref<128xi32, #tpu.memory_space<vmem>>, vector<16xi32>,
      tpu.vector_store_idx %arg5[%get3A_98], %broadcast_in_dim3A_47 {add = true} : memref<10240xf32, #tpu.memory_space<vmem>>[vector<16xi32>], vector<16xf32>,
      %get3A_99 = arith.constant 0 : i32
      %get3A_100 = tpu.memref_slice %arg4[%add3A_69, %get3A_99] : memref<79x128xi32, #tpu.memory_space<vmem>> -> memref<1x128xi32, #tpu.memory_space<vmem>>
      %get3A_101 = tpu.memref_squeeze %get3A_100 : memref<1x128xi32, #tpu.memory_space<vmem>> -> memref<128xi32, #tpu.memory_space<vmem>>
      %get3A_102 = arith.constant 96 : index
      %get3A_103 = tpu.vector_load %get3A_101[%get3A_102] {strides = array<i32>} : memref<128xi32, #tpu.memory_space<vmem>>, vector<16xi32>,
      tpu.vector_store_idx %arg5[%get3A_103], %broadcast_in_dim3A_47 {add = true} : memref<10240xf32, #tpu.memory_space<vmem>>[vector<16xi32>], vector<16xf32>,
      %get3A_104 = arith.constant 0 : i32
      %get3A_105 = tpu.memref_slice %arg4[%add3A_69, %get3A_104] : memref<79x128xi32, #tpu.memory_space<vmem>> -> memref<1x128xi32, #tpu.memory_space<vmem>>
      %get3A_106 = tpu.memref_squeeze %get3A_105 : memref<1x128xi32, #tpu.memory_space<vmem>> -> memref<128xi32, #tpu.memory_space<vmem>>
      %get3A_107 = arith.constant 112 : index
      %get3A_108 = tpu.vector_load %get3A_106[%get3A_107] {strides = array<i32>} : memref<128xi32, #tpu.memory_space<vmem>>, vector<16xi32>,
      tpu.vector_store_idx %arg5[%get3A_108], %broadcast_in_dim3A_47 {add = true} : memref<10240xf32, #tpu.memory_space<vmem>>[vector<16xi32>], vector<16xf32>,
    }
    "tpu.region"() ({
      %run_scoped3A = tpu.sem_alloc : memref<!tpu.dma_semaphore, #tpu.memory_space<semaphore_mem>>
      %dma_start3A_67 = arith.constant 0 : i32
      %dma_start3A_68 = tpu.memref_slice %arg3[%add3A, %dma_start3A_67] : memref<32x10240xf32, #tpu.memory_space<hbm>> -> memref<1x10240xf32, #tpu.memory_space<hbm>>
      %dma_start3A_69 = tpu.memref_squeeze %dma_start3A_68 : memref<1x10240xf32, #tpu.memory_space<hbm>> -> memref<10240xf32, #tpu.memory_space<hbm>>
      %dma_start3A_70 = arith.constant 0 : i32
      %dma_start3A_71 = tpu.memref_slice %arg3[%add3A, %dma_start3A_70] : memref<32x10240xf32, #tpu.memory_space<hbm>> -> memref<1x10240xf32, #tpu.memory_space<hbm>>
      %dma_start3A_72 = tpu.memref_squeeze %dma_start3A_71 : memref<1x10240xf32, #tpu.memory_space<hbm>> -> memref<10240xf32, #tpu.memory_space<hbm>>
      tpu.enqueue_dma source(%arg5 : memref<10240xf32, #tpu.memory_space<vmem>>) target(%dma_start3A_72 : memref<10240xf32, #tpu.memory_space<hbm>>) target_semaphore(%run_scoped3A : memref<!tpu.dma_semaphore, #tpu.memory_space<semaphore_mem>>)
      %dma_wait3A_73 = arith.constant 0 : i32
      %dma_wait3A_74 = tpu.memref_slice %arg3[%add3A, %dma_wait3A_73] : memref<32x10240xf32, #tpu.memory_space<hbm>> -> memref<1x10240xf32, #tpu.memory_space<hbm>>
      %dma_wait3A_75 = tpu.memref_squeeze %dma_wait3A_74 : memref<1x10240xf32, #tpu.memory_space<hbm>> -> memref<10240xf32, #tpu.memory_space<hbm>>
      %dma_wait3A_76 = arith.constant 0 : i32
      %dma_wait3A_77 = tpu.memref_slice %arg3[%add3A, %dma_wait3A_76] : memref<32x10240xf32, #tpu.memory_space<hbm>> -> memref<1x10240xf32, #tpu.memory_space<hbm>>
      %dma_wait3A_78 = tpu.memref_squeeze %dma_wait3A_77 : memref<1x10240xf32, #tpu.memory_space<hbm>> -> memref<10240xf32, #tpu.memory_space<hbm>>
      tpu.wait_dma2 semaphore(%run_scoped3A : memref<!tpu.dma_semaphore, #tpu.memory_space<semaphore_mem>>) src(%arg5 : memref<10240xf32, #tpu.memory_space<vmem>>) dst(%dma_wait3A_78 : memref<10240xf32, #tpu.memory_space<hbm>>)
      tpu.yield
    }) : () -> ()
    return
  }
}

#map = affine_map<(d0, d1) -> (0, 0)>
#map1 = affine_map<(d0, d1) -> (0, 0, 0)>
module attributes {stable_mosaic.version = 14 : i64} {
  func.func @edge_kernel(%arg0: i32, %arg1: i32, %arg2: memref<10000x64xf32, #tpu.memory_space<hbm>>, %arg3: memref<2x2500x128xi32, #tpu.memory_space<hbm>>, %arg4: memref<2x10112x64xf32, #tpu.memory_space<hbm>>, %arg5: memref<79x128xi32, #tpu.memory_space<vmem>>, %arg6: memref<79x128xi32, #tpu.memory_space<vmem>>, %arg7: memref<3x128x64xf32, #tpu.memory_space<vmem>>, %arg8: memref<632x64xf32, #tpu.memory_space<vmem>>, %arg9: memref<10112x64xf32, #tpu.memory_space<vmem_shared>>, %arg10: memref<!tpu.dma_semaphore, #tpu.memory_space<semaphore_mem>>, %arg11: memref<!tpu.dma_semaphore, #tpu.memory_space<semaphore_mem>>, %arg12: memref<!tpu.dma_semaphore, #tpu.memory_space<semaphore_mem>>) attributes {dimension_semantics = [#tpu.dimension_semantics<core_parallel>, #tpu.dimension_semantics<subcore_parallel>], iteration_bounds = array<i64: 2, 16>, scalar_prefetch = 0 : i64, scratch_operands = 8 : i64, tpu.core_type = #tpu.core_type<sc_vector_subcore>, window_params = [{transform_indices = #map}, {transform_indices = #map1}, {transform_indices = #map1}]} {
    %mul3A = arith.constant 16 : i32
    %mul3A_0 = arith.muli %arg0, %mul3A : i32
    %add3A = arith.addi %mul3A_0, %arg1 : i32
    %mul3A_1 = arith.constant 78 : i32
    %mul3A_2 = arith.muli %add3A, %mul3A_1 : i32
    %dma_start3A = arith.constant 0 : i32
    %dma_start3A_3 = arith.constant 0 : i32
    %dma_start3A_4 = arith.constant 0 : i32
    %dma_start3A_5 = tpu.memref_slice %arg5[%dma_start3A_3, %dma_start3A_4] : memref<79x128xi32, #tpu.memory_space<vmem>> -> memref<78x128xi32, #tpu.memory_space<vmem>>
    %dma_start3A_6 = arith.constant 0 : i32
    %dma_start3A_7 = arith.constant 0 : i32
    %dma_start3A_8 = tpu.memref_slice %arg3[%dma_start3A, %dma_start3A_6, %dma_start3A_7] : memref<2x2500x128xi32, #tpu.memory_space<hbm>> -> memref<1x2500x128xi32, #tpu.memory_space<hbm>>
    %dma_start3A_9 = tpu.memref_squeeze %dma_start3A_8 : memref<1x2500x128xi32, #tpu.memory_space<hbm>> -> memref<2500x128xi32, #tpu.memory_space<hbm>>
    %dma_start3A_10 = arith.constant 0 : i32
    %dma_start3A_11 = tpu.memref_slice %dma_start3A_9[%mul3A_2, %dma_start3A_10] : memref<2500x128xi32, #tpu.memory_space<hbm>> -> memref<78x128xi32, #tpu.memory_space<hbm>>
    %dma_start3A_12 = arith.constant 0 : i32
    %dma_start3A_13 = arith.constant 0 : i32
    %dma_start3A_14 = tpu.memref_slice %arg5[%dma_start3A_12, %dma_start3A_13] : memref<79x128xi32, #tpu.memory_space<vmem>> -> memref<78x128xi32, #tpu.memory_space<vmem>>
    %dma_start3A_15 = arith.constant 0 : i32
    %dma_start3A_16 = arith.constant 0 : i32
    %dma_start3A_17 = tpu.memref_slice %arg3[%dma_start3A, %dma_start3A_15, %dma_start3A_16] : memref<2x2500x128xi32, #tpu.memory_space<hbm>> -> memref<1x2500x128xi32, #tpu.memory_space<hbm>>
    %dma_start3A_18 = tpu.memref_squeeze %dma_start3A_17 : memref<1x2500x128xi32, #tpu.memory_space<hbm>> -> memref<2500x128xi32, #tpu.memory_space<hbm>>
    %dma_start3A_19 = arith.constant 0 : i32
    %dma_start3A_20 = tpu.memref_slice %dma_start3A_18[%mul3A_2, %dma_start3A_19] : memref<2500x128xi32, #tpu.memory_space<hbm>> -> memref<78x128xi32, #tpu.memory_space<hbm>>
    tpu.enqueue_dma source(%dma_start3A_20 : memref<78x128xi32, #tpu.memory_space<hbm>>) target(%dma_start3A_14 : memref<78x128xi32, #tpu.memory_space<vmem>>) target_semaphore(%arg10 : memref<!tpu.dma_semaphore, #tpu.memory_space<semaphore_mem>>)
    %mul3A_21 = arith.constant 78 : i32
    %mul3A_22 = arith.muli %add3A, %mul3A_21 : i32
    %dma_start3A_23 = arith.constant 1 : i32
    %dma_start3A_24 = arith.constant 0 : i32
    %dma_start3A_25 = arith.constant 0 : i32
    %dma_start3A_26 = tpu.memref_slice %arg6[%dma_start3A_24, %dma_start3A_25] : memref<79x128xi32, #tpu.memory_space<vmem>> -> memref<78x128xi32, #tpu.memory_space<vmem>>
    %dma_start3A_27 = arith.constant 0 : i32
    %dma_start3A_28 = arith.constant 0 : i32
    %dma_start3A_29 = tpu.memref_slice %arg3[%dma_start3A_23, %dma_start3A_27, %dma_start3A_28] : memref<2x2500x128xi32, #tpu.memory_space<hbm>> -> memref<1x2500x128xi32, #tpu.memory_space<hbm>>
    %dma_start3A_30 = tpu.memref_squeeze %dma_start3A_29 : memref<1x2500x128xi32, #tpu.memory_space<hbm>> -> memref<2500x128xi32, #tpu.memory_space<hbm>>
    %dma_start3A_31 = arith.constant 0 : i32
    %dma_start3A_32 = tpu.memref_slice %dma_start3A_30[%mul3A_22, %dma_start3A_31] : memref<2500x128xi32, #tpu.memory_space<hbm>> -> memref<78x128xi32, #tpu.memory_space<hbm>>
    %dma_start3A_33 = arith.constant 0 : i32
    %dma_start3A_34 = arith.constant 0 : i32
    %dma_start3A_35 = tpu.memref_slice %arg6[%dma_start3A_33, %dma_start3A_34] : memref<79x128xi32, #tpu.memory_space<vmem>> -> memref<78x128xi32, #tpu.memory_space<vmem>>
    %dma_start3A_36 = arith.constant 0 : i32
    %dma_start3A_37 = arith.constant 0 : i32
    %dma_start3A_38 = tpu.memref_slice %arg3[%dma_start3A_23, %dma_start3A_36, %dma_start3A_37] : memref<2x2500x128xi32, #tpu.memory_space<hbm>> -> memref<1x2500x128xi32, #tpu.memory_space<hbm>>
    %dma_start3A_39 = tpu.memref_squeeze %dma_start3A_38 : memref<1x2500x128xi32, #tpu.memory_space<hbm>> -> memref<2500x128xi32, #tpu.memory_space<hbm>>
    %dma_start3A_40 = arith.constant 0 : i32
    %dma_start3A_41 = tpu.memref_slice %dma_start3A_39[%mul3A_22, %dma_start3A_40] : memref<2500x128xi32, #tpu.memory_space<hbm>> -> memref<78x128xi32, #tpu.memory_space<hbm>>
    tpu.enqueue_dma source(%dma_start3A_41 : memref<78x128xi32, #tpu.memory_space<hbm>>) target(%dma_start3A_35 : memref<78x128xi32, #tpu.memory_space<vmem>>) target_semaphore(%arg11 : memref<!tpu.dma_semaphore, #tpu.memory_space<semaphore_mem>>)
    %broadcast_in_dim3A = arith.constant 0.000000e+00 : f32
    %broadcast_in_dim3A_42 = vector.broadcast %broadcast_in_dim3A : f32 to vector<16xf32>
    %scan3A = arith.constant 0 : i32
    %scan3A_43 = arith.constant 632 : i32
    %scan3A_44 = arith.addi %scan3A, %scan3A_43 : i32
    %scan3A_45 = arith.constant 1 : i32
    scf.for %scan3A_139 = %scan3A to %scan3A_44 step %scan3A_45  : i32 {
      %mul3A_140 = arith.constant 1 : i32
      %mul3A_141 = arith.muli %scan3A_139, %mul3A_140 : i32
      %add3A_142 = arith.constant 0 : i32
      %add3A_143 = arith.addi %add3A_142, %mul3A_141 : i32
      %swap3A = arith.constant 0 : i32
      %swap3A_144 = tpu.memref_slice %arg8[%add3A_143, %swap3A] : memref<632x64xf32, #tpu.memory_space<vmem>> -> memref<1x64xf32, #tpu.memory_space<vmem>>
      %swap3A_145 = tpu.memref_squeeze %swap3A_144 : memref<1x64xf32, #tpu.memory_space<vmem>> -> memref<64xf32, #tpu.memory_space<vmem>>
      %swap3A_146 = arith.constant 0 : index
      %swap3A_147 = tpu.vector_load %swap3A_145[%swap3A_146] {strides = array<i32>} : memref<64xf32, #tpu.memory_space<vmem>>, vector<16xf32>,
      tpu.vector_store %swap3A_145[%swap3A_146], %broadcast_in_dim3A_42 {strides = array<i32>} : memref<64xf32, #tpu.memory_space<vmem>>, vector<16xf32>,
      %swap3A_148 = arith.constant 0 : i32
      %swap3A_149 = tpu.memref_slice %arg8[%add3A_143, %swap3A_148] : memref<632x64xf32, #tpu.memory_space<vmem>> -> memref<1x64xf32, #tpu.memory_space<vmem>>
      %swap3A_150 = tpu.memref_squeeze %swap3A_149 : memref<1x64xf32, #tpu.memory_space<vmem>> -> memref<64xf32, #tpu.memory_space<vmem>>
      %swap3A_151 = arith.constant 16 : index
      %swap3A_152 = tpu.vector_load %swap3A_150[%swap3A_151] {strides = array<i32>} : memref<64xf32, #tpu.memory_space<vmem>>, vector<16xf32>,
      tpu.vector_store %swap3A_150[%swap3A_151], %broadcast_in_dim3A_42 {strides = array<i32>} : memref<64xf32, #tpu.memory_space<vmem>>, vector<16xf32>,
      %swap3A_153 = arith.constant 0 : i32
      %swap3A_154 = tpu.memref_slice %arg8[%add3A_143, %swap3A_153] : memref<632x64xf32, #tpu.memory_space<vmem>> -> memref<1x64xf32, #tpu.memory_space<vmem>>
      %swap3A_155 = tpu.memref_squeeze %swap3A_154 : memref<1x64xf32, #tpu.memory_space<vmem>> -> memref<64xf32, #tpu.memory_space<vmem>>
      %swap3A_156 = arith.constant 32 : index
      %swap3A_157 = tpu.vector_load %swap3A_155[%swap3A_156] {strides = array<i32>} : memref<64xf32, #tpu.memory_space<vmem>>, vector<16xf32>,
      tpu.vector_store %swap3A_155[%swap3A_156], %broadcast_in_dim3A_42 {strides = array<i32>} : memref<64xf32, #tpu.memory_space<vmem>>, vector<16xf32>,
      %swap3A_158 = arith.constant 0 : i32
      %swap3A_159 = tpu.memref_slice %arg8[%add3A_143, %swap3A_158] : memref<632x64xf32, #tpu.memory_space<vmem>> -> memref<1x64xf32, #tpu.memory_space<vmem>>
      %swap3A_160 = tpu.memref_squeeze %swap3A_159 : memref<1x64xf32, #tpu.memory_space<vmem>> -> memref<64xf32, #tpu.memory_space<vmem>>
      %swap3A_161 = arith.constant 48 : index
      %swap3A_162 = tpu.vector_load %swap3A_160[%swap3A_161] {strides = array<i32>} : memref<64xf32, #tpu.memory_space<vmem>>, vector<16xf32>,
      tpu.vector_store %swap3A_160[%swap3A_161], %broadcast_in_dim3A_42 {strides = array<i32>} : memref<64xf32, #tpu.memory_space<vmem>>, vector<16xf32>,
    }
    %scan3A_46 = arith.constant 632 : i32
    %mul3A_47 = arith.constant 632 : i32
    %mul3A_48 = arith.muli %arg1, %mul3A_47 : i32
    "tpu.region"() ({
      %run_scoped3A = tpu.sem_alloc : memref<!tpu.dma_semaphore, #tpu.memory_space<semaphore_mem>>
      %dma_start3A_139 = arith.constant 0 : i32
      %dma_start3A_140 = tpu.memref_slice %arg9[%mul3A_48, %dma_start3A_139] : memref<10112x64xf32, #tpu.memory_space<vmem_shared>> -> memref<632x64xf32, #tpu.memory_space<vmem_shared>>
      %dma_start3A_141 = arith.constant 0 : i32
      %dma_start3A_142 = tpu.memref_slice %arg9[%mul3A_48, %dma_start3A_141] : memref<10112x64xf32, #tpu.memory_space<vmem_shared>> -> memref<632x64xf32, #tpu.memory_space<vmem_shared>>
      tpu.enqueue_dma source(%arg8 : memref<632x64xf32, #tpu.memory_space<vmem>>) target(%dma_start3A_142 : memref<632x64xf32, #tpu.memory_space<vmem_shared>>) target_semaphore(%run_scoped3A : memref<!tpu.dma_semaphore, #tpu.memory_space<semaphore_mem>>)
      %dma_wait3A_143 = arith.constant 0 : i32
      %dma_wait3A_144 = tpu.memref_slice %arg9[%mul3A_48, %dma_wait3A_143] : memref<10112x64xf32, #tpu.memory_space<vmem_shared>> -> memref<632x64xf32, #tpu.memory_space<vmem_shared>>
      %dma_wait3A_145 = arith.constant 0 : i32
      %dma_wait3A_146 = tpu.memref_slice %arg9[%mul3A_48, %dma_wait3A_145] : memref<10112x64xf32, #tpu.memory_space<vmem_shared>> -> memref<632x64xf32, #tpu.memory_space<vmem_shared>>
      tpu.wait_dma2 semaphore(%run_scoped3A : memref<!tpu.dma_semaphore, #tpu.memory_space<semaphore_mem>>) src(%arg8 : memref<632x64xf32, #tpu.memory_space<vmem>>) dst(%dma_wait3A_146 : memref<632x64xf32, #tpu.memory_space<vmem_shared>>)
      tpu.yield
    }) : () -> ()
    %dma_wait3A = arith.constant 0 : i32
    %dma_wait3A_49 = arith.constant 0 : i32
    %dma_wait3A_50 = arith.constant 0 : i32
    %dma_wait3A_51 = tpu.memref_slice %arg5[%dma_wait3A_49, %dma_wait3A_50] : memref<79x128xi32, #tpu.memory_space<vmem>> -> memref<78x128xi32, #tpu.memory_space<vmem>>
    %dma_wait3A_52 = arith.constant 0 : i32
    %dma_wait3A_53 = arith.constant 0 : i32
    %dma_wait3A_54 = tpu.memref_slice %arg3[%dma_wait3A, %dma_wait3A_52, %dma_wait3A_53] : memref<2x2500x128xi32, #tpu.memory_space<hbm>> -> memref<1x2500x128xi32, #tpu.memory_space<hbm>>
    %dma_wait3A_55 = tpu.memref_squeeze %dma_wait3A_54 : memref<1x2500x128xi32, #tpu.memory_space<hbm>> -> memref<2500x128xi32, #tpu.memory_space<hbm>>
    %dma_wait3A_56 = arith.constant 0 : i32
    %dma_wait3A_57 = tpu.memref_slice %dma_wait3A_55[%mul3A_2, %dma_wait3A_56] : memref<2500x128xi32, #tpu.memory_space<hbm>> -> memref<78x128xi32, #tpu.memory_space<hbm>>
    %dma_wait3A_58 = arith.constant 0 : i32
    %dma_wait3A_59 = arith.constant 0 : i32
    %dma_wait3A_60 = tpu.memref_slice %arg5[%dma_wait3A_58, %dma_wait3A_59] : memref<79x128xi32, #tpu.memory_space<vmem>> -> memref<78x128xi32, #tpu.memory_space<vmem>>
    %dma_wait3A_61 = arith.constant 0 : i32
    %dma_wait3A_62 = arith.constant 0 : i32
    %dma_wait3A_63 = tpu.memref_slice %arg3[%dma_wait3A, %dma_wait3A_61, %dma_wait3A_62] : memref<2x2500x128xi32, #tpu.memory_space<hbm>> -> memref<1x2500x128xi32, #tpu.memory_space<hbm>>
    %dma_wait3A_64 = tpu.memref_squeeze %dma_wait3A_63 : memref<1x2500x128xi32, #tpu.memory_space<hbm>> -> memref<2500x128xi32, #tpu.memory_space<hbm>>
    %dma_wait3A_65 = arith.constant 0 : i32
    %dma_wait3A_66 = tpu.memref_slice %dma_wait3A_64[%mul3A_2, %dma_wait3A_65] : memref<2500x128xi32, #tpu.memory_space<hbm>> -> memref<78x128xi32, #tpu.memory_space<hbm>>
    tpu.wait_dma2 semaphore(%arg10 : memref<!tpu.dma_semaphore, #tpu.memory_space<semaphore_mem>>) src(%dma_wait3A_66 : memref<78x128xi32, #tpu.memory_space<hbm>>) dst(%dma_wait3A_60 : memref<78x128xi32, #tpu.memory_space<vmem>>)
    %dma_wait3A_67 = arith.constant 1 : i32
    %dma_wait3A_68 = arith.constant 0 : i32
    %dma_wait3A_69 = arith.constant 0 : i32
    %dma_wait3A_70 = tpu.memref_slice %arg6[%dma_wait3A_68, %dma_wait3A_69] : memref<79x128xi32, #tpu.memory_space<vmem>> -> memref<78x128xi32, #tpu.memory_space<vmem>>
    %dma_wait3A_71 = arith.constant 0 : i32
    %dma_wait3A_72 = arith.constant 0 : i32
    %dma_wait3A_73 = tpu.memref_slice %arg3[%dma_wait3A_67, %dma_wait3A_71, %dma_wait3A_72] : memref<2x2500x128xi32, #tpu.memory_space<hbm>> -> memref<1x2500x128xi32, #tpu.memory_space<hbm>>
    %dma_wait3A_74 = tpu.memref_squeeze %dma_wait3A_73 : memref<1x2500x128xi32, #tpu.memory_space<hbm>> -> memref<2500x128xi32, #tpu.memory_space<hbm>>
    %dma_wait3A_75 = arith.constant 0 : i32
    %dma_wait3A_76 = tpu.memref_slice %dma_wait3A_74[%mul3A_22, %dma_wait3A_75] : memref<2500x128xi32, #tpu.memory_space<hbm>> -> memref<78x128xi32, #tpu.memory_space<hbm>>
    %dma_wait3A_77 = arith.constant 0 : i32
    %dma_wait3A_78 = arith.constant 0 : i32
    %dma_wait3A_79 = tpu.memref_slice %arg6[%dma_wait3A_77, %dma_wait3A_78] : memref<79x128xi32, #tpu.memory_space<vmem>> -> memref<78x128xi32, #tpu.memory_space<vmem>>
    %dma_wait3A_80 = arith.constant 0 : i32
    %dma_wait3A_81 = arith.constant 0 : i32
    %dma_wait3A_82 = tpu.memref_slice %arg3[%dma_wait3A_67, %dma_wait3A_80, %dma_wait3A_81] : memref<2x2500x128xi32, #tpu.memory_space<hbm>> -> memref<1x2500x128xi32, #tpu.memory_space<hbm>>
    %dma_wait3A_83 = tpu.memref_squeeze %dma_wait3A_82 : memref<1x2500x128xi32, #tpu.memory_space<hbm>> -> memref<2500x128xi32, #tpu.memory_space<hbm>>
    %dma_wait3A_84 = arith.constant 0 : i32
    %dma_wait3A_85 = tpu.memref_slice %dma_wait3A_83[%mul3A_22, %dma_wait3A_84] : memref<2500x128xi32, #tpu.memory_space<hbm>> -> memref<78x128xi32, #tpu.memory_space<hbm>>
    tpu.wait_dma2 semaphore(%arg11 : memref<!tpu.dma_semaphore, #tpu.memory_space<semaphore_mem>>) src(%dma_wait3A_85 : memref<78x128xi32, #tpu.memory_space<hbm>>) dst(%dma_wait3A_79 : memref<78x128xi32, #tpu.memory_space<vmem>>)
    %lt3A = arith.constant 4 : i32
    %lt3A_86 = arith.cmpi slt, %add3A, %lt3A : i32
    %convert_element_type3A = arith.extui %lt3A_86 : i1 to i32
    %cond3A = arith.constant 0 : i32
    %cond3A_87 = arith.cmpi ne, %convert_element_type3A, %cond3A : i32
    scf.if %cond3A_87 {
      %add3A_139 = arith.constant 2496 : i32
      %add3A_140 = arith.addi %add3A_139, %add3A : i32
      %run_scoped3A = arith.constant 0 : i32
      "tpu.region"() ({
        %run_scoped3A_144 = tpu.sem_alloc : memref<!tpu.dma_semaphore, #tpu.memory_space<semaphore_mem>>
        %dma_start3A_145 = arith.constant 78 : i32
        %dma_start3A_146 = arith.constant 0 : i32
        %dma_start3A_147 = tpu.memref_slice %arg5[%dma_start3A_145, %dma_start3A_146] : memref<79x128xi32, #tpu.memory_space<vmem>> -> memref<1x128xi32, #tpu.memory_space<vmem>>
        %dma_start3A_148 = arith.constant 0 : i32
        %dma_start3A_149 = arith.constant 0 : i32
        %dma_start3A_150 = tpu.memref_slice %arg3[%run_scoped3A, %dma_start3A_148, %dma_start3A_149] : memref<2x2500x128xi32, #tpu.memory_space<hbm>> -> memref<1x2500x128xi32, #tpu.memory_space<hbm>>
        %dma_start3A_151 = tpu.memref_squeeze %dma_start3A_150 : memref<1x2500x128xi32, #tpu.memory_space<hbm>> -> memref<2500x128xi32, #tpu.memory_space<hbm>>
        %dma_start3A_152 = arith.constant 0 : i32
        %dma_start3A_153 = tpu.memref_slice %dma_start3A_151[%add3A_140, %dma_start3A_152] : memref<2500x128xi32, #tpu.memory_space<hbm>> -> memref<1x128xi32, #tpu.memory_space<hbm>>
        %dma_start3A_154 = arith.constant 78 : i32
        %dma_start3A_155 = arith.constant 0 : i32
        %dma_start3A_156 = tpu.memref_slice %arg5[%dma_start3A_154, %dma_start3A_155] : memref<79x128xi32, #tpu.memory_space<vmem>> -> memref<1x128xi32, #tpu.memory_space<vmem>>
        %dma_start3A_157 = arith.constant 0 : i32
        %dma_start3A_158 = arith.constant 0 : i32
        %dma_start3A_159 = tpu.memref_slice %arg3[%run_scoped3A, %dma_start3A_157, %dma_start3A_158] : memref<2x2500x128xi32, #tpu.memory_space<hbm>> -> memref<1x2500x128xi32, #tpu.memory_space<hbm>>
        %dma_start3A_160 = tpu.memref_squeeze %dma_start3A_159 : memref<1x2500x128xi32, #tpu.memory_space<hbm>> -> memref<2500x128xi32, #tpu.memory_space<hbm>>
        %dma_start3A_161 = arith.constant 0 : i32
        %dma_start3A_162 = tpu.memref_slice %dma_start3A_160[%add3A_140, %dma_start3A_161] : memref<2500x128xi32, #tpu.memory_space<hbm>> -> memref<1x128xi32, #tpu.memory_space<hbm>>
        tpu.enqueue_dma source(%dma_start3A_162 : memref<1x128xi32, #tpu.memory_space<hbm>>) target(%dma_start3A_156 : memref<1x128xi32, #tpu.memory_space<vmem>>) target_semaphore(%run_scoped3A_144 : memref<!tpu.dma_semaphore, #tpu.memory_space<semaphore_mem>>)
        %dma_wait3A_163 = arith.constant 78 : i32
        %dma_wait3A_164 = arith.constant 0 : i32
        %dma_wait3A_165 = tpu.memref_slice %arg5[%dma_wait3A_163, %dma_wait3A_164] : memref<79x128xi32, #tpu.memory_space<vmem>> -> memref<1x128xi32, #tpu.memory_space<vmem>>
        %dma_wait3A_166 = arith.constant 0 : i32
        %dma_wait3A_167 = arith.constant 0 : i32
        %dma_wait3A_168 = tpu.memref_slice %arg3[%run_scoped3A, %dma_wait3A_166, %dma_wait3A_167] : memref<2x2500x128xi32, #tpu.memory_space<hbm>> -> memref<1x2500x128xi32, #tpu.memory_space<hbm>>
        %dma_wait3A_169 = tpu.memref_squeeze %dma_wait3A_168 : memref<1x2500x128xi32, #tpu.memory_space<hbm>> -> memref<2500x128xi32, #tpu.memory_space<hbm>>
        %dma_wait3A_170 = arith.constant 0 : i32
        %dma_wait3A_171 = tpu.memref_slice %dma_wait3A_169[%add3A_140, %dma_wait3A_170] : memref<2500x128xi32, #tpu.memory_space<hbm>> -> memref<1x128xi32, #tpu.memory_space<hbm>>
        %dma_wait3A_172 = arith.constant 78 : i32
        %dma_wait3A_173 = arith.constant 0 : i32
        %dma_wait3A_174 = tpu.memref_slice %arg5[%dma_wait3A_172, %dma_wait3A_173] : memref<79x128xi32, #tpu.memory_space<vmem>> -> memref<1x128xi32, #tpu.memory_space<vmem>>
        %dma_wait3A_175 = arith.constant 0 : i32
        %dma_wait3A_176 = arith.constant 0 : i32
        %dma_wait3A_177 = tpu.memref_slice %arg3[%run_scoped3A, %dma_wait3A_175, %dma_wait3A_176] : memref<2x2500x128xi32, #tpu.memory_space<hbm>> -> memref<1x2500x128xi32, #tpu.memory_space<hbm>>
        %dma_wait3A_178 = tpu.memref_squeeze %dma_wait3A_177 : memref<1x2500x128xi32, #tpu.memory_space<hbm>> -> memref<2500x128xi32, #tpu.memory_space<hbm>>
        %dma_wait3A_179 = arith.constant 0 : i32
        %dma_wait3A_180 = tpu.memref_slice %dma_wait3A_178[%add3A_140, %dma_wait3A_179] : memref<2500x128xi32, #tpu.memory_space<hbm>> -> memref<1x128xi32, #tpu.memory_space<hbm>>
        tpu.wait_dma2 semaphore(%run_scoped3A_144 : memref<!tpu.dma_semaphore, #tpu.memory_space<semaphore_mem>>) src(%dma_wait3A_180 : memref<1x128xi32, #tpu.memory_space<hbm>>) dst(%dma_wait3A_174 : memref<1x128xi32, #tpu.memory_space<vmem>>)
        tpu.yield
      }) : () -> ()
      %add3A_141 = arith.constant 2496 : i32
      %add3A_142 = arith.addi %add3A_141, %add3A : i32
      %run_scoped3A_143 = arith.constant 1 : i32
      "tpu.region"() ({
        %run_scoped3A_144 = tpu.sem_alloc : memref<!tpu.dma_semaphore, #tpu.memory_space<semaphore_mem>>
        %dma_start3A_145 = arith.constant 78 : i32
        %dma_start3A_146 = arith.constant 0 : i32
        %dma_start3A_147 = tpu.memref_slice %arg6[%dma_start3A_145, %dma_start3A_146] : memref<79x128xi32, #tpu.memory_space<vmem>> -> memref<1x128xi32, #tpu.memory_space<vmem>>
        %dma_start3A_148 = arith.constant 0 : i32
        %dma_start3A_149 = arith.constant 0 : i32
        %dma_start3A_150 = tpu.memref_slice %arg3[%run_scoped3A_143, %dma_start3A_148, %dma_start3A_149] : memref<2x2500x128xi32, #tpu.memory_space<hbm>> -> memref<1x2500x128xi32, #tpu.memory_space<hbm>>
        %dma_start3A_151 = tpu.memref_squeeze %dma_start3A_150 : memref<1x2500x128xi32, #tpu.memory_space<hbm>> -> memref<2500x128xi32, #tpu.memory_space<hbm>>
        %dma_start3A_152 = arith.constant 0 : i32
        %dma_start3A_153 = tpu.memref_slice %dma_start3A_151[%add3A_142, %dma_start3A_152] : memref<2500x128xi32, #tpu.memory_space<hbm>> -> memref<1x128xi32, #tpu.memory_space<hbm>>
        %dma_start3A_154 = arith.constant 78 : i32
        %dma_start3A_155 = arith.constant 0 : i32
        %dma_start3A_156 = tpu.memref_slice %arg6[%dma_start3A_154, %dma_start3A_155] : memref<79x128xi32, #tpu.memory_space<vmem>> -> memref<1x128xi32, #tpu.memory_space<vmem>>
        %dma_start3A_157 = arith.constant 0 : i32
        %dma_start3A_158 = arith.constant 0 : i32
        %dma_start3A_159 = tpu.memref_slice %arg3[%run_scoped3A_143, %dma_start3A_157, %dma_start3A_158] : memref<2x2500x128xi32, #tpu.memory_space<hbm>> -> memref<1x2500x128xi32, #tpu.memory_space<hbm>>
        %dma_start3A_160 = tpu.memref_squeeze %dma_start3A_159 : memref<1x2500x128xi32, #tpu.memory_space<hbm>> -> memref<2500x128xi32, #tpu.memory_space<hbm>>
        %dma_start3A_161 = arith.constant 0 : i32
        %dma_start3A_162 = tpu.memref_slice %dma_start3A_160[%add3A_142, %dma_start3A_161] : memref<2500x128xi32, #tpu.memory_space<hbm>> -> memref<1x128xi32, #tpu.memory_space<hbm>>
        tpu.enqueue_dma source(%dma_start3A_162 : memref<1x128xi32, #tpu.memory_space<hbm>>) target(%dma_start3A_156 : memref<1x128xi32, #tpu.memory_space<vmem>>) target_semaphore(%run_scoped3A_144 : memref<!tpu.dma_semaphore, #tpu.memory_space<semaphore_mem>>)
        %dma_wait3A_163 = arith.constant 78 : i32
        %dma_wait3A_164 = arith.constant 0 : i32
        %dma_wait3A_165 = tpu.memref_slice %arg6[%dma_wait3A_163, %dma_wait3A_164] : memref<79x128xi32, #tpu.memory_space<vmem>> -> memref<1x128xi32, #tpu.memory_space<vmem>>
        %dma_wait3A_166 = arith.constant 0 : i32
        %dma_wait3A_167 = arith.constant 0 : i32
        %dma_wait3A_168 = tpu.memref_slice %arg3[%run_scoped3A_143, %dma_wait3A_166, %dma_wait3A_167] : memref<2x2500x128xi32, #tpu.memory_space<hbm>> -> memref<1x2500x128xi32, #tpu.memory_space<hbm>>
        %dma_wait3A_169 = tpu.memref_squeeze %dma_wait3A_168 : memref<1x2500x128xi32, #tpu.memory_space<hbm>> -> memref<2500x128xi32, #tpu.memory_space<hbm>>
        %dma_wait3A_170 = arith.constant 0 : i32
        %dma_wait3A_171 = tpu.memref_slice %dma_wait3A_169[%add3A_142, %dma_wait3A_170] : memref<2500x128xi32, #tpu.memory_space<hbm>> -> memref<1x128xi32, #tpu.memory_space<hbm>>
        %dma_wait3A_172 = arith.constant 78 : i32
        %dma_wait3A_173 = arith.constant 0 : i32
        %dma_wait3A_174 = tpu.memref_slice %arg6[%dma_wait3A_172, %dma_wait3A_173] : memref<79x128xi32, #tpu.memory_space<vmem>> -> memref<1x128xi32, #tpu.memory_space<vmem>>
        %dma_wait3A_175 = arith.constant 0 : i32
        %dma_wait3A_176 = arith.constant 0 : i32
        %dma_wait3A_177 = tpu.memref_slice %arg3[%run_scoped3A_143, %dma_wait3A_175, %dma_wait3A_176] : memref<2x2500x128xi32, #tpu.memory_space<hbm>> -> memref<1x2500x128xi32, #tpu.memory_space<hbm>>
        %dma_wait3A_178 = tpu.memref_squeeze %dma_wait3A_177 : memref<1x2500x128xi32, #tpu.memory_space<hbm>> -> memref<2500x128xi32, #tpu.memory_space<hbm>>
        %dma_wait3A_179 = arith.constant 0 : i32
        %dma_wait3A_180 = tpu.memref_slice %dma_wait3A_178[%add3A_142, %dma_wait3A_179] : memref<2500x128xi32, #tpu.memory_space<hbm>> -> memref<1x128xi32, #tpu.memory_space<hbm>>
        tpu.wait_dma2 semaphore(%run_scoped3A_144 : memref<!tpu.dma_semaphore, #tpu.memory_space<semaphore_mem>>) src(%dma_wait3A_180 : memref<1x128xi32, #tpu.memory_space<hbm>>) dst(%dma_wait3A_174 : memref<1x128xi32, #tpu.memory_space<vmem>>)
        tpu.yield
      }) : () -> ()
    } else {
    }
    %barrier3A = arith.constant 0 : index
    tpu.barrier barrier_id(%barrier3A)
    %dma_start3A_88 = arith.constant 0 : i32
    %dma_start3A_89 = arith.constant 0 : i32
    %dma_start3A_90 = arith.constant 0 : i32
    %dma_start3A_91 = arith.constant 0 : i32
    %dma_start3A_92 = tpu.memref_slice %arg7[%dma_start3A_89, %dma_start3A_90, %dma_start3A_91] : memref<3x128x64xf32, #tpu.memory_space<vmem>> -> memref<1x128x64xf32, #tpu.memory_space<vmem>>
    %dma_start3A_93 = tpu.memref_squeeze %dma_start3A_92 : memref<1x128x64xf32, #tpu.memory_space<vmem>> -> memref<128x64xf32, #tpu.memory_space<vmem>>
    %dma_start3A_94 = arith.constant 0 : i32
    %dma_start3A_95 = tpu.memref_slice %arg5[%dma_start3A_88, %dma_start3A_94] : memref<79x128xi32, #tpu.memory_space<vmem>> -> memref<1x128xi32, #tpu.memory_space<vmem>>
    %dma_start3A_96 = tpu.memref_squeeze %dma_start3A_95 : memref<1x128xi32, #tpu.memory_space<vmem>> -> memref<128xi32, #tpu.memory_space<vmem>>
    %dma_start3A_97 = arith.constant 0 : i32
    %dma_start3A_98 = arith.constant 0 : i32
    %dma_start3A_99 = tpu.memref_slice %arg2[%dma_start3A_97, %dma_start3A_98] : memref<10000x64xf32, #tpu.memory_space<hbm>> -> memref<10000x64xf32, #tpu.memory_space<hbm>>
    tpu.enqueue_indirect_dma source(%dma_start3A_99 : memref<10000x64xf32, #tpu.memory_space<hbm>>) target(%dma_start3A_93 : memref<128x64xf32, #tpu.memory_space<vmem>>) offsets(%dma_start3A_96 : memref<128xi32, #tpu.memory_space<vmem>>) semaphore(%arg10 : memref<!tpu.dma_semaphore, #tpu.memory_space<semaphore_mem>>)
    %dma_start3A_100 = arith.constant 1 : i32
    %dma_start3A_101 = arith.constant 1 : i32
    %dma_start3A_102 = arith.constant 0 : i32
    %dma_start3A_103 = arith.constant 0 : i32
    %dma_start3A_104 = tpu.memref_slice %arg7[%dma_start3A_101, %dma_start3A_102, %dma_start3A_103] : memref<3x128x64xf32, #tpu.memory_space<vmem>> -> memref<1x128x64xf32, #tpu.memory_space<vmem>>
    %dma_start3A_105 = tpu.memref_squeeze %dma_start3A_104 : memref<1x128x64xf32, #tpu.memory_space<vmem>> -> memref<128x64xf32, #tpu.memory_space<vmem>>
    %dma_start3A_106 = arith.constant 0 : i32
    %dma_start3A_107 = tpu.memref_slice %arg5[%dma_start3A_100, %dma_start3A_106] : memref<79x128xi32, #tpu.memory_space<vmem>> -> memref<1x128xi32, #tpu.memory_space<vmem>>
    %dma_start3A_108 = tpu.memref_squeeze %dma_start3A_107 : memref<1x128xi32, #tpu.memory_space<vmem>> -> memref<128xi32, #tpu.memory_space<vmem>>
    %dma_start3A_109 = arith.constant 0 : i32
    %dma_start3A_110 = arith.constant 0 : i32
    %dma_start3A_111 = tpu.memref_slice %arg2[%dma_start3A_109, %dma_start3A_110] : memref<10000x64xf32, #tpu.memory_space<hbm>> -> memref<10000x64xf32, #tpu.memory_space<hbm>>
    tpu.enqueue_indirect_dma source(%dma_start3A_111 : memref<10000x64xf32, #tpu.memory_space<hbm>>) target(%dma_start3A_105 : memref<128x64xf32, #tpu.memory_space<vmem>>) offsets(%dma_start3A_108 : memref<128xi32, #tpu.memory_space<vmem>>) semaphore(%arg11 : memref<!tpu.dma_semaphore, #tpu.memory_space<semaphore_mem>>)
    %dma_start3A_112 = arith.constant 2 : i32
    %dma_start3A_113 = arith.constant 2 : i32
    %dma_start3A_114 = arith.constant 0 : i32
    %dma_start3A_115 = arith.constant 0 : i32
    %dma_start3A_116 = tpu.memref_slice %arg7[%dma_start3A_113, %dma_start3A_114, %dma_start3A_115] : memref<3x128x64xf32, #tpu.memory_space<vmem>> -> memref<1x128x64xf32, #tpu.memory_space<vmem>>
    %dma_start3A_117 = tpu.memref_squeeze %dma_start3A_116 : memref<1x128x64xf32, #tpu.memory_space<vmem>> -> memref<128x64xf32, #tpu.memory_space<vmem>>
    %dma_start3A_118 = arith.constant 0 : i32
    %dma_start3A_119 = tpu.memref_slice %arg5[%dma_start3A_112, %dma_start3A_118] : memref<79x128xi32, #tpu.memory_space<vmem>> -> memref<1x128xi32, #tpu.memory_space<vmem>>
    %dma_start3A_120 = tpu.memref_squeeze %dma_start3A_119 : memref<1x128xi32, #tpu.memory_space<vmem>> -> memref<128xi32, #tpu.memory_space<vmem>>
    %dma_start3A_121 = arith.constant 0 : i32
    %dma_start3A_122 = arith.constant 0 : i32
    %dma_start3A_123 = tpu.memref_slice %arg2[%dma_start3A_121, %dma_start3A_122] : memref<10000x64xf32, #tpu.memory_space<hbm>> -> memref<10000x64xf32, #tpu.memory_space<hbm>>
    tpu.enqueue_indirect_dma source(%dma_start3A_123 : memref<10000x64xf32, #tpu.memory_space<hbm>>) target(%dma_start3A_117 : memref<128x64xf32, #tpu.memory_space<vmem>>) offsets(%dma_start3A_120 : memref<128xi32, #tpu.memory_space<vmem>>) semaphore(%arg12 : memref<!tpu.dma_semaphore, #tpu.memory_space<semaphore_mem>>)
    %scan3A_124 = arith.constant 0 : i32
    %scan3A_125 = arith.constant 26 : i32
    %scan3A_126 = arith.addi %scan3A_124, %scan3A_125 : i32
    %scan3A_127 = arith.constant 1 : i32
    scf.for %scan3A_139 = %scan3A_124 to %scan3A_126 step %scan3A_127  : i32 {
      %mul3A_140 = arith.constant 1 : i32
      %mul3A_141 = arith.muli %scan3A_139, %mul3A_140 : i32
      %add3A_142 = arith.constant 0 : i32
      %add3A_143 = arith.addi %add3A_142, %mul3A_141 : i32
      %mul3A_144 = arith.constant 3 : i32
      %mul3A_145 = arith.muli %add3A_143, %mul3A_144 : i32
      %add3A_146 = arith.constant 0 : i32
      %add3A_147 = arith.addi %mul3A_145, %add3A_146 : i32
      %dma_wait3A_148 = arith.constant 0 : i32
      %dma_wait3A_149 = arith.constant 0 : i32
      %dma_wait3A_150 = arith.constant 0 : i32
      %dma_wait3A_151 = tpu.memref_slice %arg7[%dma_wait3A_148, %dma_wait3A_149, %dma_wait3A_150] : memref<3x128x64xf32, #tpu.memory_space<vmem>> -> memref<1x128x64xf32, #tpu.memory_space<vmem>>
      %dma_wait3A_152 = tpu.memref_squeeze %dma_wait3A_151 : memref<1x128x64xf32, #tpu.memory_space<vmem>> -> memref<128x64xf32, #tpu.memory_space<vmem>>
      %dma_wait3A_153 = arith.constant 0 : i32
      %dma_wait3A_154 = tpu.memref_slice %arg5[%add3A_147, %dma_wait3A_153] : memref<79x128xi32, #tpu.memory_space<vmem>> -> memref<1x128xi32, #tpu.memory_space<vmem>>
      %dma_wait3A_155 = tpu.memref_squeeze %dma_wait3A_154 : memref<1x128xi32, #tpu.memory_space<vmem>> -> memref<128xi32, #tpu.memory_space<vmem>>
      %dma_wait3A_156 = arith.constant 0 : i32
      %dma_wait3A_157 = arith.constant 0 : i32
      %dma_wait3A_158 = tpu.memref_slice %arg2[%dma_wait3A_156, %dma_wait3A_157] : memref<10000x64xf32, #tpu.memory_space<hbm>> -> memref<10000x64xf32, #tpu.memory_space<hbm>>
      tpu.wait_indirect_dma semaphore(%arg10 : memref<!tpu.dma_semaphore, #tpu.memory_space<semaphore_mem>>) src(%dma_wait3A_158 : memref<10000x64xf32, #tpu.memory_space<hbm>>) dst(%dma_wait3A_152 : memref<128x64xf32, #tpu.memory_space<vmem>>)
      %run_scoped3A = arith.constant 0 : i32
      "tpu.region"() ({
        %run_scoped3A_208 = tpu.sem_alloc : memref<!tpu.dma_semaphore, #tpu.memory_space<semaphore_mem>>
        %dma_start3A_209 = arith.constant 0 : i32
        %dma_start3A_210 = arith.constant 0 : i32
        %dma_start3A_211 = tpu.memref_slice %arg7[%run_scoped3A, %dma_start3A_209, %dma_start3A_210] : memref<3x128x64xf32, #tpu.memory_space<vmem>> -> memref<1x128x64xf32, #tpu.memory_space<vmem>>
        %dma_start3A_212 = tpu.memref_squeeze %dma_start3A_211 : memref<1x128x64xf32, #tpu.memory_space<vmem>> -> memref<128x64xf32, #tpu.memory_space<vmem>>
        %dma_start3A_213 = arith.constant 0 : i32
        %dma_start3A_214 = tpu.memref_slice %arg6[%add3A_147, %dma_start3A_213] : memref<79x128xi32, #tpu.memory_space<vmem>> -> memref<1x128xi32, #tpu.memory_space<vmem>>
        %dma_start3A_215 = tpu.memref_squeeze %dma_start3A_214 : memref<1x128xi32, #tpu.memory_space<vmem>> -> memref<128xi32, #tpu.memory_space<vmem>>
        %dma_start3A_216 = arith.constant 0 : i32
        %dma_start3A_217 = arith.constant 0 : i32
        %dma_start3A_218 = tpu.memref_slice %arg9[%dma_start3A_216, %dma_start3A_217] : memref<10112x64xf32, #tpu.memory_space<vmem_shared>> -> memref<10112x64xf32, #tpu.memory_space<vmem_shared>>
        tpu.enqueue_indirect_dma source(%dma_start3A_212 : memref<128x64xf32, #tpu.memory_space<vmem>>) target(%dma_start3A_218 : memref<10112x64xf32, #tpu.memory_space<vmem_shared>>) offsets(%dma_start3A_215 : memref<128xi32, #tpu.memory_space<vmem>>) semaphore(%run_scoped3A_208 : memref<!tpu.dma_semaphore, #tpu.memory_space<semaphore_mem>>) {add = true}
        %dma_wait3A_219 = arith.constant 0 : i32
        %dma_wait3A_220 = arith.constant 0 : i32
        %dma_wait3A_221 = tpu.memref_slice %arg7[%run_scoped3A, %dma_wait3A_219, %dma_wait3A_220] : memref<3x128x64xf32, #tpu.memory_space<vmem>> -> memref<1x128x64xf32, #tpu.memory_space<vmem>>
        %dma_wait3A_222 = tpu.memref_squeeze %dma_wait3A_221 : memref<1x128x64xf32, #tpu.memory_space<vmem>> -> memref<128x64xf32, #tpu.memory_space<vmem>>
        %dma_wait3A_223 = arith.constant 0 : i32
        %dma_wait3A_224 = tpu.memref_slice %arg6[%add3A_147, %dma_wait3A_223] : memref<79x128xi32, #tpu.memory_space<vmem>> -> memref<1x128xi32, #tpu.memory_space<vmem>>
        %dma_wait3A_225 = tpu.memref_squeeze %dma_wait3A_224 : memref<1x128xi32, #tpu.memory_space<vmem>> -> memref<128xi32, #tpu.memory_space<vmem>>
        %dma_wait3A_226 = arith.constant 0 : i32
        %dma_wait3A_227 = arith.constant 0 : i32
        %dma_wait3A_228 = tpu.memref_slice %arg9[%dma_wait3A_226, %dma_wait3A_227] : memref<10112x64xf32, #tpu.memory_space<vmem_shared>> -> memref<10112x64xf32, #tpu.memory_space<vmem_shared>>
        tpu.wait_indirect_dma semaphore(%run_scoped3A_208 : memref<!tpu.dma_semaphore, #tpu.memory_space<semaphore_mem>>) src(%dma_wait3A_222 : memref<128x64xf32, #tpu.memory_space<vmem>>) dst(%dma_wait3A_228 : memref<10112x64xf32, #tpu.memory_space<vmem_shared>>)
        tpu.yield
      }) : () -> ()
      %add3A_159 = arith.constant 3 : i32
      %add3A_160 = arith.addi %add3A_147, %add3A_159 : i32
      %lt3A_161 = arith.constant 78 : i32
      %lt3A_162 = arith.cmpi slt, %add3A_160, %lt3A_161 : i32
      %convert_element_type3A_163 = arith.extui %lt3A_162 : i1 to i32
      %cond3A_164 = arith.constant 0 : i32
      %cond3A_165 = arith.cmpi ne, %convert_element_type3A_163, %cond3A_164 : i32
      scf.if %cond3A_165 {
        %add3A_208 = arith.constant 3 : i32
        %add3A_209 = arith.addi %add3A_147, %add3A_208 : i32
        %dma_start3A_210 = arith.constant 0 : i32
        %dma_start3A_211 = arith.constant 0 : i32
        %dma_start3A_212 = arith.constant 0 : i32
        %dma_start3A_213 = tpu.memref_slice %arg7[%dma_start3A_210, %dma_start3A_211, %dma_start3A_212] : memref<3x128x64xf32, #tpu.memory_space<vmem>> -> memref<1x128x64xf32, #tpu.memory_space<vmem>>
        %dma_start3A_214 = tpu.memref_squeeze %dma_start3A_213 : memref<1x128x64xf32, #tpu.memory_space<vmem>> -> memref<128x64xf32, #tpu.memory_space<vmem>>
        %dma_start3A_215 = arith.constant 0 : i32
        %dma_start3A_216 = tpu.memref_slice %arg5[%add3A_209, %dma_start3A_215] : memref<79x128xi32, #tpu.memory_space<vmem>> -> memref<1x128xi32, #tpu.memory_space<vmem>>
        %dma_start3A_217 = tpu.memref_squeeze %dma_start3A_216 : memref<1x128xi32, #tpu.memory_space<vmem>> -> memref<128xi32, #tpu.memory_space<vmem>>
        %dma_start3A_218 = arith.constant 0 : i32
        %dma_start3A_219 = arith.constant 0 : i32
        %dma_start3A_220 = tpu.memref_slice %arg2[%dma_start3A_218, %dma_start3A_219] : memref<10000x64xf32, #tpu.memory_space<hbm>> -> memref<10000x64xf32, #tpu.memory_space<hbm>>
        tpu.enqueue_indirect_dma source(%dma_start3A_220 : memref<10000x64xf32, #tpu.memory_space<hbm>>) target(%dma_start3A_214 : memref<128x64xf32, #tpu.memory_space<vmem>>) offsets(%dma_start3A_217 : memref<128xi32, #tpu.memory_space<vmem>>) semaphore(%arg10 : memref<!tpu.dma_semaphore, #tpu.memory_space<semaphore_mem>>)
      } else {
      }
      %add3A_166 = arith.constant 1 : i32
      %add3A_167 = arith.addi %mul3A_145, %add3A_166 : i32
      %dma_wait3A_168 = arith.constant 1 : i32
      %dma_wait3A_169 = arith.constant 0 : i32
      %dma_wait3A_170 = arith.constant 0 : i32
      %dma_wait3A_171 = tpu.memref_slice %arg7[%dma_wait3A_168, %dma_wait3A_169, %dma_wait3A_170] : memref<3x128x64xf32, #tpu.memory_space<vmem>> -> memref<1x128x64xf32, #tpu.memory_space<vmem>>
      %dma_wait3A_172 = tpu.memref_squeeze %dma_wait3A_171 : memref<1x128x64xf32, #tpu.memory_space<vmem>> -> memref<128x64xf32, #tpu.memory_space<vmem>>
      %dma_wait3A_173 = arith.constant 0 : i32
      %dma_wait3A_174 = tpu.memref_slice %arg5[%add3A_167, %dma_wait3A_173] : memref<79x128xi32, #tpu.memory_space<vmem>> -> memref<1x128xi32, #tpu.memory_space<vmem>>
      %dma_wait3A_175 = tpu.memref_squeeze %dma_wait3A_174 : memref<1x128xi32, #tpu.memory_space<vmem>> -> memref<128xi32, #tpu.memory_space<vmem>>
      %dma_wait3A_176 = arith.constant 0 : i32
      %dma_wait3A_177 = arith.constant 0 : i32
      %dma_wait3A_178 = tpu.memref_slice %arg2[%dma_wait3A_176, %dma_wait3A_177] : memref<10000x64xf32, #tpu.memory_space<hbm>> -> memref<10000x64xf32, #tpu.memory_space<hbm>>
      tpu.wait_indirect_dma semaphore(%arg11 : memref<!tpu.dma_semaphore, #tpu.memory_space<semaphore_mem>>) src(%dma_wait3A_178 : memref<10000x64xf32, #tpu.memory_space<hbm>>) dst(%dma_wait3A_172 : memref<128x64xf32, #tpu.memory_space<vmem>>)
      %run_scoped3A_179 = arith.constant 1 : i32
      "tpu.region"() ({
        %run_scoped3A_208 = tpu.sem_alloc : memref<!tpu.dma_semaphore, #tpu.memory_space<semaphore_mem>>
        %dma_start3A_209 = arith.constant 0 : i32
        %dma_start3A_210 = arith.constant 0 : i32
        %dma_start3A_211 = tpu.memref_slice %arg7[%run_scoped3A_179, %dma_start3A_209, %dma_start3A_210] : memref<3x128x64xf32, #tpu.memory_space<vmem>> -> memref<1x128x64xf32, #tpu.memory_space<vmem>>
        %dma_start3A_212 = tpu.memref_squeeze %dma_start3A_211 : memref<1x128x64xf32, #tpu.memory_space<vmem>> -> memref<128x64xf32, #tpu.memory_space<vmem>>
        %dma_start3A_213 = arith.constant 0 : i32
        %dma_start3A_214 = tpu.memref_slice %arg6[%add3A_167, %dma_start3A_213] : memref<79x128xi32, #tpu.memory_space<vmem>> -> memref<1x128xi32, #tpu.memory_space<vmem>>
        %dma_start3A_215 = tpu.memref_squeeze %dma_start3A_214 : memref<1x128xi32, #tpu.memory_space<vmem>> -> memref<128xi32, #tpu.memory_space<vmem>>
        %dma_start3A_216 = arith.constant 0 : i32
        %dma_start3A_217 = arith.constant 0 : i32
        %dma_start3A_218 = tpu.memref_slice %arg9[%dma_start3A_216, %dma_start3A_217] : memref<10112x64xf32, #tpu.memory_space<vmem_shared>> -> memref<10112x64xf32, #tpu.memory_space<vmem_shared>>
        tpu.enqueue_indirect_dma source(%dma_start3A_212 : memref<128x64xf32, #tpu.memory_space<vmem>>) target(%dma_start3A_218 : memref<10112x64xf32, #tpu.memory_space<vmem_shared>>) offsets(%dma_start3A_215 : memref<128xi32, #tpu.memory_space<vmem>>) semaphore(%run_scoped3A_208 : memref<!tpu.dma_semaphore, #tpu.memory_space<semaphore_mem>>) {add = true}
        %dma_wait3A_219 = arith.constant 0 : i32
        %dma_wait3A_220 = arith.constant 0 : i32
        %dma_wait3A_221 = tpu.memref_slice %arg7[%run_scoped3A_179, %dma_wait3A_219, %dma_wait3A_220] : memref<3x128x64xf32, #tpu.memory_space<vmem>> -> memref<1x128x64xf32, #tpu.memory_space<vmem>>
        %dma_wait3A_222 = tpu.memref_squeeze %dma_wait3A_221 : memref<1x128x64xf32, #tpu.memory_space<vmem>> -> memref<128x64xf32, #tpu.memory_space<vmem>>
        %dma_wait3A_223 = arith.constant 0 : i32
        %dma_wait3A_224 = tpu.memref_slice %arg6[%add3A_167, %dma_wait3A_223] : memref<79x128xi32, #tpu.memory_space<vmem>> -> memref<1x128xi32, #tpu.memory_space<vmem>>
        %dma_wait3A_225 = tpu.memref_squeeze %dma_wait3A_224 : memref<1x128xi32, #tpu.memory_space<vmem>> -> memref<128xi32, #tpu.memory_space<vmem>>
        %dma_wait3A_226 = arith.constant 0 : i32
        %dma_wait3A_227 = arith.constant 0 : i32
        %dma_wait3A_228 = tpu.memref_slice %arg9[%dma_wait3A_226, %dma_wait3A_227] : memref<10112x64xf32, #tpu.memory_space<vmem_shared>> -> memref<10112x64xf32, #tpu.memory_space<vmem_shared>>
        tpu.wait_indirect_dma semaphore(%run_scoped3A_208 : memref<!tpu.dma_semaphore, #tpu.memory_space<semaphore_mem>>) src(%dma_wait3A_222 : memref<128x64xf32, #tpu.memory_space<vmem>>) dst(%dma_wait3A_228 : memref<10112x64xf32, #tpu.memory_space<vmem_shared>>)
        tpu.yield
      }) : () -> ()
      %add3A_180 = arith.constant 3 : i32
      %add3A_181 = arith.addi %add3A_167, %add3A_180 : i32
      %lt3A_182 = arith.constant 78 : i32
      %lt3A_183 = arith.cmpi slt, %add3A_181, %lt3A_182 : i32
      %convert_element_type3A_184 = arith.extui %lt3A_183 : i1 to i32
      %cond3A_185 = arith.constant 0 : i32
      %cond3A_186 = arith.cmpi ne, %convert_element_type3A_184, %cond3A_185 : i32
      scf.if %cond3A_186 {
        %add3A_208 = arith.constant 3 : i32
        %add3A_209 = arith.addi %add3A_167, %add3A_208 : i32
        %dma_start3A_210 = arith.constant 1 : i32
        %dma_start3A_211 = arith.constant 0 : i32
        %dma_start3A_212 = arith.constant 0 : i32
        %dma_start3A_213 = tpu.memref_slice %arg7[%dma_start3A_210, %dma_start3A_211, %dma_start3A_212] : memref<3x128x64xf32, #tpu.memory_space<vmem>> -> memref<1x128x64xf32, #tpu.memory_space<vmem>>
        %dma_start3A_214 = tpu.memref_squeeze %dma_start3A_213 : memref<1x128x64xf32, #tpu.memory_space<vmem>> -> memref<128x64xf32, #tpu.memory_space<vmem>>
        %dma_start3A_215 = arith.constant 0 : i32
        %dma_start3A_216 = tpu.memref_slice %arg5[%add3A_209, %dma_start3A_215] : memref<79x128xi32, #tpu.memory_space<vmem>> -> memref<1x128xi32, #tpu.memory_space<vmem>>
        %dma_start3A_217 = tpu.memref_squeeze %dma_start3A_216 : memref<1x128xi32, #tpu.memory_space<vmem>> -> memref<128xi32, #tpu.memory_space<vmem>>
        %dma_start3A_218 = arith.constant 0 : i32
        %dma_start3A_219 = arith.constant 0 : i32
        %dma_start3A_220 = tpu.memref_slice %arg2[%dma_start3A_218, %dma_start3A_219] : memref<10000x64xf32, #tpu.memory_space<hbm>> -> memref<10000x64xf32, #tpu.memory_space<hbm>>
        tpu.enqueue_indirect_dma source(%dma_start3A_220 : memref<10000x64xf32, #tpu.memory_space<hbm>>) target(%dma_start3A_214 : memref<128x64xf32, #tpu.memory_space<vmem>>) offsets(%dma_start3A_217 : memref<128xi32, #tpu.memory_space<vmem>>) semaphore(%arg11 : memref<!tpu.dma_semaphore, #tpu.memory_space<semaphore_mem>>)
      } else {
      }
      %add3A_187 = arith.constant 2 : i32
      %add3A_188 = arith.addi %mul3A_145, %add3A_187 : i32
      %dma_wait3A_189 = arith.constant 2 : i32
      %dma_wait3A_190 = arith.constant 0 : i32
      %dma_wait3A_191 = arith.constant 0 : i32
      %dma_wait3A_192 = tpu.memref_slice %arg7[%dma_wait3A_189, %dma_wait3A_190, %dma_wait3A_191] : memref<3x128x64xf32, #tpu.memory_space<vmem>> -> memref<1x128x64xf32, #tpu.memory_space<vmem>>
      %dma_wait3A_193 = tpu.memref_squeeze %dma_wait3A_192 : memref<1x128x64xf32, #tpu.memory_space<vmem>> -> memref<128x64xf32, #tpu.memory_space<vmem>>
      %dma_wait3A_194 = arith.constant 0 : i32
      %dma_wait3A_195 = tpu.memref_slice %arg5[%add3A_188, %dma_wait3A_194] : memref<79x128xi32, #tpu.memory_space<vmem>> -> memref<1x128xi32, #tpu.memory_space<vmem>>
      %dma_wait3A_196 = tpu.memref_squeeze %dma_wait3A_195 : memref<1x128xi32, #tpu.memory_space<vmem>> -> memref<128xi32, #tpu.memory_space<vmem>>
      %dma_wait3A_197 = arith.constant 0 : i32
      %dma_wait3A_198 = arith.constant 0 : i32
      %dma_wait3A_199 = tpu.memref_slice %arg2[%dma_wait3A_197, %dma_wait3A_198] : memref<10000x64xf32, #tpu.memory_space<hbm>> -> memref<10000x64xf32, #tpu.memory_space<hbm>>
      tpu.wait_indirect_dma semaphore(%arg12 : memref<!tpu.dma_semaphore, #tpu.memory_space<semaphore_mem>>) src(%dma_wait3A_199 : memref<10000x64xf32, #tpu.memory_space<hbm>>) dst(%dma_wait3A_193 : memref<128x64xf32, #tpu.memory_space<vmem>>)
      %run_scoped3A_200 = arith.constant 2 : i32
      "tpu.region"() ({
        %run_scoped3A_208 = tpu.sem_alloc : memref<!tpu.dma_semaphore, #tpu.memory_space<semaphore_mem>>
        %dma_start3A_209 = arith.constant 0 : i32
        %dma_start3A_210 = arith.constant 0 : i32
        %dma_start3A_211 = tpu.memref_slice %arg7[%run_scoped3A_200, %dma_start3A_209, %dma_start3A_210] : memref<3x128x64xf32, #tpu.memory_space<vmem>> -> memref<1x128x64xf32, #tpu.memory_space<vmem>>
        %dma_start3A_212 = tpu.memref_squeeze %dma_start3A_211 : memref<1x128x64xf32, #tpu.memory_space<vmem>> -> memref<128x64xf32, #tpu.memory_space<vmem>>
        %dma_start3A_213 = arith.constant 0 : i32
        %dma_start3A_214 = tpu.memref_slice %arg6[%add3A_188, %dma_start3A_213] : memref<79x128xi32, #tpu.memory_space<vmem>> -> memref<1x128xi32, #tpu.memory_space<vmem>>
        %dma_start3A_215 = tpu.memref_squeeze %dma_start3A_214 : memref<1x128xi32, #tpu.memory_space<vmem>> -> memref<128xi32, #tpu.memory_space<vmem>>
        %dma_start3A_216 = arith.constant 0 : i32
        %dma_start3A_217 = arith.constant 0 : i32
        %dma_start3A_218 = tpu.memref_slice %arg9[%dma_start3A_216, %dma_start3A_217] : memref<10112x64xf32, #tpu.memory_space<vmem_shared>> -> memref<10112x64xf32, #tpu.memory_space<vmem_shared>>
        tpu.enqueue_indirect_dma source(%dma_start3A_212 : memref<128x64xf32, #tpu.memory_space<vmem>>) target(%dma_start3A_218 : memref<10112x64xf32, #tpu.memory_space<vmem_shared>>) offsets(%dma_start3A_215 : memref<128xi32, #tpu.memory_space<vmem>>) semaphore(%run_scoped3A_208 : memref<!tpu.dma_semaphore, #tpu.memory_space<semaphore_mem>>) {add = true}
        %dma_wait3A_219 = arith.constant 0 : i32
        %dma_wait3A_220 = arith.constant 0 : i32
        %dma_wait3A_221 = tpu.memref_slice %arg7[%run_scoped3A_200, %dma_wait3A_219, %dma_wait3A_220] : memref<3x128x64xf32, #tpu.memory_space<vmem>> -> memref<1x128x64xf32, #tpu.memory_space<vmem>>
        %dma_wait3A_222 = tpu.memref_squeeze %dma_wait3A_221 : memref<1x128x64xf32, #tpu.memory_space<vmem>> -> memref<128x64xf32, #tpu.memory_space<vmem>>
        %dma_wait3A_223 = arith.constant 0 : i32
        %dma_wait3A_224 = tpu.memref_slice %arg6[%add3A_188, %dma_wait3A_223] : memref<79x128xi32, #tpu.memory_space<vmem>> -> memref<1x128xi32, #tpu.memory_space<vmem>>
        %dma_wait3A_225 = tpu.memref_squeeze %dma_wait3A_224 : memref<1x128xi32, #tpu.memory_space<vmem>> -> memref<128xi32, #tpu.memory_space<vmem>>
        %dma_wait3A_226 = arith.constant 0 : i32
        %dma_wait3A_227 = arith.constant 0 : i32
        %dma_wait3A_228 = tpu.memref_slice %arg9[%dma_wait3A_226, %dma_wait3A_227] : memref<10112x64xf32, #tpu.memory_space<vmem_shared>> -> memref<10112x64xf32, #tpu.memory_space<vmem_shared>>
        tpu.wait_indirect_dma semaphore(%run_scoped3A_208 : memref<!tpu.dma_semaphore, #tpu.memory_space<semaphore_mem>>) src(%dma_wait3A_222 : memref<128x64xf32, #tpu.memory_space<vmem>>) dst(%dma_wait3A_228 : memref<10112x64xf32, #tpu.memory_space<vmem_shared>>)
        tpu.yield
      }) : () -> ()
      %add3A_201 = arith.constant 3 : i32
      %add3A_202 = arith.addi %add3A_188, %add3A_201 : i32
      %lt3A_203 = arith.constant 78 : i32
      %lt3A_204 = arith.cmpi slt, %add3A_202, %lt3A_203 : i32
      %convert_element_type3A_205 = arith.extui %lt3A_204 : i1 to i32
      %cond3A_206 = arith.constant 0 : i32
      %cond3A_207 = arith.cmpi ne, %convert_element_type3A_205, %cond3A_206 : i32
      scf.if %cond3A_207 {
        %add3A_208 = arith.constant 3 : i32
        %add3A_209 = arith.addi %add3A_188, %add3A_208 : i32
        %dma_start3A_210 = arith.constant 2 : i32
        %dma_start3A_211 = arith.constant 0 : i32
        %dma_start3A_212 = arith.constant 0 : i32
        %dma_start3A_213 = tpu.memref_slice %arg7[%dma_start3A_210, %dma_start3A_211, %dma_start3A_212] : memref<3x128x64xf32, #tpu.memory_space<vmem>> -> memref<1x128x64xf32, #tpu.memory_space<vmem>>
        %dma_start3A_214 = tpu.memref_squeeze %dma_start3A_213 : memref<1x128x64xf32, #tpu.memory_space<vmem>> -> memref<128x64xf32, #tpu.memory_space<vmem>>
        %dma_start3A_215 = arith.constant 0 : i32
        %dma_start3A_216 = tpu.memref_slice %arg5[%add3A_209, %dma_start3A_215] : memref<79x128xi32, #tpu.memory_space<vmem>> -> memref<1x128xi32, #tpu.memory_space<vmem>>
        %dma_start3A_217 = tpu.memref_squeeze %dma_start3A_216 : memref<1x128xi32, #tpu.memory_space<vmem>> -> memref<128xi32, #tpu.memory_space<vmem>>
        %dma_start3A_218 = arith.constant 0 : i32
        %dma_start3A_219 = arith.constant 0 : i32
        %dma_start3A_220 = tpu.memref_slice %arg2[%dma_start3A_218, %dma_start3A_219] : memref<10000x64xf32, #tpu.memory_space<hbm>> -> memref<10000x64xf32, #tpu.memory_space<hbm>>
        tpu.enqueue_indirect_dma source(%dma_start3A_220 : memref<10000x64xf32, #tpu.memory_space<hbm>>) target(%dma_start3A_214 : memref<128x64xf32, #tpu.memory_space<vmem>>) offsets(%dma_start3A_217 : memref<128xi32, #tpu.memory_space<vmem>>) semaphore(%arg12 : memref<!tpu.dma_semaphore, #tpu.memory_space<semaphore_mem>>)
      } else {
      }
    }
    %scan3A_128 = arith.constant 26 : i32
    %lt3A_129 = arith.constant 4 : i32
    %lt3A_130 = arith.cmpi slt, %add3A, %lt3A_129 : i32
    %convert_element_type3A_131 = arith.extui %lt3A_130 : i1 to i32
    %cond3A_132 = arith.constant 0 : i32
    %cond3A_133 = arith.cmpi ne, %convert_element_type3A_131, %cond3A_132 : i32
    scf.if %cond3A_133 {
      %dma_start3A_139 = arith.constant 78 : i32
      %dma_start3A_140 = arith.constant 0 : i32
      %dma_start3A_141 = arith.constant 0 : i32
      %dma_start3A_142 = arith.constant 0 : i32
      %dma_start3A_143 = tpu.memref_slice %arg7[%dma_start3A_140, %dma_start3A_141, %dma_start3A_142] : memref<3x128x64xf32, #tpu.memory_space<vmem>> -> memref<1x128x64xf32, #tpu.memory_space<vmem>>
      %dma_start3A_144 = tpu.memref_squeeze %dma_start3A_143 : memref<1x128x64xf32, #tpu.memory_space<vmem>> -> memref<128x64xf32, #tpu.memory_space<vmem>>
      %dma_start3A_145 = arith.constant 0 : i32
      %dma_start3A_146 = tpu.memref_slice %arg5[%dma_start3A_139, %dma_start3A_145] : memref<79x128xi32, #tpu.memory_space<vmem>> -> memref<1x128xi32, #tpu.memory_space<vmem>>
      %dma_start3A_147 = tpu.memref_squeeze %dma_start3A_146 : memref<1x128xi32, #tpu.memory_space<vmem>> -> memref<128xi32, #tpu.memory_space<vmem>>
      %dma_start3A_148 = arith.constant 0 : i32
      %dma_start3A_149 = arith.constant 0 : i32
      %dma_start3A_150 = tpu.memref_slice %arg2[%dma_start3A_148, %dma_start3A_149] : memref<10000x64xf32, #tpu.memory_space<hbm>> -> memref<10000x64xf32, #tpu.memory_space<hbm>>
      tpu.enqueue_indirect_dma source(%dma_start3A_150 : memref<10000x64xf32, #tpu.memory_space<hbm>>) target(%dma_start3A_144 : memref<128x64xf32, #tpu.memory_space<vmem>>) offsets(%dma_start3A_147 : memref<128xi32, #tpu.memory_space<vmem>>) semaphore(%arg10 : memref<!tpu.dma_semaphore, #tpu.memory_space<semaphore_mem>>)
      %dma_wait3A_151 = arith.constant 78 : i32
      %dma_wait3A_152 = arith.constant 0 : i32
      %dma_wait3A_153 = arith.constant 0 : i32
      %dma_wait3A_154 = arith.constant 0 : i32
      %dma_wait3A_155 = tpu.memref_slice %arg7[%dma_wait3A_152, %dma_wait3A_153, %dma_wait3A_154] : memref<3x128x64xf32, #tpu.memory_space<vmem>> -> memref<1x128x64xf32, #tpu.memory_space<vmem>>
      %dma_wait3A_156 = tpu.memref_squeeze %dma_wait3A_155 : memref<1x128x64xf32, #tpu.memory_space<vmem>> -> memref<128x64xf32, #tpu.memory_space<vmem>>
      %dma_wait3A_157 = arith.constant 0 : i32
      %dma_wait3A_158 = tpu.memref_slice %arg5[%dma_wait3A_151, %dma_wait3A_157] : memref<79x128xi32, #tpu.memory_space<vmem>> -> memref<1x128xi32, #tpu.memory_space<vmem>>
      %dma_wait3A_159 = tpu.memref_squeeze %dma_wait3A_158 : memref<1x128xi32, #tpu.memory_space<vmem>> -> memref<128xi32, #tpu.memory_space<vmem>>
      %dma_wait3A_160 = arith.constant 0 : i32
      %dma_wait3A_161 = arith.constant 0 : i32
      %dma_wait3A_162 = tpu.memref_slice %arg2[%dma_wait3A_160, %dma_wait3A_161] : memref<10000x64xf32, #tpu.memory_space<hbm>> -> memref<10000x64xf32, #tpu.memory_space<hbm>>
      tpu.wait_indirect_dma semaphore(%arg10 : memref<!tpu.dma_semaphore, #tpu.memory_space<semaphore_mem>>) src(%dma_wait3A_162 : memref<10000x64xf32, #tpu.memory_space<hbm>>) dst(%dma_wait3A_156 : memref<128x64xf32, #tpu.memory_space<vmem>>)
      %run_scoped3A = arith.constant 0 : i32
      %run_scoped3A_163 = arith.constant 78 : i32
      "tpu.region"() ({
        %run_scoped3A_164 = tpu.sem_alloc : memref<!tpu.dma_semaphore, #tpu.memory_space<semaphore_mem>>
        %dma_start3A_165 = arith.constant 0 : i32
        %dma_start3A_166 = arith.constant 0 : i32
        %dma_start3A_167 = tpu.memref_slice %arg7[%run_scoped3A, %dma_start3A_165, %dma_start3A_166] : memref<3x128x64xf32, #tpu.memory_space<vmem>> -> memref<1x128x64xf32, #tpu.memory_space<vmem>>
        %dma_start3A_168 = tpu.memref_squeeze %dma_start3A_167 : memref<1x128x64xf32, #tpu.memory_space<vmem>> -> memref<128x64xf32, #tpu.memory_space<vmem>>
        %dma_start3A_169 = arith.constant 0 : i32
        %dma_start3A_170 = tpu.memref_slice %arg6[%run_scoped3A_163, %dma_start3A_169] : memref<79x128xi32, #tpu.memory_space<vmem>> -> memref<1x128xi32, #tpu.memory_space<vmem>>
        %dma_start3A_171 = tpu.memref_squeeze %dma_start3A_170 : memref<1x128xi32, #tpu.memory_space<vmem>> -> memref<128xi32, #tpu.memory_space<vmem>>
        %dma_start3A_172 = arith.constant 0 : i32
        %dma_start3A_173 = arith.constant 0 : i32
        %dma_start3A_174 = tpu.memref_slice %arg9[%dma_start3A_172, %dma_start3A_173] : memref<10112x64xf32, #tpu.memory_space<vmem_shared>> -> memref<10112x64xf32, #tpu.memory_space<vmem_shared>>
        tpu.enqueue_indirect_dma source(%dma_start3A_168 : memref<128x64xf32, #tpu.memory_space<vmem>>) target(%dma_start3A_174 : memref<10112x64xf32, #tpu.memory_space<vmem_shared>>) offsets(%dma_start3A_171 : memref<128xi32, #tpu.memory_space<vmem>>) semaphore(%run_scoped3A_164 : memref<!tpu.dma_semaphore, #tpu.memory_space<semaphore_mem>>) {add = true}
        %dma_wait3A_175 = arith.constant 0 : i32
        %dma_wait3A_176 = arith.constant 0 : i32
        %dma_wait3A_177 = tpu.memref_slice %arg7[%run_scoped3A, %dma_wait3A_175, %dma_wait3A_176] : memref<3x128x64xf32, #tpu.memory_space<vmem>> -> memref<1x128x64xf32, #tpu.memory_space<vmem>>
        %dma_wait3A_178 = tpu.memref_squeeze %dma_wait3A_177 : memref<1x128x64xf32, #tpu.memory_space<vmem>> -> memref<128x64xf32, #tpu.memory_space<vmem>>
        %dma_wait3A_179 = arith.constant 0 : i32
        %dma_wait3A_180 = tpu.memref_slice %arg6[%run_scoped3A_163, %dma_wait3A_179] : memref<79x128xi32, #tpu.memory_space<vmem>> -> memref<1x128xi32, #tpu.memory_space<vmem>>
        %dma_wait3A_181 = tpu.memref_squeeze %dma_wait3A_180 : memref<1x128xi32, #tpu.memory_space<vmem>> -> memref<128xi32, #tpu.memory_space<vmem>>
        %dma_wait3A_182 = arith.constant 0 : i32
        %dma_wait3A_183 = arith.constant 0 : i32
        %dma_wait3A_184 = tpu.memref_slice %arg9[%dma_wait3A_182, %dma_wait3A_183] : memref<10112x64xf32, #tpu.memory_space<vmem_shared>> -> memref<10112x64xf32, #tpu.memory_space<vmem_shared>>
        tpu.wait_indirect_dma semaphore(%run_scoped3A_164 : memref<!tpu.dma_semaphore, #tpu.memory_space<semaphore_mem>>) src(%dma_wait3A_178 : memref<128x64xf32, #tpu.memory_space<vmem>>) dst(%dma_wait3A_184 : memref<10112x64xf32, #tpu.memory_space<vmem_shared>>)
        tpu.yield
      }) : () -> ()
    } else {
    }
    %barrier3A_134 = arith.constant 0 : index
    tpu.barrier barrier_id(%barrier3A_134)
    %mul3A_135 = arith.constant 632 : i32
    %mul3A_136 = arith.muli %arg1, %mul3A_135 : i32
    "tpu.region"() ({
      %run_scoped3A = tpu.sem_alloc : memref<!tpu.dma_semaphore, #tpu.memory_space<semaphore_mem>>
      %dma_start3A_139 = arith.constant 0 : i32
      %dma_start3A_140 = tpu.memref_slice %arg9[%mul3A_136, %dma_start3A_139] : memref<10112x64xf32, #tpu.memory_space<vmem_shared>> -> memref<632x64xf32, #tpu.memory_space<vmem_shared>>
      %dma_start3A_141 = arith.constant 0 : i32
      %dma_start3A_142 = tpu.memref_slice %arg9[%mul3A_136, %dma_start3A_141] : memref<10112x64xf32, #tpu.memory_space<vmem_shared>> -> memref<632x64xf32, #tpu.memory_space<vmem_shared>>
      tpu.enqueue_dma source(%dma_start3A_142 : memref<632x64xf32, #tpu.memory_space<vmem_shared>>) target(%arg8 : memref<632x64xf32, #tpu.memory_space<vmem>>) target_semaphore(%run_scoped3A : memref<!tpu.dma_semaphore, #tpu.memory_space<semaphore_mem>>)
      %dma_wait3A_143 = arith.constant 0 : i32
      %dma_wait3A_144 = tpu.memref_slice %arg9[%mul3A_136, %dma_wait3A_143] : memref<10112x64xf32, #tpu.memory_space<vmem_shared>> -> memref<632x64xf32, #tpu.memory_space<vmem_shared>>
      %dma_wait3A_145 = arith.constant 0 : i32
      %dma_wait3A_146 = tpu.memref_slice %arg9[%mul3A_136, %dma_wait3A_145] : memref<10112x64xf32, #tpu.memory_space<vmem_shared>> -> memref<632x64xf32, #tpu.memory_space<vmem_shared>>
      tpu.wait_dma2 semaphore(%run_scoped3A : memref<!tpu.dma_semaphore, #tpu.memory_space<semaphore_mem>>) src(%dma_wait3A_146 : memref<632x64xf32, #tpu.memory_space<vmem_shared>>) dst(%arg8 : memref<632x64xf32, #tpu.memory_space<vmem>>)
      tpu.yield
    }) : () -> ()
    %mul3A_137 = arith.constant 632 : i32
    %mul3A_138 = arith.muli %arg1, %mul3A_137 : i32
    "tpu.region"() ({
      %run_scoped3A = tpu.sem_alloc : memref<!tpu.dma_semaphore, #tpu.memory_space<semaphore_mem>>
      %dma_start3A_139 = arith.constant 0 : i32
      %dma_start3A_140 = arith.constant 0 : i32
      %dma_start3A_141 = tpu.memref_slice %arg4[%arg0, %dma_start3A_139, %dma_start3A_140] : memref<2x10112x64xf32, #tpu.memory_space<hbm>> -> memref<1x10112x64xf32, #tpu.memory_space<hbm>>
      %dma_start3A_142 = tpu.memref_squeeze %dma_start3A_141 : memref<1x10112x64xf32, #tpu.memory_space<hbm>> -> memref<10112x64xf32, #tpu.memory_space<hbm>>
      %dma_start3A_143 = arith.constant 0 : i32
      %dma_start3A_144 = tpu.memref_slice %dma_start3A_142[%mul3A_138, %dma_start3A_143] : memref<10112x64xf32, #tpu.memory_space<hbm>> -> memref<632x64xf32, #tpu.memory_space<hbm>>
      %dma_start3A_145 = arith.constant 0 : i32
      %dma_start3A_146 = arith.constant 0 : i32
      %dma_start3A_147 = tpu.memref_slice %arg4[%arg0, %dma_start3A_145, %dma_start3A_146] : memref<2x10112x64xf32, #tpu.memory_space<hbm>> -> memref<1x10112x64xf32, #tpu.memory_space<hbm>>
      %dma_start3A_148 = tpu.memref_squeeze %dma_start3A_147 : memref<1x10112x64xf32, #tpu.memory_space<hbm>> -> memref<10112x64xf32, #tpu.memory_space<hbm>>
      %dma_start3A_149 = arith.constant 0 : i32
      %dma_start3A_150 = tpu.memref_slice %dma_start3A_148[%mul3A_138, %dma_start3A_149] : memref<10112x64xf32, #tpu.memory_space<hbm>> -> memref<632x64xf32, #tpu.memory_space<hbm>>
      tpu.enqueue_dma source(%arg8 : memref<632x64xf32, #tpu.memory_space<vmem>>) target(%dma_start3A_150 : memref<632x64xf32, #tpu.memory_space<hbm>>) target_semaphore(%run_scoped3A : memref<!tpu.dma_semaphore, #tpu.memory_space<semaphore_mem>>)
      %dma_wait3A_151 = arith.constant 0 : i32
      %dma_wait3A_152 = arith.constant 0 : i32
      %dma_wait3A_153 = tpu.memref_slice %arg4[%arg0, %dma_wait3A_151, %dma_wait3A_152] : memref<2x10112x64xf32, #tpu.memory_space<hbm>> -> memref<1x10112x64xf32, #tpu.memory_space<hbm>>
      %dma_wait3A_154 = tpu.memref_squeeze %dma_wait3A_153 : memref<1x10112x64xf32, #tpu.memory_space<hbm>> -> memref<10112x64xf32, #tpu.memory_space<hbm>>
      %dma_wait3A_155 = arith.constant 0 : i32
      %dma_wait3A_156 = tpu.memref_slice %dma_wait3A_154[%mul3A_138, %dma_wait3A_155] : memref<10112x64xf32, #tpu.memory_space<hbm>> -> memref<632x64xf32, #tpu.memory_space<hbm>>
      %dma_wait3A_157 = arith.constant 0 : i32
      %dma_wait3A_158 = arith.constant 0 : i32
      %dma_wait3A_159 = tpu.memref_slice %arg4[%arg0, %dma_wait3A_157, %dma_wait3A_158] : memref<2x10112x64xf32, #tpu.memory_space<hbm>> -> memref<1x10112x64xf32, #tpu.memory_space<hbm>>
      %dma_wait3A_160 = tpu.memref_squeeze %dma_wait3A_159 : memref<1x10112x64xf32, #tpu.memory_space<hbm>> -> memref<10112x64xf32, #tpu.memory_space<hbm>>
      %dma_wait3A_161 = arith.constant 0 : i32
      %dma_wait3A_162 = tpu.memref_slice %dma_wait3A_160[%mul3A_138, %dma_wait3A_161] : memref<10112x64xf32, #tpu.memory_space<hbm>> -> memref<632x64xf32, #tpu.memory_space<hbm>>
      tpu.wait_dma2 semaphore(%run_scoped3A : memref<!tpu.dma_semaphore, #tpu.memory_space<semaphore_mem>>) src(%arg8 : memref<632x64xf32, #tpu.memory_space<vmem>>) dst(%dma_wait3A_162 : memref<632x64xf32, #tpu.memory_space<hbm>>)
      tpu.yield
    }) : () -> ()
    return
  }
}

#map = affine_map<(d0, d1) -> (0, 0)>
#map1 = affine_map<(d0, d1) -> (0, 0, 0)>
module attributes {stable_mosaic.version = 14 : i64} {
  func.func @edge_kernel(%arg0: i32, %arg1: i32, %arg2: memref<10240x64xf32, #tpu.memory_space<hbm>>, %arg3: memref<2x2500x128xi32, #tpu.memory_space<hbm>>, %arg4: memref<2x10112x64xf32, #tpu.memory_space<hbm>>, %arg5: memref<79x128xi32, #tpu.memory_space<vmem>>, %arg6: memref<79x128xi32, #tpu.memory_space<vmem>>, %arg7: memref<3x128x64xf32, #tpu.memory_space<vmem>>, %arg8: memref<632x64xf32, #tpu.memory_space<vmem>>, %arg9: memref<10112x64xf32, #tpu.memory_space<vmem_shared>>, %arg10: memref<!tpu.dma_semaphore, #tpu.memory_space<semaphore_mem>>, %arg11: memref<!tpu.dma_semaphore, #tpu.memory_space<semaphore_mem>>, %arg12: memref<!tpu.dma_semaphore, #tpu.memory_space<semaphore_mem>>) attributes {dimension_semantics = [#tpu.dimension_semantics<core_parallel>, #tpu.dimension_semantics<subcore_parallel>], iteration_bounds = array<i64: 2, 16>, scalar_prefetch = 0 : i64, scratch_operands = 8 : i64, tpu.core_type = #tpu.core_type<sc_vector_subcore>, window_params = [{transform_indices = #map}, {transform_indices = #map1}, {transform_indices = #map1}]} {
    %mul3A = arith.constant 16 : i32
    %mul3A_0 = arith.muli %arg0, %mul3A : i32
    %add3A = arith.addi %mul3A_0, %arg1 : i32
    %mul3A_1 = arith.constant 78 : i32
    %mul3A_2 = arith.muli %add3A, %mul3A_1 : i32
    %dma_start3A = arith.constant 0 : i32
    %dma_start3A_3 = arith.constant 0 : i32
    %dma_start3A_4 = arith.constant 0 : i32
    %dma_start3A_5 = tpu.memref_slice %arg5[%dma_start3A_3, %dma_start3A_4] : memref<79x128xi32, #tpu.memory_space<vmem>> -> memref<78x128xi32, #tpu.memory_space<vmem>>
    %dma_start3A_6 = arith.constant 0 : i32
    %dma_start3A_7 = arith.constant 0 : i32
    %dma_start3A_8 = tpu.memref_slice %arg3[%dma_start3A, %dma_start3A_6, %dma_start3A_7] : memref<2x2500x128xi32, #tpu.memory_space<hbm>> -> memref<1x2500x128xi32, #tpu.memory_space<hbm>>
    %dma_start3A_9 = tpu.memref_squeeze %dma_start3A_8 : memref<1x2500x128xi32, #tpu.memory_space<hbm>> -> memref<2500x128xi32, #tpu.memory_space<hbm>>
    %dma_start3A_10 = arith.constant 0 : i32
    %dma_start3A_11 = tpu.memref_slice %dma_start3A_9[%mul3A_2, %dma_start3A_10] : memref<2500x128xi32, #tpu.memory_space<hbm>> -> memref<78x128xi32, #tpu.memory_space<hbm>>
    %dma_start3A_12 = arith.constant 0 : i32
    %dma_start3A_13 = arith.constant 0 : i32
    %dma_start3A_14 = tpu.memref_slice %arg5[%dma_start3A_12, %dma_start3A_13] : memref<79x128xi32, #tpu.memory_space<vmem>> -> memref<78x128xi32, #tpu.memory_space<vmem>>
    %dma_start3A_15 = arith.constant 0 : i32
    %dma_start3A_16 = arith.constant 0 : i32
    %dma_start3A_17 = tpu.memref_slice %arg3[%dma_start3A, %dma_start3A_15, %dma_start3A_16] : memref<2x2500x128xi32, #tpu.memory_space<hbm>> -> memref<1x2500x128xi32, #tpu.memory_space<hbm>>
    %dma_start3A_18 = tpu.memref_squeeze %dma_start3A_17 : memref<1x2500x128xi32, #tpu.memory_space<hbm>> -> memref<2500x128xi32, #tpu.memory_space<hbm>>
    %dma_start3A_19 = arith.constant 0 : i32
    %dma_start3A_20 = tpu.memref_slice %dma_start3A_18[%mul3A_2, %dma_start3A_19] : memref<2500x128xi32, #tpu.memory_space<hbm>> -> memref<78x128xi32, #tpu.memory_space<hbm>>
    tpu.enqueue_dma source(%dma_start3A_20 : memref<78x128xi32, #tpu.memory_space<hbm>>) target(%dma_start3A_14 : memref<78x128xi32, #tpu.memory_space<vmem>>) target_semaphore(%arg10 : memref<!tpu.dma_semaphore, #tpu.memory_space<semaphore_mem>>)
    %mul3A_21 = arith.constant 78 : i32
    %mul3A_22 = arith.muli %add3A, %mul3A_21 : i32
    %dma_start3A_23 = arith.constant 1 : i32
    %dma_start3A_24 = arith.constant 0 : i32
    %dma_start3A_25 = arith.constant 0 : i32
    %dma_start3A_26 = tpu.memref_slice %arg6[%dma_start3A_24, %dma_start3A_25] : memref<79x128xi32, #tpu.memory_space<vmem>> -> memref<78x128xi32, #tpu.memory_space<vmem>>
    %dma_start3A_27 = arith.constant 0 : i32
    %dma_start3A_28 = arith.constant 0 : i32
    %dma_start3A_29 = tpu.memref_slice %arg3[%dma_start3A_23, %dma_start3A_27, %dma_start3A_28] : memref<2x2500x128xi32, #tpu.memory_space<hbm>> -> memref<1x2500x128xi32, #tpu.memory_space<hbm>>
    %dma_start3A_30 = tpu.memref_squeeze %dma_start3A_29 : memref<1x2500x128xi32, #tpu.memory_space<hbm>> -> memref<2500x128xi32, #tpu.memory_space<hbm>>
    %dma_start3A_31 = arith.constant 0 : i32
    %dma_start3A_32 = tpu.memref_slice %dma_start3A_30[%mul3A_22, %dma_start3A_31] : memref<2500x128xi32, #tpu.memory_space<hbm>> -> memref<78x128xi32, #tpu.memory_space<hbm>>
    %dma_start3A_33 = arith.constant 0 : i32
    %dma_start3A_34 = arith.constant 0 : i32
    %dma_start3A_35 = tpu.memref_slice %arg6[%dma_start3A_33, %dma_start3A_34] : memref<79x128xi32, #tpu.memory_space<vmem>> -> memref<78x128xi32, #tpu.memory_space<vmem>>
    %dma_start3A_36 = arith.constant 0 : i32
    %dma_start3A_37 = arith.constant 0 : i32
    %dma_start3A_38 = tpu.memref_slice %arg3[%dma_start3A_23, %dma_start3A_36, %dma_start3A_37] : memref<2x2500x128xi32, #tpu.memory_space<hbm>> -> memref<1x2500x128xi32, #tpu.memory_space<hbm>>
    %dma_start3A_39 = tpu.memref_squeeze %dma_start3A_38 : memref<1x2500x128xi32, #tpu.memory_space<hbm>> -> memref<2500x128xi32, #tpu.memory_space<hbm>>
    %dma_start3A_40 = arith.constant 0 : i32
    %dma_start3A_41 = tpu.memref_slice %dma_start3A_39[%mul3A_22, %dma_start3A_40] : memref<2500x128xi32, #tpu.memory_space<hbm>> -> memref<78x128xi32, #tpu.memory_space<hbm>>
    tpu.enqueue_dma source(%dma_start3A_41 : memref<78x128xi32, #tpu.memory_space<hbm>>) target(%dma_start3A_35 : memref<78x128xi32, #tpu.memory_space<vmem>>) target_semaphore(%arg11 : memref<!tpu.dma_semaphore, #tpu.memory_space<semaphore_mem>>)
    %broadcast_in_dim3A = arith.constant 0.000000e+00 : f32
    %broadcast_in_dim3A_42 = vector.broadcast %broadcast_in_dim3A : f32 to vector<16xf32>
    %scan3A = arith.constant 0 : i32
    %scan3A_43 = arith.constant 632 : i32
    %scan3A_44 = arith.addi %scan3A, %scan3A_43 : i32
    %scan3A_45 = arith.constant 1 : i32
    scf.for %scan3A_139 = %scan3A to %scan3A_44 step %scan3A_45  : i32 {
      %mul3A_140 = arith.constant 1 : i32
      %mul3A_141 = arith.muli %scan3A_139, %mul3A_140 : i32
      %add3A_142 = arith.constant 0 : i32
      %add3A_143 = arith.addi %add3A_142, %mul3A_141 : i32
      %swap3A = arith.constant 0 : i32
      %swap3A_144 = tpu.memref_slice %arg8[%add3A_143, %swap3A] : memref<632x64xf32, #tpu.memory_space<vmem>> -> memref<1x64xf32, #tpu.memory_space<vmem>>
      %swap3A_145 = tpu.memref_squeeze %swap3A_144 : memref<1x64xf32, #tpu.memory_space<vmem>> -> memref<64xf32, #tpu.memory_space<vmem>>
      %swap3A_146 = arith.constant 0 : index
      %swap3A_147 = tpu.vector_load %swap3A_145[%swap3A_146] {strides = array<i32>} : memref<64xf32, #tpu.memory_space<vmem>>, vector<16xf32>,
      tpu.vector_store %swap3A_145[%swap3A_146], %broadcast_in_dim3A_42 {strides = array<i32>} : memref<64xf32, #tpu.memory_space<vmem>>, vector<16xf32>,
      %swap3A_148 = arith.constant 0 : i32
      %swap3A_149 = tpu.memref_slice %arg8[%add3A_143, %swap3A_148] : memref<632x64xf32, #tpu.memory_space<vmem>> -> memref<1x64xf32, #tpu.memory_space<vmem>>
      %swap3A_150 = tpu.memref_squeeze %swap3A_149 : memref<1x64xf32, #tpu.memory_space<vmem>> -> memref<64xf32, #tpu.memory_space<vmem>>
      %swap3A_151 = arith.constant 16 : index
      %swap3A_152 = tpu.vector_load %swap3A_150[%swap3A_151] {strides = array<i32>} : memref<64xf32, #tpu.memory_space<vmem>>, vector<16xf32>,
      tpu.vector_store %swap3A_150[%swap3A_151], %broadcast_in_dim3A_42 {strides = array<i32>} : memref<64xf32, #tpu.memory_space<vmem>>, vector<16xf32>,
      %swap3A_153 = arith.constant 0 : i32
      %swap3A_154 = tpu.memref_slice %arg8[%add3A_143, %swap3A_153] : memref<632x64xf32, #tpu.memory_space<vmem>> -> memref<1x64xf32, #tpu.memory_space<vmem>>
      %swap3A_155 = tpu.memref_squeeze %swap3A_154 : memref<1x64xf32, #tpu.memory_space<vmem>> -> memref<64xf32, #tpu.memory_space<vmem>>
      %swap3A_156 = arith.constant 32 : index
      %swap3A_157 = tpu.vector_load %swap3A_155[%swap3A_156] {strides = array<i32>} : memref<64xf32, #tpu.memory_space<vmem>>, vector<16xf32>,
      tpu.vector_store %swap3A_155[%swap3A_156], %broadcast_in_dim3A_42 {strides = array<i32>} : memref<64xf32, #tpu.memory_space<vmem>>, vector<16xf32>,
      %swap3A_158 = arith.constant 0 : i32
      %swap3A_159 = tpu.memref_slice %arg8[%add3A_143, %swap3A_158] : memref<632x64xf32, #tpu.memory_space<vmem>> -> memref<1x64xf32, #tpu.memory_space<vmem>>
      %swap3A_160 = tpu.memref_squeeze %swap3A_159 : memref<1x64xf32, #tpu.memory_space<vmem>> -> memref<64xf32, #tpu.memory_space<vmem>>
      %swap3A_161 = arith.constant 48 : index
      %swap3A_162 = tpu.vector_load %swap3A_160[%swap3A_161] {strides = array<i32>} : memref<64xf32, #tpu.memory_space<vmem>>, vector<16xf32>,
      tpu.vector_store %swap3A_160[%swap3A_161], %broadcast_in_dim3A_42 {strides = array<i32>} : memref<64xf32, #tpu.memory_space<vmem>>, vector<16xf32>,
    }
    %scan3A_46 = arith.constant 632 : i32
    %mul3A_47 = arith.constant 632 : i32
    %mul3A_48 = arith.muli %arg1, %mul3A_47 : i32
    "tpu.region"() ({
      %run_scoped3A = tpu.sem_alloc : memref<!tpu.dma_semaphore, #tpu.memory_space<semaphore_mem>>
      %dma_start3A_139 = arith.constant 0 : i32
      %dma_start3A_140 = tpu.memref_slice %arg9[%mul3A_48, %dma_start3A_139] : memref<10112x64xf32, #tpu.memory_space<vmem_shared>> -> memref<632x64xf32, #tpu.memory_space<vmem_shared>>
      %dma_start3A_141 = arith.constant 0 : i32
      %dma_start3A_142 = tpu.memref_slice %arg9[%mul3A_48, %dma_start3A_141] : memref<10112x64xf32, #tpu.memory_space<vmem_shared>> -> memref<632x64xf32, #tpu.memory_space<vmem_shared>>
      tpu.enqueue_dma source(%arg8 : memref<632x64xf32, #tpu.memory_space<vmem>>) target(%dma_start3A_142 : memref<632x64xf32, #tpu.memory_space<vmem_shared>>) target_semaphore(%run_scoped3A : memref<!tpu.dma_semaphore, #tpu.memory_space<semaphore_mem>>)
      %dma_wait3A_143 = arith.constant 0 : i32
      %dma_wait3A_144 = tpu.memref_slice %arg9[%mul3A_48, %dma_wait3A_143] : memref<10112x64xf32, #tpu.memory_space<vmem_shared>> -> memref<632x64xf32, #tpu.memory_space<vmem_shared>>
      %dma_wait3A_145 = arith.constant 0 : i32
      %dma_wait3A_146 = tpu.memref_slice %arg9[%mul3A_48, %dma_wait3A_145] : memref<10112x64xf32, #tpu.memory_space<vmem_shared>> -> memref<632x64xf32, #tpu.memory_space<vmem_shared>>
      tpu.wait_dma2 semaphore(%run_scoped3A : memref<!tpu.dma_semaphore, #tpu.memory_space<semaphore_mem>>) src(%arg8 : memref<632x64xf32, #tpu.memory_space<vmem>>) dst(%dma_wait3A_146 : memref<632x64xf32, #tpu.memory_space<vmem_shared>>)
      tpu.yield
    }) : () -> ()
    %dma_wait3A = arith.constant 0 : i32
    %dma_wait3A_49 = arith.constant 0 : i32
    %dma_wait3A_50 = arith.constant 0 : i32
    %dma_wait3A_51 = tpu.memref_slice %arg5[%dma_wait3A_49, %dma_wait3A_50] : memref<79x128xi32, #tpu.memory_space<vmem>> -> memref<78x128xi32, #tpu.memory_space<vmem>>
    %dma_wait3A_52 = arith.constant 0 : i32
    %dma_wait3A_53 = arith.constant 0 : i32
    %dma_wait3A_54 = tpu.memref_slice %arg3[%dma_wait3A, %dma_wait3A_52, %dma_wait3A_53] : memref<2x2500x128xi32, #tpu.memory_space<hbm>> -> memref<1x2500x128xi32, #tpu.memory_space<hbm>>
    %dma_wait3A_55 = tpu.memref_squeeze %dma_wait3A_54 : memref<1x2500x128xi32, #tpu.memory_space<hbm>> -> memref<2500x128xi32, #tpu.memory_space<hbm>>
    %dma_wait3A_56 = arith.constant 0 : i32
    %dma_wait3A_57 = tpu.memref_slice %dma_wait3A_55[%mul3A_2, %dma_wait3A_56] : memref<2500x128xi32, #tpu.memory_space<hbm>> -> memref<78x128xi32, #tpu.memory_space<hbm>>
    %dma_wait3A_58 = arith.constant 0 : i32
    %dma_wait3A_59 = arith.constant 0 : i32
    %dma_wait3A_60 = tpu.memref_slice %arg5[%dma_wait3A_58, %dma_wait3A_59] : memref<79x128xi32, #tpu.memory_space<vmem>> -> memref<78x128xi32, #tpu.memory_space<vmem>>
    %dma_wait3A_61 = arith.constant 0 : i32
    %dma_wait3A_62 = arith.constant 0 : i32
    %dma_wait3A_63 = tpu.memref_slice %arg3[%dma_wait3A, %dma_wait3A_61, %dma_wait3A_62] : memref<2x2500x128xi32, #tpu.memory_space<hbm>> -> memref<1x2500x128xi32, #tpu.memory_space<hbm>>
    %dma_wait3A_64 = tpu.memref_squeeze %dma_wait3A_63 : memref<1x2500x128xi32, #tpu.memory_space<hbm>> -> memref<2500x128xi32, #tpu.memory_space<hbm>>
    %dma_wait3A_65 = arith.constant 0 : i32
    %dma_wait3A_66 = tpu.memref_slice %dma_wait3A_64[%mul3A_2, %dma_wait3A_65] : memref<2500x128xi32, #tpu.memory_space<hbm>> -> memref<78x128xi32, #tpu.memory_space<hbm>>
    tpu.wait_dma2 semaphore(%arg10 : memref<!tpu.dma_semaphore, #tpu.memory_space<semaphore_mem>>) src(%dma_wait3A_66 : memref<78x128xi32, #tpu.memory_space<hbm>>) dst(%dma_wait3A_60 : memref<78x128xi32, #tpu.memory_space<vmem>>)
    %dma_wait3A_67 = arith.constant 1 : i32
    %dma_wait3A_68 = arith.constant 0 : i32
    %dma_wait3A_69 = arith.constant 0 : i32
    %dma_wait3A_70 = tpu.memref_slice %arg6[%dma_wait3A_68, %dma_wait3A_69] : memref<79x128xi32, #tpu.memory_space<vmem>> -> memref<78x128xi32, #tpu.memory_space<vmem>>
    %dma_wait3A_71 = arith.constant 0 : i32
    %dma_wait3A_72 = arith.constant 0 : i32
    %dma_wait3A_73 = tpu.memref_slice %arg3[%dma_wait3A_67, %dma_wait3A_71, %dma_wait3A_72] : memref<2x2500x128xi32, #tpu.memory_space<hbm>> -> memref<1x2500x128xi32, #tpu.memory_space<hbm>>
    %dma_wait3A_74 = tpu.memref_squeeze %dma_wait3A_73 : memref<1x2500x128xi32, #tpu.memory_space<hbm>> -> memref<2500x128xi32, #tpu.memory_space<hbm>>
    %dma_wait3A_75 = arith.constant 0 : i32
    %dma_wait3A_76 = tpu.memref_slice %dma_wait3A_74[%mul3A_22, %dma_wait3A_75] : memref<2500x128xi32, #tpu.memory_space<hbm>> -> memref<78x128xi32, #tpu.memory_space<hbm>>
    %dma_wait3A_77 = arith.constant 0 : i32
    %dma_wait3A_78 = arith.constant 0 : i32
    %dma_wait3A_79 = tpu.memref_slice %arg6[%dma_wait3A_77, %dma_wait3A_78] : memref<79x128xi32, #tpu.memory_space<vmem>> -> memref<78x128xi32, #tpu.memory_space<vmem>>
    %dma_wait3A_80 = arith.constant 0 : i32
    %dma_wait3A_81 = arith.constant 0 : i32
    %dma_wait3A_82 = tpu.memref_slice %arg3[%dma_wait3A_67, %dma_wait3A_80, %dma_wait3A_81] : memref<2x2500x128xi32, #tpu.memory_space<hbm>> -> memref<1x2500x128xi32, #tpu.memory_space<hbm>>
    %dma_wait3A_83 = tpu.memref_squeeze %dma_wait3A_82 : memref<1x2500x128xi32, #tpu.memory_space<hbm>> -> memref<2500x128xi32, #tpu.memory_space<hbm>>
    %dma_wait3A_84 = arith.constant 0 : i32
    %dma_wait3A_85 = tpu.memref_slice %dma_wait3A_83[%mul3A_22, %dma_wait3A_84] : memref<2500x128xi32, #tpu.memory_space<hbm>> -> memref<78x128xi32, #tpu.memory_space<hbm>>
    tpu.wait_dma2 semaphore(%arg11 : memref<!tpu.dma_semaphore, #tpu.memory_space<semaphore_mem>>) src(%dma_wait3A_85 : memref<78x128xi32, #tpu.memory_space<hbm>>) dst(%dma_wait3A_79 : memref<78x128xi32, #tpu.memory_space<vmem>>)
    %lt3A = arith.constant 4 : i32
    %lt3A_86 = arith.cmpi slt, %add3A, %lt3A : i32
    %convert_element_type3A = arith.extui %lt3A_86 : i1 to i32
    %cond3A = arith.constant 0 : i32
    %cond3A_87 = arith.cmpi ne, %convert_element_type3A, %cond3A : i32
    scf.if %cond3A_87 {
      %add3A_139 = arith.constant 2496 : i32
      %add3A_140 = arith.addi %add3A_139, %add3A : i32
      %run_scoped3A = arith.constant 0 : i32
      "tpu.region"() ({
        %run_scoped3A_144 = tpu.sem_alloc : memref<!tpu.dma_semaphore, #tpu.memory_space<semaphore_mem>>
        %dma_start3A_145 = arith.constant 78 : i32
        %dma_start3A_146 = arith.constant 0 : i32
        %dma_start3A_147 = tpu.memref_slice %arg5[%dma_start3A_145, %dma_start3A_146] : memref<79x128xi32, #tpu.memory_space<vmem>> -> memref<1x128xi32, #tpu.memory_space<vmem>>
        %dma_start3A_148 = arith.constant 0 : i32
        %dma_start3A_149 = arith.constant 0 : i32
        %dma_start3A_150 = tpu.memref_slice %arg3[%run_scoped3A, %dma_start3A_148, %dma_start3A_149] : memref<2x2500x128xi32, #tpu.memory_space<hbm>> -> memref<1x2500x128xi32, #tpu.memory_space<hbm>>
        %dma_start3A_151 = tpu.memref_squeeze %dma_start3A_150 : memref<1x2500x128xi32, #tpu.memory_space<hbm>> -> memref<2500x128xi32, #tpu.memory_space<hbm>>
        %dma_start3A_152 = arith.constant 0 : i32
        %dma_start3A_153 = tpu.memref_slice %dma_start3A_151[%add3A_140, %dma_start3A_152] : memref<2500x128xi32, #tpu.memory_space<hbm>> -> memref<1x128xi32, #tpu.memory_space<hbm>>
        %dma_start3A_154 = arith.constant 78 : i32
        %dma_start3A_155 = arith.constant 0 : i32
        %dma_start3A_156 = tpu.memref_slice %arg5[%dma_start3A_154, %dma_start3A_155] : memref<79x128xi32, #tpu.memory_space<vmem>> -> memref<1x128xi32, #tpu.memory_space<vmem>>
        %dma_start3A_157 = arith.constant 0 : i32
        %dma_start3A_158 = arith.constant 0 : i32
        %dma_start3A_159 = tpu.memref_slice %arg3[%run_scoped3A, %dma_start3A_157, %dma_start3A_158] : memref<2x2500x128xi32, #tpu.memory_space<hbm>> -> memref<1x2500x128xi32, #tpu.memory_space<hbm>>
        %dma_start3A_160 = tpu.memref_squeeze %dma_start3A_159 : memref<1x2500x128xi32, #tpu.memory_space<hbm>> -> memref<2500x128xi32, #tpu.memory_space<hbm>>
        %dma_start3A_161 = arith.constant 0 : i32
        %dma_start3A_162 = tpu.memref_slice %dma_start3A_160[%add3A_140, %dma_start3A_161] : memref<2500x128xi32, #tpu.memory_space<hbm>> -> memref<1x128xi32, #tpu.memory_space<hbm>>
        tpu.enqueue_dma source(%dma_start3A_162 : memref<1x128xi32, #tpu.memory_space<hbm>>) target(%dma_start3A_156 : memref<1x128xi32, #tpu.memory_space<vmem>>) target_semaphore(%run_scoped3A_144 : memref<!tpu.dma_semaphore, #tpu.memory_space<semaphore_mem>>)
        %dma_wait3A_163 = arith.constant 78 : i32
        %dma_wait3A_164 = arith.constant 0 : i32
        %dma_wait3A_165 = tpu.memref_slice %arg5[%dma_wait3A_163, %dma_wait3A_164] : memref<79x128xi32, #tpu.memory_space<vmem>> -> memref<1x128xi32, #tpu.memory_space<vmem>>
        %dma_wait3A_166 = arith.constant 0 : i32
        %dma_wait3A_167 = arith.constant 0 : i32
        %dma_wait3A_168 = tpu.memref_slice %arg3[%run_scoped3A, %dma_wait3A_166, %dma_wait3A_167] : memref<2x2500x128xi32, #tpu.memory_space<hbm>> -> memref<1x2500x128xi32, #tpu.memory_space<hbm>>
        %dma_wait3A_169 = tpu.memref_squeeze %dma_wait3A_168 : memref<1x2500x128xi32, #tpu.memory_space<hbm>> -> memref<2500x128xi32, #tpu.memory_space<hbm>>
        %dma_wait3A_170 = arith.constant 0 : i32
        %dma_wait3A_171 = tpu.memref_slice %dma_wait3A_169[%add3A_140, %dma_wait3A_170] : memref<2500x128xi32, #tpu.memory_space<hbm>> -> memref<1x128xi32, #tpu.memory_space<hbm>>
        %dma_wait3A_172 = arith.constant 78 : i32
        %dma_wait3A_173 = arith.constant 0 : i32
        %dma_wait3A_174 = tpu.memref_slice %arg5[%dma_wait3A_172, %dma_wait3A_173] : memref<79x128xi32, #tpu.memory_space<vmem>> -> memref<1x128xi32, #tpu.memory_space<vmem>>
        %dma_wait3A_175 = arith.constant 0 : i32
        %dma_wait3A_176 = arith.constant 0 : i32
        %dma_wait3A_177 = tpu.memref_slice %arg3[%run_scoped3A, %dma_wait3A_175, %dma_wait3A_176] : memref<2x2500x128xi32, #tpu.memory_space<hbm>> -> memref<1x2500x128xi32, #tpu.memory_space<hbm>>
        %dma_wait3A_178 = tpu.memref_squeeze %dma_wait3A_177 : memref<1x2500x128xi32, #tpu.memory_space<hbm>> -> memref<2500x128xi32, #tpu.memory_space<hbm>>
        %dma_wait3A_179 = arith.constant 0 : i32
        %dma_wait3A_180 = tpu.memref_slice %dma_wait3A_178[%add3A_140, %dma_wait3A_179] : memref<2500x128xi32, #tpu.memory_space<hbm>> -> memref<1x128xi32, #tpu.memory_space<hbm>>
        tpu.wait_dma2 semaphore(%run_scoped3A_144 : memref<!tpu.dma_semaphore, #tpu.memory_space<semaphore_mem>>) src(%dma_wait3A_180 : memref<1x128xi32, #tpu.memory_space<hbm>>) dst(%dma_wait3A_174 : memref<1x128xi32, #tpu.memory_space<vmem>>)
        tpu.yield
      }) : () -> ()
      %add3A_141 = arith.constant 2496 : i32
      %add3A_142 = arith.addi %add3A_141, %add3A : i32
      %run_scoped3A_143 = arith.constant 1 : i32
      "tpu.region"() ({
        %run_scoped3A_144 = tpu.sem_alloc : memref<!tpu.dma_semaphore, #tpu.memory_space<semaphore_mem>>
        %dma_start3A_145 = arith.constant 78 : i32
        %dma_start3A_146 = arith.constant 0 : i32
        %dma_start3A_147 = tpu.memref_slice %arg6[%dma_start3A_145, %dma_start3A_146] : memref<79x128xi32, #tpu.memory_space<vmem>> -> memref<1x128xi32, #tpu.memory_space<vmem>>
        %dma_start3A_148 = arith.constant 0 : i32
        %dma_start3A_149 = arith.constant 0 : i32
        %dma_start3A_150 = tpu.memref_slice %arg3[%run_scoped3A_143, %dma_start3A_148, %dma_start3A_149] : memref<2x2500x128xi32, #tpu.memory_space<hbm>> -> memref<1x2500x128xi32, #tpu.memory_space<hbm>>
        %dma_start3A_151 = tpu.memref_squeeze %dma_start3A_150 : memref<1x2500x128xi32, #tpu.memory_space<hbm>> -> memref<2500x128xi32, #tpu.memory_space<hbm>>
        %dma_start3A_152 = arith.constant 0 : i32
        %dma_start3A_153 = tpu.memref_slice %dma_start3A_151[%add3A_142, %dma_start3A_152] : memref<2500x128xi32, #tpu.memory_space<hbm>> -> memref<1x128xi32, #tpu.memory_space<hbm>>
        %dma_start3A_154 = arith.constant 78 : i32
        %dma_start3A_155 = arith.constant 0 : i32
        %dma_start3A_156 = tpu.memref_slice %arg6[%dma_start3A_154, %dma_start3A_155] : memref<79x128xi32, #tpu.memory_space<vmem>> -> memref<1x128xi32, #tpu.memory_space<vmem>>
        %dma_start3A_157 = arith.constant 0 : i32
        %dma_start3A_158 = arith.constant 0 : i32
        %dma_start3A_159 = tpu.memref_slice %arg3[%run_scoped3A_143, %dma_start3A_157, %dma_start3A_158] : memref<2x2500x128xi32, #tpu.memory_space<hbm>> -> memref<1x2500x128xi32, #tpu.memory_space<hbm>>
        %dma_start3A_160 = tpu.memref_squeeze %dma_start3A_159 : memref<1x2500x128xi32, #tpu.memory_space<hbm>> -> memref<2500x128xi32, #tpu.memory_space<hbm>>
        %dma_start3A_161 = arith.constant 0 : i32
        %dma_start3A_162 = tpu.memref_slice %dma_start3A_160[%add3A_142, %dma_start3A_161] : memref<2500x128xi32, #tpu.memory_space<hbm>> -> memref<1x128xi32, #tpu.memory_space<hbm>>
        tpu.enqueue_dma source(%dma_start3A_162 : memref<1x128xi32, #tpu.memory_space<hbm>>) target(%dma_start3A_156 : memref<1x128xi32, #tpu.memory_space<vmem>>) target_semaphore(%run_scoped3A_144 : memref<!tpu.dma_semaphore, #tpu.memory_space<semaphore_mem>>)
        %dma_wait3A_163 = arith.constant 78 : i32
        %dma_wait3A_164 = arith.constant 0 : i32
        %dma_wait3A_165 = tpu.memref_slice %arg6[%dma_wait3A_163, %dma_wait3A_164] : memref<79x128xi32, #tpu.memory_space<vmem>> -> memref<1x128xi32, #tpu.memory_space<vmem>>
        %dma_wait3A_166 = arith.constant 0 : i32
        %dma_wait3A_167 = arith.constant 0 : i32
        %dma_wait3A_168 = tpu.memref_slice %arg3[%run_scoped3A_143, %dma_wait3A_166, %dma_wait3A_167] : memref<2x2500x128xi32, #tpu.memory_space<hbm>> -> memref<1x2500x128xi32, #tpu.memory_space<hbm>>
        %dma_wait3A_169 = tpu.memref_squeeze %dma_wait3A_168 : memref<1x2500x128xi32, #tpu.memory_space<hbm>> -> memref<2500x128xi32, #tpu.memory_space<hbm>>
        %dma_wait3A_170 = arith.constant 0 : i32
        %dma_wait3A_171 = tpu.memref_slice %dma_wait3A_169[%add3A_142, %dma_wait3A_170] : memref<2500x128xi32, #tpu.memory_space<hbm>> -> memref<1x128xi32, #tpu.memory_space<hbm>>
        %dma_wait3A_172 = arith.constant 78 : i32
        %dma_wait3A_173 = arith.constant 0 : i32
        %dma_wait3A_174 = tpu.memref_slice %arg6[%dma_wait3A_172, %dma_wait3A_173] : memref<79x128xi32, #tpu.memory_space<vmem>> -> memref<1x128xi32, #tpu.memory_space<vmem>>
        %dma_wait3A_175 = arith.constant 0 : i32
        %dma_wait3A_176 = arith.constant 0 : i32
        %dma_wait3A_177 = tpu.memref_slice %arg3[%run_scoped3A_143, %dma_wait3A_175, %dma_wait3A_176] : memref<2x2500x128xi32, #tpu.memory_space<hbm>> -> memref<1x2500x128xi32, #tpu.memory_space<hbm>>
        %dma_wait3A_178 = tpu.memref_squeeze %dma_wait3A_177 : memref<1x2500x128xi32, #tpu.memory_space<hbm>> -> memref<2500x128xi32, #tpu.memory_space<hbm>>
        %dma_wait3A_179 = arith.constant 0 : i32
        %dma_wait3A_180 = tpu.memref_slice %dma_wait3A_178[%add3A_142, %dma_wait3A_179] : memref<2500x128xi32, #tpu.memory_space<hbm>> -> memref<1x128xi32, #tpu.memory_space<hbm>>
        tpu.wait_dma2 semaphore(%run_scoped3A_144 : memref<!tpu.dma_semaphore, #tpu.memory_space<semaphore_mem>>) src(%dma_wait3A_180 : memref<1x128xi32, #tpu.memory_space<hbm>>) dst(%dma_wait3A_174 : memref<1x128xi32, #tpu.memory_space<vmem>>)
        tpu.yield
      }) : () -> ()
    } else {
    }
    %barrier3A = arith.constant 0 : index
    tpu.barrier barrier_id(%barrier3A)
    %dma_start3A_88 = arith.constant 0 : i32
    %dma_start3A_89 = arith.constant 0 : i32
    %dma_start3A_90 = arith.constant 0 : i32
    %dma_start3A_91 = arith.constant 0 : i32
    %dma_start3A_92 = tpu.memref_slice %arg7[%dma_start3A_89, %dma_start3A_90, %dma_start3A_91] : memref<3x128x64xf32, #tpu.memory_space<vmem>> -> memref<1x128x64xf32, #tpu.memory_space<vmem>>
    %dma_start3A_93 = tpu.memref_squeeze %dma_start3A_92 : memref<1x128x64xf32, #tpu.memory_space<vmem>> -> memref<128x64xf32, #tpu.memory_space<vmem>>
    %dma_start3A_94 = arith.constant 0 : i32
    %dma_start3A_95 = tpu.memref_slice %arg5[%dma_start3A_88, %dma_start3A_94] : memref<79x128xi32, #tpu.memory_space<vmem>> -> memref<1x128xi32, #tpu.memory_space<vmem>>
    %dma_start3A_96 = tpu.memref_squeeze %dma_start3A_95 : memref<1x128xi32, #tpu.memory_space<vmem>> -> memref<128xi32, #tpu.memory_space<vmem>>
    %dma_start3A_97 = arith.constant 0 : i32
    %dma_start3A_98 = arith.constant 0 : i32
    %dma_start3A_99 = tpu.memref_slice %arg2[%dma_start3A_97, %dma_start3A_98] : memref<10240x64xf32, #tpu.memory_space<hbm>> -> memref<10240x64xf32, #tpu.memory_space<hbm>>
    tpu.enqueue_indirect_dma source(%dma_start3A_99 : memref<10240x64xf32, #tpu.memory_space<hbm>>) target(%dma_start3A_93 : memref<128x64xf32, #tpu.memory_space<vmem>>) offsets(%dma_start3A_96 : memref<128xi32, #tpu.memory_space<vmem>>) semaphore(%arg10 : memref<!tpu.dma_semaphore, #tpu.memory_space<semaphore_mem>>)
    %dma_start3A_100 = arith.constant 1 : i32
    %dma_start3A_101 = arith.constant 1 : i32
    %dma_start3A_102 = arith.constant 0 : i32
    %dma_start3A_103 = arith.constant 0 : i32
    %dma_start3A_104 = tpu.memref_slice %arg7[%dma_start3A_101, %dma_start3A_102, %dma_start3A_103] : memref<3x128x64xf32, #tpu.memory_space<vmem>> -> memref<1x128x64xf32, #tpu.memory_space<vmem>>
    %dma_start3A_105 = tpu.memref_squeeze %dma_start3A_104 : memref<1x128x64xf32, #tpu.memory_space<vmem>> -> memref<128x64xf32, #tpu.memory_space<vmem>>
    %dma_start3A_106 = arith.constant 0 : i32
    %dma_start3A_107 = tpu.memref_slice %arg5[%dma_start3A_100, %dma_start3A_106] : memref<79x128xi32, #tpu.memory_space<vmem>> -> memref<1x128xi32, #tpu.memory_space<vmem>>
    %dma_start3A_108 = tpu.memref_squeeze %dma_start3A_107 : memref<1x128xi32, #tpu.memory_space<vmem>> -> memref<128xi32, #tpu.memory_space<vmem>>
    %dma_start3A_109 = arith.constant 0 : i32
    %dma_start3A_110 = arith.constant 0 : i32
    %dma_start3A_111 = tpu.memref_slice %arg2[%dma_start3A_109, %dma_start3A_110] : memref<10240x64xf32, #tpu.memory_space<hbm>> -> memref<10240x64xf32, #tpu.memory_space<hbm>>
    tpu.enqueue_indirect_dma source(%dma_start3A_111 : memref<10240x64xf32, #tpu.memory_space<hbm>>) target(%dma_start3A_105 : memref<128x64xf32, #tpu.memory_space<vmem>>) offsets(%dma_start3A_108 : memref<128xi32, #tpu.memory_space<vmem>>) semaphore(%arg11 : memref<!tpu.dma_semaphore, #tpu.memory_space<semaphore_mem>>)
    %dma_start3A_112 = arith.constant 2 : i32
    %dma_start3A_113 = arith.constant 2 : i32
    %dma_start3A_114 = arith.constant 0 : i32
    %dma_start3A_115 = arith.constant 0 : i32
    %dma_start3A_116 = tpu.memref_slice %arg7[%dma_start3A_113, %dma_start3A_114, %dma_start3A_115] : memref<3x128x64xf32, #tpu.memory_space<vmem>> -> memref<1x128x64xf32, #tpu.memory_space<vmem>>
    %dma_start3A_117 = tpu.memref_squeeze %dma_start3A_116 : memref<1x128x64xf32, #tpu.memory_space<vmem>> -> memref<128x64xf32, #tpu.memory_space<vmem>>
    %dma_start3A_118 = arith.constant 0 : i32
    %dma_start3A_119 = tpu.memref_slice %arg5[%dma_start3A_112, %dma_start3A_118] : memref<79x128xi32, #tpu.memory_space<vmem>> -> memref<1x128xi32, #tpu.memory_space<vmem>>
    %dma_start3A_120 = tpu.memref_squeeze %dma_start3A_119 : memref<1x128xi32, #tpu.memory_space<vmem>> -> memref<128xi32, #tpu.memory_space<vmem>>
    %dma_start3A_121 = arith.constant 0 : i32
    %dma_start3A_122 = arith.constant 0 : i32
    %dma_start3A_123 = tpu.memref_slice %arg2[%dma_start3A_121, %dma_start3A_122] : memref<10240x64xf32, #tpu.memory_space<hbm>> -> memref<10240x64xf32, #tpu.memory_space<hbm>>
    tpu.enqueue_indirect_dma source(%dma_start3A_123 : memref<10240x64xf32, #tpu.memory_space<hbm>>) target(%dma_start3A_117 : memref<128x64xf32, #tpu.memory_space<vmem>>) offsets(%dma_start3A_120 : memref<128xi32, #tpu.memory_space<vmem>>) semaphore(%arg12 : memref<!tpu.dma_semaphore, #tpu.memory_space<semaphore_mem>>)
    %scan3A_124 = arith.constant 0 : i32
    %scan3A_125 = arith.constant 26 : i32
    %scan3A_126 = arith.addi %scan3A_124, %scan3A_125 : i32
    %scan3A_127 = arith.constant 1 : i32
    scf.for %scan3A_139 = %scan3A_124 to %scan3A_126 step %scan3A_127  : i32 {
      %mul3A_140 = arith.constant 1 : i32
      %mul3A_141 = arith.muli %scan3A_139, %mul3A_140 : i32
      %add3A_142 = arith.constant 0 : i32
      %add3A_143 = arith.addi %add3A_142, %mul3A_141 : i32
      %mul3A_144 = arith.constant 3 : i32
      %mul3A_145 = arith.muli %add3A_143, %mul3A_144 : i32
      %add3A_146 = arith.constant 0 : i32
      %add3A_147 = arith.addi %mul3A_145, %add3A_146 : i32
      %dma_wait3A_148 = arith.constant 0 : i32
      %dma_wait3A_149 = arith.constant 0 : i32
      %dma_wait3A_150 = arith.constant 0 : i32
      %dma_wait3A_151 = tpu.memref_slice %arg7[%dma_wait3A_148, %dma_wait3A_149, %dma_wait3A_150] : memref<3x128x64xf32, #tpu.memory_space<vmem>> -> memref<1x128x64xf32, #tpu.memory_space<vmem>>
      %dma_wait3A_152 = tpu.memref_squeeze %dma_wait3A_151 : memref<1x128x64xf32, #tpu.memory_space<vmem>> -> memref<128x64xf32, #tpu.memory_space<vmem>>
      %dma_wait3A_153 = arith.constant 0 : i32
      %dma_wait3A_154 = tpu.memref_slice %arg5[%add3A_147, %dma_wait3A_153] : memref<79x128xi32, #tpu.memory_space<vmem>> -> memref<1x128xi32, #tpu.memory_space<vmem>>
      %dma_wait3A_155 = tpu.memref_squeeze %dma_wait3A_154 : memref<1x128xi32, #tpu.memory_space<vmem>> -> memref<128xi32, #tpu.memory_space<vmem>>
      %dma_wait3A_156 = arith.constant 0 : i32
      %dma_wait3A_157 = arith.constant 0 : i32
      %dma_wait3A_158 = tpu.memref_slice %arg2[%dma_wait3A_156, %dma_wait3A_157] : memref<10240x64xf32, #tpu.memory_space<hbm>> -> memref<10240x64xf32, #tpu.memory_space<hbm>>
      tpu.wait_indirect_dma semaphore(%arg10 : memref<!tpu.dma_semaphore, #tpu.memory_space<semaphore_mem>>) src(%dma_wait3A_158 : memref<10240x64xf32, #tpu.memory_space<hbm>>) dst(%dma_wait3A_152 : memref<128x64xf32, #tpu.memory_space<vmem>>)
      %run_scoped3A = arith.constant 0 : i32
      "tpu.region"() ({
        %run_scoped3A_208 = tpu.sem_alloc : memref<!tpu.dma_semaphore, #tpu.memory_space<semaphore_mem>>
        %dma_start3A_209 = arith.constant 0 : i32
        %dma_start3A_210 = arith.constant 0 : i32
        %dma_start3A_211 = tpu.memref_slice %arg7[%run_scoped3A, %dma_start3A_209, %dma_start3A_210] : memref<3x128x64xf32, #tpu.memory_space<vmem>> -> memref<1x128x64xf32, #tpu.memory_space<vmem>>
        %dma_start3A_212 = tpu.memref_squeeze %dma_start3A_211 : memref<1x128x64xf32, #tpu.memory_space<vmem>> -> memref<128x64xf32, #tpu.memory_space<vmem>>
        %dma_start3A_213 = arith.constant 0 : i32
        %dma_start3A_214 = tpu.memref_slice %arg6[%add3A_147, %dma_start3A_213] : memref<79x128xi32, #tpu.memory_space<vmem>> -> memref<1x128xi32, #tpu.memory_space<vmem>>
        %dma_start3A_215 = tpu.memref_squeeze %dma_start3A_214 : memref<1x128xi32, #tpu.memory_space<vmem>> -> memref<128xi32, #tpu.memory_space<vmem>>
        %dma_start3A_216 = arith.constant 0 : i32
        %dma_start3A_217 = arith.constant 0 : i32
        %dma_start3A_218 = tpu.memref_slice %arg9[%dma_start3A_216, %dma_start3A_217] : memref<10112x64xf32, #tpu.memory_space<vmem_shared>> -> memref<10112x64xf32, #tpu.memory_space<vmem_shared>>
        tpu.enqueue_indirect_dma source(%dma_start3A_212 : memref<128x64xf32, #tpu.memory_space<vmem>>) target(%dma_start3A_218 : memref<10112x64xf32, #tpu.memory_space<vmem_shared>>) offsets(%dma_start3A_215 : memref<128xi32, #tpu.memory_space<vmem>>) semaphore(%run_scoped3A_208 : memref<!tpu.dma_semaphore, #tpu.memory_space<semaphore_mem>>) {add = true}
        %dma_wait3A_219 = arith.constant 0 : i32
        %dma_wait3A_220 = arith.constant 0 : i32
        %dma_wait3A_221 = tpu.memref_slice %arg7[%run_scoped3A, %dma_wait3A_219, %dma_wait3A_220] : memref<3x128x64xf32, #tpu.memory_space<vmem>> -> memref<1x128x64xf32, #tpu.memory_space<vmem>>
        %dma_wait3A_222 = tpu.memref_squeeze %dma_wait3A_221 : memref<1x128x64xf32, #tpu.memory_space<vmem>> -> memref<128x64xf32, #tpu.memory_space<vmem>>
        %dma_wait3A_223 = arith.constant 0 : i32
        %dma_wait3A_224 = tpu.memref_slice %arg6[%add3A_147, %dma_wait3A_223] : memref<79x128xi32, #tpu.memory_space<vmem>> -> memref<1x128xi32, #tpu.memory_space<vmem>>
        %dma_wait3A_225 = tpu.memref_squeeze %dma_wait3A_224 : memref<1x128xi32, #tpu.memory_space<vmem>> -> memref<128xi32, #tpu.memory_space<vmem>>
        %dma_wait3A_226 = arith.constant 0 : i32
        %dma_wait3A_227 = arith.constant 0 : i32
        %dma_wait3A_228 = tpu.memref_slice %arg9[%dma_wait3A_226, %dma_wait3A_227] : memref<10112x64xf32, #tpu.memory_space<vmem_shared>> -> memref<10112x64xf32, #tpu.memory_space<vmem_shared>>
        tpu.wait_indirect_dma semaphore(%run_scoped3A_208 : memref<!tpu.dma_semaphore, #tpu.memory_space<semaphore_mem>>) src(%dma_wait3A_222 : memref<128x64xf32, #tpu.memory_space<vmem>>) dst(%dma_wait3A_228 : memref<10112x64xf32, #tpu.memory_space<vmem_shared>>)
        tpu.yield
      }) : () -> ()
      %add3A_159 = arith.constant 3 : i32
      %add3A_160 = arith.addi %add3A_147, %add3A_159 : i32
      %lt3A_161 = arith.constant 78 : i32
      %lt3A_162 = arith.cmpi slt, %add3A_160, %lt3A_161 : i32
      %convert_element_type3A_163 = arith.extui %lt3A_162 : i1 to i32
      %cond3A_164 = arith.constant 0 : i32
      %cond3A_165 = arith.cmpi ne, %convert_element_type3A_163, %cond3A_164 : i32
      scf.if %cond3A_165 {
        %add3A_208 = arith.constant 3 : i32
        %add3A_209 = arith.addi %add3A_147, %add3A_208 : i32
        %dma_start3A_210 = arith.constant 0 : i32
        %dma_start3A_211 = arith.constant 0 : i32
        %dma_start3A_212 = arith.constant 0 : i32
        %dma_start3A_213 = tpu.memref_slice %arg7[%dma_start3A_210, %dma_start3A_211, %dma_start3A_212] : memref<3x128x64xf32, #tpu.memory_space<vmem>> -> memref<1x128x64xf32, #tpu.memory_space<vmem>>
        %dma_start3A_214 = tpu.memref_squeeze %dma_start3A_213 : memref<1x128x64xf32, #tpu.memory_space<vmem>> -> memref<128x64xf32, #tpu.memory_space<vmem>>
        %dma_start3A_215 = arith.constant 0 : i32
        %dma_start3A_216 = tpu.memref_slice %arg5[%add3A_209, %dma_start3A_215] : memref<79x128xi32, #tpu.memory_space<vmem>> -> memref<1x128xi32, #tpu.memory_space<vmem>>
        %dma_start3A_217 = tpu.memref_squeeze %dma_start3A_216 : memref<1x128xi32, #tpu.memory_space<vmem>> -> memref<128xi32, #tpu.memory_space<vmem>>
        %dma_start3A_218 = arith.constant 0 : i32
        %dma_start3A_219 = arith.constant 0 : i32
        %dma_start3A_220 = tpu.memref_slice %arg2[%dma_start3A_218, %dma_start3A_219] : memref<10240x64xf32, #tpu.memory_space<hbm>> -> memref<10240x64xf32, #tpu.memory_space<hbm>>
        tpu.enqueue_indirect_dma source(%dma_start3A_220 : memref<10240x64xf32, #tpu.memory_space<hbm>>) target(%dma_start3A_214 : memref<128x64xf32, #tpu.memory_space<vmem>>) offsets(%dma_start3A_217 : memref<128xi32, #tpu.memory_space<vmem>>) semaphore(%arg10 : memref<!tpu.dma_semaphore, #tpu.memory_space<semaphore_mem>>)
      } else {
      }
      %add3A_166 = arith.constant 1 : i32
      %add3A_167 = arith.addi %mul3A_145, %add3A_166 : i32
      %dma_wait3A_168 = arith.constant 1 : i32
      %dma_wait3A_169 = arith.constant 0 : i32
      %dma_wait3A_170 = arith.constant 0 : i32
      %dma_wait3A_171 = tpu.memref_slice %arg7[%dma_wait3A_168, %dma_wait3A_169, %dma_wait3A_170] : memref<3x128x64xf32, #tpu.memory_space<vmem>> -> memref<1x128x64xf32, #tpu.memory_space<vmem>>
      %dma_wait3A_172 = tpu.memref_squeeze %dma_wait3A_171 : memref<1x128x64xf32, #tpu.memory_space<vmem>> -> memref<128x64xf32, #tpu.memory_space<vmem>>
      %dma_wait3A_173 = arith.constant 0 : i32
      %dma_wait3A_174 = tpu.memref_slice %arg5[%add3A_167, %dma_wait3A_173] : memref<79x128xi32, #tpu.memory_space<vmem>> -> memref<1x128xi32, #tpu.memory_space<vmem>>
      %dma_wait3A_175 = tpu.memref_squeeze %dma_wait3A_174 : memref<1x128xi32, #tpu.memory_space<vmem>> -> memref<128xi32, #tpu.memory_space<vmem>>
      %dma_wait3A_176 = arith.constant 0 : i32
      %dma_wait3A_177 = arith.constant 0 : i32
      %dma_wait3A_178 = tpu.memref_slice %arg2[%dma_wait3A_176, %dma_wait3A_177] : memref<10240x64xf32, #tpu.memory_space<hbm>> -> memref<10240x64xf32, #tpu.memory_space<hbm>>
      tpu.wait_indirect_dma semaphore(%arg11 : memref<!tpu.dma_semaphore, #tpu.memory_space<semaphore_mem>>) src(%dma_wait3A_178 : memref<10240x64xf32, #tpu.memory_space<hbm>>) dst(%dma_wait3A_172 : memref<128x64xf32, #tpu.memory_space<vmem>>)
      %run_scoped3A_179 = arith.constant 1 : i32
      "tpu.region"() ({
        %run_scoped3A_208 = tpu.sem_alloc : memref<!tpu.dma_semaphore, #tpu.memory_space<semaphore_mem>>
        %dma_start3A_209 = arith.constant 0 : i32
        %dma_start3A_210 = arith.constant 0 : i32
        %dma_start3A_211 = tpu.memref_slice %arg7[%run_scoped3A_179, %dma_start3A_209, %dma_start3A_210] : memref<3x128x64xf32, #tpu.memory_space<vmem>> -> memref<1x128x64xf32, #tpu.memory_space<vmem>>
        %dma_start3A_212 = tpu.memref_squeeze %dma_start3A_211 : memref<1x128x64xf32, #tpu.memory_space<vmem>> -> memref<128x64xf32, #tpu.memory_space<vmem>>
        %dma_start3A_213 = arith.constant 0 : i32
        %dma_start3A_214 = tpu.memref_slice %arg6[%add3A_167, %dma_start3A_213] : memref<79x128xi32, #tpu.memory_space<vmem>> -> memref<1x128xi32, #tpu.memory_space<vmem>>
        %dma_start3A_215 = tpu.memref_squeeze %dma_start3A_214 : memref<1x128xi32, #tpu.memory_space<vmem>> -> memref<128xi32, #tpu.memory_space<vmem>>
        %dma_start3A_216 = arith.constant 0 : i32
        %dma_start3A_217 = arith.constant 0 : i32
        %dma_start3A_218 = tpu.memref_slice %arg9[%dma_start3A_216, %dma_start3A_217] : memref<10112x64xf32, #tpu.memory_space<vmem_shared>> -> memref<10112x64xf32, #tpu.memory_space<vmem_shared>>
        tpu.enqueue_indirect_dma source(%dma_start3A_212 : memref<128x64xf32, #tpu.memory_space<vmem>>) target(%dma_start3A_218 : memref<10112x64xf32, #tpu.memory_space<vmem_shared>>) offsets(%dma_start3A_215 : memref<128xi32, #tpu.memory_space<vmem>>) semaphore(%run_scoped3A_208 : memref<!tpu.dma_semaphore, #tpu.memory_space<semaphore_mem>>) {add = true}
        %dma_wait3A_219 = arith.constant 0 : i32
        %dma_wait3A_220 = arith.constant 0 : i32
        %dma_wait3A_221 = tpu.memref_slice %arg7[%run_scoped3A_179, %dma_wait3A_219, %dma_wait3A_220] : memref<3x128x64xf32, #tpu.memory_space<vmem>> -> memref<1x128x64xf32, #tpu.memory_space<vmem>>
        %dma_wait3A_222 = tpu.memref_squeeze %dma_wait3A_221 : memref<1x128x64xf32, #tpu.memory_space<vmem>> -> memref<128x64xf32, #tpu.memory_space<vmem>>
        %dma_wait3A_223 = arith.constant 0 : i32
        %dma_wait3A_224 = tpu.memref_slice %arg6[%add3A_167, %dma_wait3A_223] : memref<79x128xi32, #tpu.memory_space<vmem>> -> memref<1x128xi32, #tpu.memory_space<vmem>>
        %dma_wait3A_225 = tpu.memref_squeeze %dma_wait3A_224 : memref<1x128xi32, #tpu.memory_space<vmem>> -> memref<128xi32, #tpu.memory_space<vmem>>
        %dma_wait3A_226 = arith.constant 0 : i32
        %dma_wait3A_227 = arith.constant 0 : i32
        %dma_wait3A_228 = tpu.memref_slice %arg9[%dma_wait3A_226, %dma_wait3A_227] : memref<10112x64xf32, #tpu.memory_space<vmem_shared>> -> memref<10112x64xf32, #tpu.memory_space<vmem_shared>>
        tpu.wait_indirect_dma semaphore(%run_scoped3A_208 : memref<!tpu.dma_semaphore, #tpu.memory_space<semaphore_mem>>) src(%dma_wait3A_222 : memref<128x64xf32, #tpu.memory_space<vmem>>) dst(%dma_wait3A_228 : memref<10112x64xf32, #tpu.memory_space<vmem_shared>>)
        tpu.yield
      }) : () -> ()
      %add3A_180 = arith.constant 3 : i32
      %add3A_181 = arith.addi %add3A_167, %add3A_180 : i32
      %lt3A_182 = arith.constant 78 : i32
      %lt3A_183 = arith.cmpi slt, %add3A_181, %lt3A_182 : i32
      %convert_element_type3A_184 = arith.extui %lt3A_183 : i1 to i32
      %cond3A_185 = arith.constant 0 : i32
      %cond3A_186 = arith.cmpi ne, %convert_element_type3A_184, %cond3A_185 : i32
      scf.if %cond3A_186 {
        %add3A_208 = arith.constant 3 : i32
        %add3A_209 = arith.addi %add3A_167, %add3A_208 : i32
        %dma_start3A_210 = arith.constant 1 : i32
        %dma_start3A_211 = arith.constant 0 : i32
        %dma_start3A_212 = arith.constant 0 : i32
        %dma_start3A_213 = tpu.memref_slice %arg7[%dma_start3A_210, %dma_start3A_211, %dma_start3A_212] : memref<3x128x64xf32, #tpu.memory_space<vmem>> -> memref<1x128x64xf32, #tpu.memory_space<vmem>>
        %dma_start3A_214 = tpu.memref_squeeze %dma_start3A_213 : memref<1x128x64xf32, #tpu.memory_space<vmem>> -> memref<128x64xf32, #tpu.memory_space<vmem>>
        %dma_start3A_215 = arith.constant 0 : i32
        %dma_start3A_216 = tpu.memref_slice %arg5[%add3A_209, %dma_start3A_215] : memref<79x128xi32, #tpu.memory_space<vmem>> -> memref<1x128xi32, #tpu.memory_space<vmem>>
        %dma_start3A_217 = tpu.memref_squeeze %dma_start3A_216 : memref<1x128xi32, #tpu.memory_space<vmem>> -> memref<128xi32, #tpu.memory_space<vmem>>
        %dma_start3A_218 = arith.constant 0 : i32
        %dma_start3A_219 = arith.constant 0 : i32
        %dma_start3A_220 = tpu.memref_slice %arg2[%dma_start3A_218, %dma_start3A_219] : memref<10240x64xf32, #tpu.memory_space<hbm>> -> memref<10240x64xf32, #tpu.memory_space<hbm>>
        tpu.enqueue_indirect_dma source(%dma_start3A_220 : memref<10240x64xf32, #tpu.memory_space<hbm>>) target(%dma_start3A_214 : memref<128x64xf32, #tpu.memory_space<vmem>>) offsets(%dma_start3A_217 : memref<128xi32, #tpu.memory_space<vmem>>) semaphore(%arg11 : memref<!tpu.dma_semaphore, #tpu.memory_space<semaphore_mem>>)
      } else {
      }
      %add3A_187 = arith.constant 2 : i32
      %add3A_188 = arith.addi %mul3A_145, %add3A_187 : i32
      %dma_wait3A_189 = arith.constant 2 : i32
      %dma_wait3A_190 = arith.constant 0 : i32
      %dma_wait3A_191 = arith.constant 0 : i32
      %dma_wait3A_192 = tpu.memref_slice %arg7[%dma_wait3A_189, %dma_wait3A_190, %dma_wait3A_191] : memref<3x128x64xf32, #tpu.memory_space<vmem>> -> memref<1x128x64xf32, #tpu.memory_space<vmem>>
      %dma_wait3A_193 = tpu.memref_squeeze %dma_wait3A_192 : memref<1x128x64xf32, #tpu.memory_space<vmem>> -> memref<128x64xf32, #tpu.memory_space<vmem>>
      %dma_wait3A_194 = arith.constant 0 : i32
      %dma_wait3A_195 = tpu.memref_slice %arg5[%add3A_188, %dma_wait3A_194] : memref<79x128xi32, #tpu.memory_space<vmem>> -> memref<1x128xi32, #tpu.memory_space<vmem>>
      %dma_wait3A_196 = tpu.memref_squeeze %dma_wait3A_195 : memref<1x128xi32, #tpu.memory_space<vmem>> -> memref<128xi32, #tpu.memory_space<vmem>>
      %dma_wait3A_197 = arith.constant 0 : i32
      %dma_wait3A_198 = arith.constant 0 : i32
      %dma_wait3A_199 = tpu.memref_slice %arg2[%dma_wait3A_197, %dma_wait3A_198] : memref<10240x64xf32, #tpu.memory_space<hbm>> -> memref<10240x64xf32, #tpu.memory_space<hbm>>
      tpu.wait_indirect_dma semaphore(%arg12 : memref<!tpu.dma_semaphore, #tpu.memory_space<semaphore_mem>>) src(%dma_wait3A_199 : memref<10240x64xf32, #tpu.memory_space<hbm>>) dst(%dma_wait3A_193 : memref<128x64xf32, #tpu.memory_space<vmem>>)
      %run_scoped3A_200 = arith.constant 2 : i32
      "tpu.region"() ({
        %run_scoped3A_208 = tpu.sem_alloc : memref<!tpu.dma_semaphore, #tpu.memory_space<semaphore_mem>>
        %dma_start3A_209 = arith.constant 0 : i32
        %dma_start3A_210 = arith.constant 0 : i32
        %dma_start3A_211 = tpu.memref_slice %arg7[%run_scoped3A_200, %dma_start3A_209, %dma_start3A_210] : memref<3x128x64xf32, #tpu.memory_space<vmem>> -> memref<1x128x64xf32, #tpu.memory_space<vmem>>
        %dma_start3A_212 = tpu.memref_squeeze %dma_start3A_211 : memref<1x128x64xf32, #tpu.memory_space<vmem>> -> memref<128x64xf32, #tpu.memory_space<vmem>>
        %dma_start3A_213 = arith.constant 0 : i32
        %dma_start3A_214 = tpu.memref_slice %arg6[%add3A_188, %dma_start3A_213] : memref<79x128xi32, #tpu.memory_space<vmem>> -> memref<1x128xi32, #tpu.memory_space<vmem>>
        %dma_start3A_215 = tpu.memref_squeeze %dma_start3A_214 : memref<1x128xi32, #tpu.memory_space<vmem>> -> memref<128xi32, #tpu.memory_space<vmem>>
        %dma_start3A_216 = arith.constant 0 : i32
        %dma_start3A_217 = arith.constant 0 : i32
        %dma_start3A_218 = tpu.memref_slice %arg9[%dma_start3A_216, %dma_start3A_217] : memref<10112x64xf32, #tpu.memory_space<vmem_shared>> -> memref<10112x64xf32, #tpu.memory_space<vmem_shared>>
        tpu.enqueue_indirect_dma source(%dma_start3A_212 : memref<128x64xf32, #tpu.memory_space<vmem>>) target(%dma_start3A_218 : memref<10112x64xf32, #tpu.memory_space<vmem_shared>>) offsets(%dma_start3A_215 : memref<128xi32, #tpu.memory_space<vmem>>) semaphore(%run_scoped3A_208 : memref<!tpu.dma_semaphore, #tpu.memory_space<semaphore_mem>>) {add = true}
        %dma_wait3A_219 = arith.constant 0 : i32
        %dma_wait3A_220 = arith.constant 0 : i32
        %dma_wait3A_221 = tpu.memref_slice %arg7[%run_scoped3A_200, %dma_wait3A_219, %dma_wait3A_220] : memref<3x128x64xf32, #tpu.memory_space<vmem>> -> memref<1x128x64xf32, #tpu.memory_space<vmem>>
        %dma_wait3A_222 = tpu.memref_squeeze %dma_wait3A_221 : memref<1x128x64xf32, #tpu.memory_space<vmem>> -> memref<128x64xf32, #tpu.memory_space<vmem>>
        %dma_wait3A_223 = arith.constant 0 : i32
        %dma_wait3A_224 = tpu.memref_slice %arg6[%add3A_188, %dma_wait3A_223] : memref<79x128xi32, #tpu.memory_space<vmem>> -> memref<1x128xi32, #tpu.memory_space<vmem>>
        %dma_wait3A_225 = tpu.memref_squeeze %dma_wait3A_224 : memref<1x128xi32, #tpu.memory_space<vmem>> -> memref<128xi32, #tpu.memory_space<vmem>>
        %dma_wait3A_226 = arith.constant 0 : i32
        %dma_wait3A_227 = arith.constant 0 : i32
        %dma_wait3A_228 = tpu.memref_slice %arg9[%dma_wait3A_226, %dma_wait3A_227] : memref<10112x64xf32, #tpu.memory_space<vmem_shared>> -> memref<10112x64xf32, #tpu.memory_space<vmem_shared>>
        tpu.wait_indirect_dma semaphore(%run_scoped3A_208 : memref<!tpu.dma_semaphore, #tpu.memory_space<semaphore_mem>>) src(%dma_wait3A_222 : memref<128x64xf32, #tpu.memory_space<vmem>>) dst(%dma_wait3A_228 : memref<10112x64xf32, #tpu.memory_space<vmem_shared>>)
        tpu.yield
      }) : () -> ()
      %add3A_201 = arith.constant 3 : i32
      %add3A_202 = arith.addi %add3A_188, %add3A_201 : i32
      %lt3A_203 = arith.constant 78 : i32
      %lt3A_204 = arith.cmpi slt, %add3A_202, %lt3A_203 : i32
      %convert_element_type3A_205 = arith.extui %lt3A_204 : i1 to i32
      %cond3A_206 = arith.constant 0 : i32
      %cond3A_207 = arith.cmpi ne, %convert_element_type3A_205, %cond3A_206 : i32
      scf.if %cond3A_207 {
        %add3A_208 = arith.constant 3 : i32
        %add3A_209 = arith.addi %add3A_188, %add3A_208 : i32
        %dma_start3A_210 = arith.constant 2 : i32
        %dma_start3A_211 = arith.constant 0 : i32
        %dma_start3A_212 = arith.constant 0 : i32
        %dma_start3A_213 = tpu.memref_slice %arg7[%dma_start3A_210, %dma_start3A_211, %dma_start3A_212] : memref<3x128x64xf32, #tpu.memory_space<vmem>> -> memref<1x128x64xf32, #tpu.memory_space<vmem>>
        %dma_start3A_214 = tpu.memref_squeeze %dma_start3A_213 : memref<1x128x64xf32, #tpu.memory_space<vmem>> -> memref<128x64xf32, #tpu.memory_space<vmem>>
        %dma_start3A_215 = arith.constant 0 : i32
        %dma_start3A_216 = tpu.memref_slice %arg5[%add3A_209, %dma_start3A_215] : memref<79x128xi32, #tpu.memory_space<vmem>> -> memref<1x128xi32, #tpu.memory_space<vmem>>
        %dma_start3A_217 = tpu.memref_squeeze %dma_start3A_216 : memref<1x128xi32, #tpu.memory_space<vmem>> -> memref<128xi32, #tpu.memory_space<vmem>>
        %dma_start3A_218 = arith.constant 0 : i32
        %dma_start3A_219 = arith.constant 0 : i32
        %dma_start3A_220 = tpu.memref_slice %arg2[%dma_start3A_218, %dma_start3A_219] : memref<10240x64xf32, #tpu.memory_space<hbm>> -> memref<10240x64xf32, #tpu.memory_space<hbm>>
        tpu.enqueue_indirect_dma source(%dma_start3A_220 : memref<10240x64xf32, #tpu.memory_space<hbm>>) target(%dma_start3A_214 : memref<128x64xf32, #tpu.memory_space<vmem>>) offsets(%dma_start3A_217 : memref<128xi32, #tpu.memory_space<vmem>>) semaphore(%arg12 : memref<!tpu.dma_semaphore, #tpu.memory_space<semaphore_mem>>)
      } else {
      }
    }
    %scan3A_128 = arith.constant 26 : i32
    %lt3A_129 = arith.constant 4 : i32
    %lt3A_130 = arith.cmpi slt, %add3A, %lt3A_129 : i32
    %convert_element_type3A_131 = arith.extui %lt3A_130 : i1 to i32
    %cond3A_132 = arith.constant 0 : i32
    %cond3A_133 = arith.cmpi ne, %convert_element_type3A_131, %cond3A_132 : i32
    scf.if %cond3A_133 {
      %dma_start3A_139 = arith.constant 78 : i32
      %dma_start3A_140 = arith.constant 0 : i32
      %dma_start3A_141 = arith.constant 0 : i32
      %dma_start3A_142 = arith.constant 0 : i32
      %dma_start3A_143 = tpu.memref_slice %arg7[%dma_start3A_140, %dma_start3A_141, %dma_start3A_142] : memref<3x128x64xf32, #tpu.memory_space<vmem>> -> memref<1x128x64xf32, #tpu.memory_space<vmem>>
      %dma_start3A_144 = tpu.memref_squeeze %dma_start3A_143 : memref<1x128x64xf32, #tpu.memory_space<vmem>> -> memref<128x64xf32, #tpu.memory_space<vmem>>
      %dma_start3A_145 = arith.constant 0 : i32
      %dma_start3A_146 = tpu.memref_slice %arg5[%dma_start3A_139, %dma_start3A_145] : memref<79x128xi32, #tpu.memory_space<vmem>> -> memref<1x128xi32, #tpu.memory_space<vmem>>
      %dma_start3A_147 = tpu.memref_squeeze %dma_start3A_146 : memref<1x128xi32, #tpu.memory_space<vmem>> -> memref<128xi32, #tpu.memory_space<vmem>>
      %dma_start3A_148 = arith.constant 0 : i32
      %dma_start3A_149 = arith.constant 0 : i32
      %dma_start3A_150 = tpu.memref_slice %arg2[%dma_start3A_148, %dma_start3A_149] : memref<10240x64xf32, #tpu.memory_space<hbm>> -> memref<10240x64xf32, #tpu.memory_space<hbm>>
      tpu.enqueue_indirect_dma source(%dma_start3A_150 : memref<10240x64xf32, #tpu.memory_space<hbm>>) target(%dma_start3A_144 : memref<128x64xf32, #tpu.memory_space<vmem>>) offsets(%dma_start3A_147 : memref<128xi32, #tpu.memory_space<vmem>>) semaphore(%arg10 : memref<!tpu.dma_semaphore, #tpu.memory_space<semaphore_mem>>)
      %dma_wait3A_151 = arith.constant 78 : i32
      %dma_wait3A_152 = arith.constant 0 : i32
      %dma_wait3A_153 = arith.constant 0 : i32
      %dma_wait3A_154 = arith.constant 0 : i32
      %dma_wait3A_155 = tpu.memref_slice %arg7[%dma_wait3A_152, %dma_wait3A_153, %dma_wait3A_154] : memref<3x128x64xf32, #tpu.memory_space<vmem>> -> memref<1x128x64xf32, #tpu.memory_space<vmem>>
      %dma_wait3A_156 = tpu.memref_squeeze %dma_wait3A_155 : memref<1x128x64xf32, #tpu.memory_space<vmem>> -> memref<128x64xf32, #tpu.memory_space<vmem>>
      %dma_wait3A_157 = arith.constant 0 : i32
      %dma_wait3A_158 = tpu.memref_slice %arg5[%dma_wait3A_151, %dma_wait3A_157] : memref<79x128xi32, #tpu.memory_space<vmem>> -> memref<1x128xi32, #tpu.memory_space<vmem>>
      %dma_wait3A_159 = tpu.memref_squeeze %dma_wait3A_158 : memref<1x128xi32, #tpu.memory_space<vmem>> -> memref<128xi32, #tpu.memory_space<vmem>>
      %dma_wait3A_160 = arith.constant 0 : i32
      %dma_wait3A_161 = arith.constant 0 : i32
      %dma_wait3A_162 = tpu.memref_slice %arg2[%dma_wait3A_160, %dma_wait3A_161] : memref<10240x64xf32, #tpu.memory_space<hbm>> -> memref<10240x64xf32, #tpu.memory_space<hbm>>
      tpu.wait_indirect_dma semaphore(%arg10 : memref<!tpu.dma_semaphore, #tpu.memory_space<semaphore_mem>>) src(%dma_wait3A_162 : memref<10240x64xf32, #tpu.memory_space<hbm>>) dst(%dma_wait3A_156 : memref<128x64xf32, #tpu.memory_space<vmem>>)
      %run_scoped3A = arith.constant 0 : i32
      %run_scoped3A_163 = arith.constant 78 : i32
      "tpu.region"() ({
        %run_scoped3A_164 = tpu.sem_alloc : memref<!tpu.dma_semaphore, #tpu.memory_space<semaphore_mem>>
        %dma_start3A_165 = arith.constant 0 : i32
        %dma_start3A_166 = arith.constant 0 : i32
        %dma_start3A_167 = tpu.memref_slice %arg7[%run_scoped3A, %dma_start3A_165, %dma_start3A_166] : memref<3x128x64xf32, #tpu.memory_space<vmem>> -> memref<1x128x64xf32, #tpu.memory_space<vmem>>
        %dma_start3A_168 = tpu.memref_squeeze %dma_start3A_167 : memref<1x128x64xf32, #tpu.memory_space<vmem>> -> memref<128x64xf32, #tpu.memory_space<vmem>>
        %dma_start3A_169 = arith.constant 0 : i32
        %dma_start3A_170 = tpu.memref_slice %arg6[%run_scoped3A_163, %dma_start3A_169] : memref<79x128xi32, #tpu.memory_space<vmem>> -> memref<1x128xi32, #tpu.memory_space<vmem>>
        %dma_start3A_171 = tpu.memref_squeeze %dma_start3A_170 : memref<1x128xi32, #tpu.memory_space<vmem>> -> memref<128xi32, #tpu.memory_space<vmem>>
        %dma_start3A_172 = arith.constant 0 : i32
        %dma_start3A_173 = arith.constant 0 : i32
        %dma_start3A_174 = tpu.memref_slice %arg9[%dma_start3A_172, %dma_start3A_173] : memref<10112x64xf32, #tpu.memory_space<vmem_shared>> -> memref<10112x64xf32, #tpu.memory_space<vmem_shared>>
        tpu.enqueue_indirect_dma source(%dma_start3A_168 : memref<128x64xf32, #tpu.memory_space<vmem>>) target(%dma_start3A_174 : memref<10112x64xf32, #tpu.memory_space<vmem_shared>>) offsets(%dma_start3A_171 : memref<128xi32, #tpu.memory_space<vmem>>) semaphore(%run_scoped3A_164 : memref<!tpu.dma_semaphore, #tpu.memory_space<semaphore_mem>>) {add = true}
        %dma_wait3A_175 = arith.constant 0 : i32
        %dma_wait3A_176 = arith.constant 0 : i32
        %dma_wait3A_177 = tpu.memref_slice %arg7[%run_scoped3A, %dma_wait3A_175, %dma_wait3A_176] : memref<3x128x64xf32, #tpu.memory_space<vmem>> -> memref<1x128x64xf32, #tpu.memory_space<vmem>>
        %dma_wait3A_178 = tpu.memref_squeeze %dma_wait3A_177 : memref<1x128x64xf32, #tpu.memory_space<vmem>> -> memref<128x64xf32, #tpu.memory_space<vmem>>
        %dma_wait3A_179 = arith.constant 0 : i32
        %dma_wait3A_180 = tpu.memref_slice %arg6[%run_scoped3A_163, %dma_wait3A_179] : memref<79x128xi32, #tpu.memory_space<vmem>> -> memref<1x128xi32, #tpu.memory_space<vmem>>
        %dma_wait3A_181 = tpu.memref_squeeze %dma_wait3A_180 : memref<1x128xi32, #tpu.memory_space<vmem>> -> memref<128xi32, #tpu.memory_space<vmem>>
        %dma_wait3A_182 = arith.constant 0 : i32
        %dma_wait3A_183 = arith.constant 0 : i32
        %dma_wait3A_184 = tpu.memref_slice %arg9[%dma_wait3A_182, %dma_wait3A_183] : memref<10112x64xf32, #tpu.memory_space<vmem_shared>> -> memref<10112x64xf32, #tpu.memory_space<vmem_shared>>
        tpu.wait_indirect_dma semaphore(%run_scoped3A_164 : memref<!tpu.dma_semaphore, #tpu.memory_space<semaphore_mem>>) src(%dma_wait3A_178 : memref<128x64xf32, #tpu.memory_space<vmem>>) dst(%dma_wait3A_184 : memref<10112x64xf32, #tpu.memory_space<vmem_shared>>)
        tpu.yield
      }) : () -> ()
    } else {
    }
    %barrier3A_134 = arith.constant 0 : index
    tpu.barrier barrier_id(%barrier3A_134)
    %mul3A_135 = arith.constant 632 : i32
    %mul3A_136 = arith.muli %arg1, %mul3A_135 : i32
    "tpu.region"() ({
      %run_scoped3A = tpu.sem_alloc : memref<!tpu.dma_semaphore, #tpu.memory_space<semaphore_mem>>
      %dma_start3A_139 = arith.constant 0 : i32
      %dma_start3A_140 = tpu.memref_slice %arg9[%mul3A_136, %dma_start3A_139] : memref<10112x64xf32, #tpu.memory_space<vmem_shared>> -> memref<632x64xf32, #tpu.memory_space<vmem_shared>>
      %dma_start3A_141 = arith.constant 0 : i32
      %dma_start3A_142 = tpu.memref_slice %arg9[%mul3A_136, %dma_start3A_141] : memref<10112x64xf32, #tpu.memory_space<vmem_shared>> -> memref<632x64xf32, #tpu.memory_space<vmem_shared>>
      tpu.enqueue_dma source(%dma_start3A_142 : memref<632x64xf32, #tpu.memory_space<vmem_shared>>) target(%arg8 : memref<632x64xf32, #tpu.memory_space<vmem>>) target_semaphore(%run_scoped3A : memref<!tpu.dma_semaphore, #tpu.memory_space<semaphore_mem>>)
      %dma_wait3A_143 = arith.constant 0 : i32
      %dma_wait3A_144 = tpu.memref_slice %arg9[%mul3A_136, %dma_wait3A_143] : memref<10112x64xf32, #tpu.memory_space<vmem_shared>> -> memref<632x64xf32, #tpu.memory_space<vmem_shared>>
      %dma_wait3A_145 = arith.constant 0 : i32
      %dma_wait3A_146 = tpu.memref_slice %arg9[%mul3A_136, %dma_wait3A_145] : memref<10112x64xf32, #tpu.memory_space<vmem_shared>> -> memref<632x64xf32, #tpu.memory_space<vmem_shared>>
      tpu.wait_dma2 semaphore(%run_scoped3A : memref<!tpu.dma_semaphore, #tpu.memory_space<semaphore_mem>>) src(%dma_wait3A_146 : memref<632x64xf32, #tpu.memory_space<vmem_shared>>) dst(%arg8 : memref<632x64xf32, #tpu.memory_space<vmem>>)
      tpu.yield
    }) : () -> ()
    %mul3A_137 = arith.constant 632 : i32
    %mul3A_138 = arith.muli %arg1, %mul3A_137 : i32
    "tpu.region"() ({
      %run_scoped3A = tpu.sem_alloc : memref<!tpu.dma_semaphore, #tpu.memory_space<semaphore_mem>>
      %dma_start3A_139 = arith.constant 0 : i32
      %dma_start3A_140 = arith.constant 0 : i32
      %dma_start3A_141 = tpu.memref_slice %arg4[%arg0, %dma_start3A_139, %dma_start3A_140] : memref<2x10112x64xf32, #tpu.memory_space<hbm>> -> memref<1x10112x64xf32, #tpu.memory_space<hbm>>
      %dma_start3A_142 = tpu.memref_squeeze %dma_start3A_141 : memref<1x10112x64xf32, #tpu.memory_space<hbm>> -> memref<10112x64xf32, #tpu.memory_space<hbm>>
      %dma_start3A_143 = arith.constant 0 : i32
      %dma_start3A_144 = tpu.memref_slice %dma_start3A_142[%mul3A_138, %dma_start3A_143] : memref<10112x64xf32, #tpu.memory_space<hbm>> -> memref<632x64xf32, #tpu.memory_space<hbm>>
      %dma_start3A_145 = arith.constant 0 : i32
      %dma_start3A_146 = arith.constant 0 : i32
      %dma_start3A_147 = tpu.memref_slice %arg4[%arg0, %dma_start3A_145, %dma_start3A_146] : memref<2x10112x64xf32, #tpu.memory_space<hbm>> -> memref<1x10112x64xf32, #tpu.memory_space<hbm>>
      %dma_start3A_148 = tpu.memref_squeeze %dma_start3A_147 : memref<1x10112x64xf32, #tpu.memory_space<hbm>> -> memref<10112x64xf32, #tpu.memory_space<hbm>>
      %dma_start3A_149 = arith.constant 0 : i32
      %dma_start3A_150 = tpu.memref_slice %dma_start3A_148[%mul3A_138, %dma_start3A_149] : memref<10112x64xf32, #tpu.memory_space<hbm>> -> memref<632x64xf32, #tpu.memory_space<hbm>>
      tpu.enqueue_dma source(%arg8 : memref<632x64xf32, #tpu.memory_space<vmem>>) target(%dma_start3A_150 : memref<632x64xf32, #tpu.memory_space<hbm>>) target_semaphore(%run_scoped3A : memref<!tpu.dma_semaphore, #tpu.memory_space<semaphore_mem>>)
      %dma_wait3A_151 = arith.constant 0 : i32
      %dma_wait3A_152 = arith.constant 0 : i32
      %dma_wait3A_153 = tpu.memref_slice %arg4[%arg0, %dma_wait3A_151, %dma_wait3A_152] : memref<2x10112x64xf32, #tpu.memory_space<hbm>> -> memref<1x10112x64xf32, #tpu.memory_space<hbm>>
      %dma_wait3A_154 = tpu.memref_squeeze %dma_wait3A_153 : memref<1x10112x64xf32, #tpu.memory_space<hbm>> -> memref<10112x64xf32, #tpu.memory_space<hbm>>
      %dma_wait3A_155 = arith.constant 0 : i32
      %dma_wait3A_156 = tpu.memref_slice %dma_wait3A_154[%mul3A_138, %dma_wait3A_155] : memref<10112x64xf32, #tpu.memory_space<hbm>> -> memref<632x64xf32, #tpu.memory_space<hbm>>
      %dma_wait3A_157 = arith.constant 0 : i32
      %dma_wait3A_158 = arith.constant 0 : i32
      %dma_wait3A_159 = tpu.memref_slice %arg4[%arg0, %dma_wait3A_157, %dma_wait3A_158] : memref<2x10112x64xf32, #tpu.memory_space<hbm>> -> memref<1x10112x64xf32, #tpu.memory_space<hbm>>
      %dma_wait3A_160 = tpu.memref_squeeze %dma_wait3A_159 : memref<1x10112x64xf32, #tpu.memory_space<hbm>> -> memref<10112x64xf32, #tpu.memory_space<hbm>>
      %dma_wait3A_161 = arith.constant 0 : i32
      %dma_wait3A_162 = tpu.memref_slice %dma_wait3A_160[%mul3A_138, %dma_wait3A_161] : memref<10112x64xf32, #tpu.memory_space<hbm>> -> memref<632x64xf32, #tpu.memory_space<hbm>>
      tpu.wait_dma2 semaphore(%run_scoped3A : memref<!tpu.dma_semaphore, #tpu.memory_space<semaphore_mem>>) src(%arg8 : memref<632x64xf32, #tpu.memory_space<vmem>>) dst(%dma_wait3A_162 : memref<632x64xf32, #tpu.memory_space<hbm>>)
      tpu.yield
    }) : () -> ()
    return
  }
}

module attributes {stable_mosaic.version = 14 : i64} {
  func.func @body(%arg0: i32, %arg1: memref<2048x128xf32, #tpu.memory_space<vmem>>, %arg2: memref<128x64xf32, #tpu.memory_space<vmem>>, %arg3: memref<32x2048xf32, #tpu.memory_space<vmem>>, %arg4: memref<2048x64xf32, #tpu.memory_space<vmem>>, %arg5: memref<2048x1xf32, #tpu.memory_space<vmem>>) attributes {dimension_semantics = [#tpu.dimension_semantics<arbitrary>], iteration_bounds = array<i64: 5>, scalar_prefetch = 0 : i64, scratch_operands = 0 : i64, tpu.core_type = #tpu.core_type<tc>, window_params = [{transform_indices = @transform_0, window_bounds = array<i64: 2048, 128>}, {pipeline_mode = #tpu.pipeline_mode<synchronous>, transform_indices = @transform_1, window_bounds = array<i64: 128, 64>}, {transform_indices = @transform_2, window_bounds = array<i64: 32, 2048>}, {transform_indices = @transform_3, window_bounds = array<i64: 2048, 64>}, {transform_indices = @transform_4, window_bounds = array<i64: 2048, 1>}]} {
    %get3A = arith.constant 0 : index
    %get3A_0 = arith.constant 0 : index
    %get3A_1 = vector.load %arg3[%get3A, %get3A_0] : memref<32x2048xf32, #tpu.memory_space<vmem>>, vector<32x2048xf32>
    %reduce_sum3A = arith.constant dense<0.000000e+00> : vector<2048xf32>
    %reduce_sum3A_2 = vector.multi_reduction <add>, %get3A_1, %reduce_sum3A [0] : vector<32x2048xf32> to vector<2048xf32>
    %broadcast_in_dim3A = vector.shape_cast %reduce_sum3A_2 : vector<2048xf32> to vector<1x2048xf32>
    %transpose3A = tpu.transpose %broadcast_in_dim3A, [1, 0] : vector<1x2048xf32> -> vector<2048x1xf32>
    %add3A = arith.constant 1.000000e+00 : f32
    %add3A_3 = vector.broadcast %add3A : f32 to vector<2048x1xf32>
    %add3A_4 = arith.addf %transpose3A, %add3A_3 : vector<2048x1xf32>
    %rsqrt3A = math.rsqrt %add3A_4 : vector<2048x1xf32>
    %get3A_5 = arith.constant 0 : index
    %get3A_6 = arith.constant 0 : index
    %get3A_7 = vector.load %arg1[%get3A_5, %get3A_6] : memref<2048x128xf32, #tpu.memory_space<vmem>>, vector<2048x128xf32>
    %get3A_8 = arith.constant 0 : index
    %get3A_9 = arith.constant 0 : index
    %get3A_10 = vector.load %arg2[%get3A_8, %get3A_9] : memref<128x64xf32, #tpu.memory_space<vmem>>, vector<128x64xf32>
    %dot_general3A = arith.constant dense<0.000000e+00> : vector<2048x64xf32>
    %dot_general3A_11 = tpu.matmul %get3A_7, %get3A_10, %dot_general3A {dimension_numbers = #tpu.dot_dimension_numbers<[1], [0], [0], [1], [0, 0, 1, 1], [], []>, transpose_lhs_hint = false} : vector<2048x128xf32>, vector<128x64xf32>, vector<2048x64xf32> -> vector<2048x64xf32>
    %mul3A = vector.broadcast %rsqrt3A : vector<2048x1xf32> to vector<2048x64xf32>
    %mul3A_12 = arith.mulf %dot_general3A_11, %mul3A : vector<2048x64xf32>
    %swap3A = arith.constant 0 : index
    %swap3A_13 = arith.constant 0 : index
    %swap3A_14 = vector.load %arg4[%swap3A, %swap3A_13] : memref<2048x64xf32, #tpu.memory_space<vmem>>, vector<2048x64xf32>
    tpu.vector_store %arg4[%swap3A, %swap3A_13], %mul3A_12 {strides = array<i32>} : memref<2048x64xf32, #tpu.memory_space<vmem>>, vector<2048x64xf32>,
    %swap3A_15 = arith.constant 0 : index
    %swap3A_16 = arith.constant 0 : index
    %swap3A_17 = vector.load %arg5[%swap3A_15, %swap3A_16] : memref<2048x1xf32, #tpu.memory_space<vmem>>, vector<2048x1xf32>
    tpu.vector_store %arg5[%swap3A_15, %swap3A_16], %rsqrt3A {strides = array<i32>} : memref<2048x1xf32, #tpu.memory_space<vmem>>, vector<2048x1xf32>,
    return
  }
  func.func @transform_0(%arg0: i32) -> (i32, i32) {
    %c0_i32 = arith.constant 0 : i32
    %c0_i32_0 = arith.constant 0 : i32
    return %arg0, %c0_i32 : i32, i32
  }
  func.func @transform_1(%arg0: i32) -> (i32, i32) {
    %c0_i32 = arith.constant 0 : i32
    %c0_i32_0 = arith.constant 0 : i32
    %c0_i32_1 = arith.constant 0 : i32
    return %c0_i32, %c0_i32_0 : i32, i32
  }
  func.func @transform_2(%arg0: i32) -> (i32, i32) {
    %c0_i32 = arith.constant 0 : i32
    %c0_i32_0 = arith.constant 0 : i32
    return %c0_i32, %arg0 : i32, i32
  }
  func.func @transform_3(%arg0: i32) -> (i32, i32) {
    %c0_i32 = arith.constant 0 : i32
    %c0_i32_0 = arith.constant 0 : i32
    return %arg0, %c0_i32 : i32, i32
  }
  func.func @transform_4(%arg0: i32) -> (i32, i32) {
    %c0_i32 = arith.constant 0 : i32
    %c0_i32_0 = arith.constant 0 : i32
    return %arg0, %c0_i32 : i32, i32
  }
}

module attributes {stable_mosaic.version = 14 : i64} {
  func.func @body(%arg0: i32, %arg1: memref<1x2000x64xf32, #tpu.memory_space<vmem>>, %arg2: memref<1x2000x64xf32, #tpu.memory_space<vmem>>, %arg3: memref<2000x64xf32, #tpu.memory_space<vmem>>, %arg4: memref<2000x1xf32, #tpu.memory_space<vmem>>, %arg5: memref<64x64xf32, #tpu.memory_space<vmem>>, %arg6: memref<1x64xf32, #tpu.memory_space<vmem>>, %arg7: memref<2000x64xf32, #tpu.memory_space<vmem>>) attributes {dimension_semantics = [#tpu.dimension_semantics<arbitrary>], iteration_bounds = array<i64: 5>, scalar_prefetch = 0 : i64, scratch_operands = 0 : i64, tpu.core_type = #tpu.core_type<tc>, window_params = [{transform_indices = @transform_0, window_bounds = array<i64: 1, 2000, 64>}, {transform_indices = @transform_1, window_bounds = array<i64: 1, 2000, 64>}, {transform_indices = @transform_2, window_bounds = array<i64: 2000, 64>}, {transform_indices = @transform_3, window_bounds = array<i64: 2000, 1>}, {pipeline_mode = #tpu.pipeline_mode<synchronous>, transform_indices = @transform_4, window_bounds = array<i64: 64, 64>}, {pipeline_mode = #tpu.pipeline_mode<synchronous>, transform_indices = @transform_5, window_bounds = array<i64: 1, 64>}, {transform_indices = @transform_6, window_bounds = array<i64: 2000, 64>}]} {
    %get3A = arith.constant 0 : index
    %get3A_0 = arith.constant 0 : index
    %get3A_1 = vector.load %arg4[%get3A, %get3A_0] : memref<2000x1xf32, #tpu.memory_space<vmem>>, vector<2000x1xf32>
    %get3A_2 = arith.constant 0 : index
    %get3A_3 = arith.constant 0 : index
    %get3A_4 = arith.constant 0 : index
    %get3A_5 = vector.load %arg1[%get3A_2, %get3A_3, %get3A_4] : memref<1x2000x64xf32, #tpu.memory_space<vmem>>, vector<1x2000x64xf32>
    %get3A_6 = vector.shape_cast %get3A_5 : vector<1x2000x64xf32> to vector<2000x64xf32>
    %get3A_7 = arith.constant 0 : index
    %get3A_8 = arith.constant 0 : index
    %get3A_9 = arith.constant 0 : index
    %get3A_10 = vector.load %arg2[%get3A_7, %get3A_8, %get3A_9] : memref<1x2000x64xf32, #tpu.memory_space<vmem>>, vector<1x2000x64xf32>
    %get3A_11 = vector.shape_cast %get3A_10 : vector<1x2000x64xf32> to vector<2000x64xf32>
    %add3A = arith.addf %get3A_6, %get3A_11 : vector<2000x64xf32>
    %get3A_12 = arith.constant 0 : index
    %get3A_13 = arith.constant 0 : index
    %get3A_14 = vector.load %arg3[%get3A_12, %get3A_13] : memref<2000x64xf32, #tpu.memory_space<vmem>>, vector<2000x64xf32>
    %add3A_15 = arith.addf %add3A, %get3A_14 : vector<2000x64xf32>
    %mul3A = vector.broadcast %get3A_1 : vector<2000x1xf32> to vector<2000x64xf32>
    %mul3A_16 = arith.mulf %add3A_15, %mul3A : vector<2000x64xf32>
    %get3A_17 = arith.constant 0 : index
    %get3A_18 = arith.constant 0 : index
    %get3A_19 = vector.load %arg6[%get3A_17, %get3A_18] : memref<1x64xf32, #tpu.memory_space<vmem>>, vector<1x64xf32>
    %add3A_20 = vector.broadcast %get3A_19 : vector<1x64xf32> to vector<2000x64xf32>
    %add3A_21 = arith.addf %mul3A_16, %add3A_20 : vector<2000x64xf32>
    %max3A = arith.constant 0.000000e+00 : f32
    %max3A_22 = vector.broadcast %max3A : f32 to vector<2000x64xf32>
    %max3A_23 = arith.maximumf %add3A_21, %max3A_22 : vector<2000x64xf32>
    %get3A_24 = arith.constant 0 : index
    %get3A_25 = arith.constant 0 : index
    %get3A_26 = vector.load %arg5[%get3A_24, %get3A_25] : memref<64x64xf32, #tpu.memory_space<vmem>>, vector<64x64xf32>
    %dot_general3A = arith.constant dense<0.000000e+00> : vector<2000x64xf32>
    %dot_general3A_27 = tpu.matmul %max3A_23, %get3A_26, %dot_general3A {dimension_numbers = #tpu.dot_dimension_numbers<[1], [0], [0], [1], [0, 0, 1, 1], [], []>, transpose_lhs_hint = false} : vector<2000x64xf32>, vector<64x64xf32>, vector<2000x64xf32> -> vector<2000x64xf32>
    %mul3A_28 = vector.broadcast %get3A_1 : vector<2000x1xf32> to vector<2000x64xf32>
    %mul3A_29 = arith.mulf %dot_general3A_27, %mul3A_28 : vector<2000x64xf32>
    %swap3A = arith.constant 0 : index
    %swap3A_30 = arith.constant 0 : index
    %swap3A_31 = vector.load %arg7[%swap3A, %swap3A_30] : memref<2000x64xf32, #tpu.memory_space<vmem>>, vector<2000x64xf32>
    tpu.vector_store %arg7[%swap3A, %swap3A_30], %mul3A_29 {strides = array<i32>} : memref<2000x64xf32, #tpu.memory_space<vmem>>, vector<2000x64xf32>,
    return
  }
  func.func @transform_0(%arg0: i32) -> (i32, i32, i32) {
    %c0_i32 = arith.constant 0 : i32
    %c0_i32_0 = arith.constant 0 : i32
    %c0_i32_1 = arith.constant 0 : i32
    return %c0_i32, %arg0, %c0_i32_0 : i32, i32, i32
  }
  func.func @transform_1(%arg0: i32) -> (i32, i32, i32) {
    %c1_i32 = arith.constant 1 : i32
    %c0_i32 = arith.constant 0 : i32
    %c0_i32_0 = arith.constant 0 : i32
    return %c1_i32, %arg0, %c0_i32 : i32, i32, i32
  }
  func.func @transform_2(%arg0: i32) -> (i32, i32) {
    %c0_i32 = arith.constant 0 : i32
    %c0_i32_0 = arith.constant 0 : i32
    return %arg0, %c0_i32 : i32, i32
  }
  func.func @transform_3(%arg0: i32) -> (i32, i32) {
    %c0_i32 = arith.constant 0 : i32
    %c0_i32_0 = arith.constant 0 : i32
    return %arg0, %c0_i32 : i32, i32
  }
  func.func @transform_4(%arg0: i32) -> (i32, i32) {
    %c0_i32 = arith.constant 0 : i32
    %c0_i32_0 = arith.constant 0 : i32
    %c0_i32_1 = arith.constant 0 : i32
    return %c0_i32, %c0_i32_0 : i32, i32
  }
  func.func @transform_5(%arg0: i32) -> (i32, i32) {
    %c0_i32 = arith.constant 0 : i32
    %c0_i32_0 = arith.constant 0 : i32
    %c0_i32_1 = arith.constant 0 : i32
    return %c0_i32, %c0_i32_0 : i32, i32
  }
  func.func @transform_6(%arg0: i32) -> (i32, i32) {
    %c0_i32 = arith.constant 0 : i32
    %c0_i32_0 = arith.constant 0 : i32
    return %arg0, %c0_i32 : i32, i32
  }
}

module attributes {stable_mosaic.version = 14 : i64} {
  func.func @body(%arg0: i32, %arg1: memref<1x2000x64xf32, #tpu.memory_space<vmem>>, %arg2: memref<1x2000x64xf32, #tpu.memory_space<vmem>>, %arg3: memref<2000x64xf32, #tpu.memory_space<vmem>>, %arg4: memref<2000x1xf32, #tpu.memory_space<vmem>>, %arg5: memref<1x64xf32, #tpu.memory_space<vmem>>, %arg6: memref<64x2xf32, #tpu.memory_space<vmem>>, %arg7: memref<1x2xf32, #tpu.memory_space<vmem>>, %arg8: memref<2000x1xf32, #tpu.memory_space<vmem>>, %arg9: memref<2000x1xf32, #tpu.memory_space<vmem>>) attributes {dimension_semantics = [#tpu.dimension_semantics<arbitrary>], iteration_bounds = array<i64: 5>, scalar_prefetch = 0 : i64, scratch_operands = 0 : i64, tpu.core_type = #tpu.core_type<tc>, window_params = [{transform_indices = @transform_0, window_bounds = array<i64: 1, 2000, 64>}, {transform_indices = @transform_1, window_bounds = array<i64: 1, 2000, 64>}, {transform_indices = @transform_2, window_bounds = array<i64: 2000, 64>}, {transform_indices = @transform_3, window_bounds = array<i64: 2000, 1>}, {pipeline_mode = #tpu.pipeline_mode<synchronous>, transform_indices = @transform_4, window_bounds = array<i64: 1, 64>}, {pipeline_mode = #tpu.pipeline_mode<synchronous>, transform_indices = @transform_5, window_bounds = array<i64: 64, 2>}, {pipeline_mode = #tpu.pipeline_mode<synchronous>, transform_indices = @transform_6, window_bounds = array<i64: 1, 2>}, {transform_indices = @transform_7, window_bounds = array<i64: 2000, 1>}, {transform_indices = @transform_8, window_bounds = array<i64: 2000, 1>}]} {
    %get3A = arith.constant 0 : index
    %get3A_0 = arith.constant 0 : index
    %get3A_1 = vector.load %arg4[%get3A, %get3A_0] : memref<2000x1xf32, #tpu.memory_space<vmem>>, vector<2000x1xf32>
    %get3A_2 = arith.constant 0 : index
    %get3A_3 = arith.constant 0 : index
    %get3A_4 = arith.constant 0 : index
    %get3A_5 = vector.load %arg1[%get3A_2, %get3A_3, %get3A_4] : memref<1x2000x64xf32, #tpu.memory_space<vmem>>, vector<1x2000x64xf32>
    %get3A_6 = vector.shape_cast %get3A_5 : vector<1x2000x64xf32> to vector<2000x64xf32>
    %get3A_7 = arith.constant 0 : index
    %get3A_8 = arith.constant 0 : index
    %get3A_9 = arith.constant 0 : index
    %get3A_10 = vector.load %arg2[%get3A_7, %get3A_8, %get3A_9] : memref<1x2000x64xf32, #tpu.memory_space<vmem>>, vector<1x2000x64xf32>
    %get3A_11 = vector.shape_cast %get3A_10 : vector<1x2000x64xf32> to vector<2000x64xf32>
    %add3A = arith.addf %get3A_6, %get3A_11 : vector<2000x64xf32>
    %get3A_12 = arith.constant 0 : index
    %get3A_13 = arith.constant 0 : index
    %get3A_14 = vector.load %arg3[%get3A_12, %get3A_13] : memref<2000x64xf32, #tpu.memory_space<vmem>>, vector<2000x64xf32>
    %add3A_15 = arith.addf %add3A, %get3A_14 : vector<2000x64xf32>
    %mul3A = vector.broadcast %get3A_1 : vector<2000x1xf32> to vector<2000x64xf32>
    %mul3A_16 = arith.mulf %add3A_15, %mul3A : vector<2000x64xf32>
    %get3A_17 = arith.constant 0 : index
    %get3A_18 = arith.constant 0 : index
    %get3A_19 = vector.load %arg5[%get3A_17, %get3A_18] : memref<1x64xf32, #tpu.memory_space<vmem>>, vector<1x64xf32>
    %add3A_20 = vector.broadcast %get3A_19 : vector<1x64xf32> to vector<2000x64xf32>
    %add3A_21 = arith.addf %mul3A_16, %add3A_20 : vector<2000x64xf32>
    %max3A = arith.constant 0.000000e+00 : f32
    %max3A_22 = vector.broadcast %max3A : f32 to vector<2000x64xf32>
    %max3A_23 = arith.maximumf %add3A_21, %max3A_22 : vector<2000x64xf32>
    %get3A_24 = arith.constant 0 : index
    %get3A_25 = arith.constant 0 : index
    %get3A_26 = vector.load %arg6[%get3A_24, %get3A_25] : memref<64x2xf32, #tpu.memory_space<vmem>>, vector<64x2xf32>
    %dot_general3A = arith.constant dense<0.000000e+00> : vector<2000x2xf32>
    %dot_general3A_27 = tpu.matmul %max3A_23, %get3A_26, %dot_general3A {dimension_numbers = #tpu.dot_dimension_numbers<[1], [0], [0], [1], [0, 0, 1, 1], [], []>, transpose_lhs_hint = false} : vector<2000x64xf32>, vector<64x2xf32>, vector<2000x2xf32> -> vector<2000x2xf32>
    %get3A_28 = arith.constant 0 : index
    %get3A_29 = arith.constant 0 : index
    %get3A_30 = vector.load %arg7[%get3A_28, %get3A_29] : memref<1x2xf32, #tpu.memory_space<vmem>>, vector<1x2xf32>
    %add3A_31 = vector.broadcast %get3A_30 : vector<1x2xf32> to vector<2000x2xf32>
    %add3A_32 = arith.addf %dot_general3A_27, %add3A_31 : vector<2000x2xf32>
    %slice3A = vector.extract_strided_slice %add3A_32 {offsets = [0, 0], sizes = [2000, 1], strides = [1, 1]} : vector<2000x2xf32> to vector<2000x1xf32>
    %swap3A = arith.constant 0 : index
    %swap3A_33 = arith.constant 0 : index
    %swap3A_34 = vector.load %arg8[%swap3A, %swap3A_33] : memref<2000x1xf32, #tpu.memory_space<vmem>>, vector<2000x1xf32>
    tpu.vector_store %arg8[%swap3A, %swap3A_33], %slice3A {strides = array<i32>} : memref<2000x1xf32, #tpu.memory_space<vmem>>, vector<2000x1xf32>,
    %slice3A_35 = vector.extract_strided_slice %add3A_32 {offsets = [0, 1], sizes = [2000, 1], strides = [1, 1]} : vector<2000x2xf32> to vector<2000x1xf32>
    %swap3A_36 = arith.constant 0 : index
    %swap3A_37 = arith.constant 0 : index
    %swap3A_38 = vector.load %arg9[%swap3A_36, %swap3A_37] : memref<2000x1xf32, #tpu.memory_space<vmem>>, vector<2000x1xf32>
    tpu.vector_store %arg9[%swap3A_36, %swap3A_37], %slice3A_35 {strides = array<i32>} : memref<2000x1xf32, #tpu.memory_space<vmem>>, vector<2000x1xf32>,
    return
  }
  func.func @transform_0(%arg0: i32) -> (i32, i32, i32) {
    %c0_i32 = arith.constant 0 : i32
    %c0_i32_0 = arith.constant 0 : i32
    %c0_i32_1 = arith.constant 0 : i32
    return %c0_i32, %arg0, %c0_i32_0 : i32, i32, i32
  }
  func.func @transform_1(%arg0: i32) -> (i32, i32, i32) {
    %c1_i32 = arith.constant 1 : i32
    %c0_i32 = arith.constant 0 : i32
    %c0_i32_0 = arith.constant 0 : i32
    return %c1_i32, %arg0, %c0_i32 : i32, i32, i32
  }
  func.func @transform_2(%arg0: i32) -> (i32, i32) {
    %c0_i32 = arith.constant 0 : i32
    %c0_i32_0 = arith.constant 0 : i32
    return %arg0, %c0_i32 : i32, i32
  }
  func.func @transform_3(%arg0: i32) -> (i32, i32) {
    %c0_i32 = arith.constant 0 : i32
    %c0_i32_0 = arith.constant 0 : i32
    return %arg0, %c0_i32 : i32, i32
  }
  func.func @transform_4(%arg0: i32) -> (i32, i32) {
    %c0_i32 = arith.constant 0 : i32
    %c0_i32_0 = arith.constant 0 : i32
    %c0_i32_1 = arith.constant 0 : i32
    return %c0_i32, %c0_i32_0 : i32, i32
  }
  func.func @transform_5(%arg0: i32) -> (i32, i32) {
    %c0_i32 = arith.constant 0 : i32
    %c0_i32_0 = arith.constant 0 : i32
    %c0_i32_1 = arith.constant 0 : i32
    return %c0_i32, %c0_i32_0 : i32, i32
  }
  func.func @transform_6(%arg0: i32) -> (i32, i32) {
    %c0_i32 = arith.constant 0 : i32
    %c0_i32_0 = arith.constant 0 : i32
    %c0_i32_1 = arith.constant 0 : i32
    return %c0_i32, %c0_i32_0 : i32, i32
  }
  func.func @transform_7(%arg0: i32) -> (i32, i32) {
    %c0_i32 = arith.constant 0 : i32
    %c0_i32_0 = arith.constant 0 : i32
    return %arg0, %c0_i32 : i32, i32
  }
  func.func @transform_8(%arg0: i32) -> (i32, i32) {
    %c0_i32 = arith.constant 0 : i32
    %c0_i32_0 = arith.constant 0 : i32
    return %arg0, %c0_i32 : i32, i32
  }
}

</mosaic_0001>

<sc_bundles>
// kernel: kernel.11.cloned.1.call-start
scs
__scs_entry_jumppad:
0x0: {  	(pc) =	sbr.rel $0x88, $3  }
0x1: {  	(tag) =	ssettag $0x0;
	lr =	simm.s32 $0x1  }
0x2: {  	[smem:$0x3F97] =	sst lr;
	_ =	strace $0xD0000000  }
0x3: {  	_ = 	snop  }
0x4: {  	_ = 	snop  }
0x5: {  	_ = 	snop  }
0x6: {  	_ = 	snop  }
0x7: {  	_ = 	snop  }
__scs_overlays_trampoline_lowered:
0x8: {  	[smem:$0x3FA6] =	sst s0  }
0x9: {  	[smem:$0x3FA7] =	sst s1  }
0xa: {  	[smem:$0x3FA8] =	sst s2  }
0xb: {  	[smem:$0x3FA9] =	sst s3  }
0xc: {  	[smem:$0x3FAA] =	sst s4  }
0xd: {  	[smem:$0x3FAB] =	sst s5  }
0xe: {  	[smem:$0x3FAC] =	sst s6  }
0xf: {  	[smem:$0x3FAD] =	sst s7  }
0x10: {  	[smem:$0x3FAE] =	sst s8  }
0x11: {  	[smem:$0x3FAF] =	sst s9;
	s0 =	simm.s32 @!p0 $0x0  }
0x12: {  	s1 =	sld [smem:$0x3F95];
	s0 =	simm.s32 @p0 $0x1  }
0x13: {  	[smem:$0x3FB0] =	sst s0;
	s0 =	simm.s32 @!p1 $0x0  }
0x14: {  	s2 =	sld [smem:$0x3F94];
	s0 =	simm.s32 @p1 $0x1  }
0x15: {  	[smem:$0x3FB1] =	sst s0;
	s0 =	simm.s32 @!p2 $0x0  }
0x16: {  	s3 =	sld [smem:$0x3FDB];
	s0 =	simm.s32 @p2 $0x1  }
0x17: {  	s4 =	simm.s32 $0x1BF5;
	[smem:$0x3FB3] =	sst s0  }
0x18: {  	s0 =	sld [smem:$0x3F96];
	_ =	swait.ge [sflag:s4], $0x0  }
0x19: {  	s7 =	sld [smem:$0x3F97]  }
0x1a: {  	s8 =	sadd.s32 $0xFFFFE003, lr  }
0x1b: {  	s9 =	sadd.s32 $0xFFFFFEF7, lr;
	s5 =	simm.s32 $0xFFFFFFFF;
	p2 =	slt.u32 s8, $0xFFFFF086  }
0x1c: {  	p1 =	slt.u32 s9, $0xF7A;
	s5 =	simm.s32 @!p2 $0x0  }
0x1d: {  	s5 =	simm.s32 @p1 $0x1;
	p0 =	seq.s32 s7, s2  }
0x1e: {  	s7 =	smul.u32 @!p0 $0xF7A, s2;
	p2 =	seq.s32 @!p0 s5, $0x0  }
0x1f: {  	s9 =	smul.u32 $0xF7A, s1;
	s8 =	simm.s32 @!p0 $0x1BF5;
	p2 =	por !p2, p0  }
0x20: {  	[sflag:s8] =	ssyncset.s32 @!p0 $0xFFFFF086;
	s6 =	sadd.s32 @!p0 s3, s7;
	s7 =	simm.s32 @!p0 $0x108  }
0x21: {  	s3 =	sadd.s32 s3, s9;
	s6 =	sadd.s32 @!p0 $0x88, s6;
	s7 =	simm.s32 @p2 $0x1082  }
0x22: {  	[simem:s7], [sflag:s8] =	dma.local @!p0 [hbm:s6], $0xF7A  }
0x23: {  	s9 =	sor.u32 $0xD0000000, s2;
	s6 =	simm.s32 $0x108;
	_ =	swait.ge @!p0 [sflag:s8], $0x0  }
0x24: {  	s3 =	sadd.s32 $0x88, s3;
	s6 =	simm.s32 @!p1 $0x1082;
	[sflag:s4] =	ssyncset.s32 $0xFFFFF086  }
0x25: {  	[simem:s6], [sflag:s4] =	dma.local [hbm:s3], $0xF7A  }
0x26: {  	[smem:$0x3F97] =	sst s1;
	(tag) =	ssettag s2;
	_ =	strace s9  }
0x27: {  	s1 =	sld [smem:$0x3FA7]  }
0x28: {  	s2 =	sld [smem:$0x3FA8]  }
0x29: {  	s4 =	sld [smem:$0x3FAA]  }
0x2a: {  	p0 =	seq.s32 s5, $0x0;
	s5 =	sld [smem:$0x3FAB]  }
0x2b: {  	s6 =	sld [smem:$0x3FAC]  }
0x2c: {  	s7 =	sld [smem:$0x3FAD]  }
0x2d: {  	s3 =	simm.s32 $0x108;
	s8 =	sld [smem:$0x3FAE]  }
0x2e: {  	s3 =	simm.s32 @!p0 $0x1082;
	s9 =	sld [smem:$0x3FAF]  }
0x2f: {  	lr =	sadd.s32 s0, s3;
	s0 =	sld [smem:$0x3FA6]  }
0x30: {  	s3 =	sld [smem:$0x3FA9]  }
0x31: {  	[smem:$0x3FB2] =	sst s10  }
0x32: {  	s10 =	sld [smem:$0x3FB0];
	_ =	sdelay $0x3  }
0x33: {  	p0 =	seq.s32 s10, $0x1;
	s10 =	sld [smem:$0x3FB2];
	_ =	sdelay $0x3  }
0x34: {  	[smem:$0x3FB2] =	sst s10  }
0x35: {  	s10 =	sld [smem:$0x3FB1];
	_ =	sdelay $0x3  }
0x36: {  	p1 =	seq.s32 s10, $0x1;
	s10 =	sld [smem:$0x3FB2];
	_ =	sdelay $0x3  }
0x37: {  	[smem:$0x3FB2] =	sst s10  }
0x38: {  	s10 =	sld [smem:$0x3FB3]  }
0x39: {  	_ = 	snop;
	(pc) =	sbr.ind lr, $3  }
0x3a: {  	_ = 	snop  }
0x3b: {  	_ = 	snop  }
0x3c: {  	p2 =	seq.s32 s10, $0x1;
	s10 =	sld [smem:$0x3FB2]  }
0x3d: {  	_ =	shalt  }
0x3e: {  	_ =	shalt  }
0x3f: {  	_ =	shalt  }
0x40: {  	_ =	shalt  }
0x41: {  	_ =	shalt  }
0x42: {  	_ =	shalt  }
0x43: {  	_ =	shalt  }
0x44: {  	_ =	shalt  }
0x45: {  	_ =	shalt  }
0x46: {  	_ =	shalt  }
0x47: {  	_ =	shalt  }
0x48: {  	_ =	shalt  }
0x49: {  	_ =	shalt  }
0x4a: {  	_ =	shalt  }
0x4b: {  	_ =	shalt  }
0x4c: {  	_ =	shalt  }
0x4d: {  	_ =	shalt  }
0x4e: {  	_ =	shalt  }
0x4f: {  	_ =	shalt  }
0x50: {  	_ =	shalt  }
0x51: {  	_ =	shalt  }
0x52: {  	_ =	shalt  }
0x53: {  	_ =	shalt  }
0x54: {  	_ =	shalt  }
0x55: {  	_ =	shalt  }
0x56: {  	_ =	shalt  }
0x57: {  	_ =	shalt  }
0x58: {  	_ =	shalt  }
0x59: {  	_ =	shalt  }
0x5a: {  	_ =	shalt  }
0x5b: {  	_ =	shalt  }
0x5c: {  	_ =	shalt  }
0x5d: {  	_ =	shalt  }
0x5e: {  	_ =	shalt  }
0x5f: {  	_ =	shalt  }
0x60: {  	_ =	shalt  }
0x61: {  	_ =	shalt  }
0x62: {  	_ =	shalt  }
0x63: {  	_ =	shalt  }
0x64: {  	_ =	shalt  }
0x65: {  	_ =	shalt  }
0x66: {  	_ =	shalt  }
0x67: {  	_ =	shalt  }
0x68: {  	_ =	shalt  }
0x69: {  	_ =	shalt  }
0x6a: {  	_ =	shalt  }
0x6b: {  	_ =	shalt  }
0x6c: {  	_ =	shalt  }
0x6d: {  	_ =	shalt  }
0x6e: {  	_ =	shalt  }
0x6f: {  	_ =	shalt  }
0x70: {  	_ =	shalt  }
0x71: {  	_ =	shalt  }
0x72: {  	_ =	shalt  }
0x73: {  	_ =	shalt  }
0x74: {  	_ =	shalt  }
0x75: {  	_ =	shalt  }
0x76: {  	_ =	shalt  }
0x77: {  	_ =	shalt  }
0x78: {  	_ =	shalt  }
0x79: {  	_ =	shalt  }
0x7a: {  	_ =	shalt  }
0x7b: {  	_ =	shalt  }
0x7c: {  	_ =	shalt  }
0x7d: {  	_ =	shalt  }
0x7e: {  	_ =	shalt  }
0x7f: {  	_ =	shalt  }
0x80: {  	_ =	shalt  }
0x81: {  	_ =	shalt  }
0x82: {  	_ =	shalt  }
0x83: {  	_ =	shalt  }
0x84: {  	_ =	shalt  }
0x85: {  	_ =	shalt  }
0x86: {  	_ =	shalt  }
0x87: {  	_ =	shalt  }
.Lfunc_end0:
.L_simem_size_0:
called_computation.1_lowered:
.L_overlay_start_0:
0x88: {  	s2 =	sld [smem:$0x3FD9]  }
0x89: {  	s3 =	sld [smem:$0x3FFE];
	_ =	sdelay $0x1  }
0x8a: {  	s1 =	srdreg.scid  }
0x8b: {  	s0 =	sand.u32 $0x1, s1  }
0x8c: {  	s16 =	sshll.u32 s0, $0xA;
	s2 =	sadd.s32 s3, s2  }
0x8d: {  	s2 =	sadd.s32 s2, s16  }
0x8e: {  	[smem:$0x3FBE] =	sst s2  }
0x8f: {  	_ = 	snop  }
0x90: {  	(tm) =	ssettm $0x1  }
0x91: {  	s17 =	sld [smem:$0x3FFB];
	_ =	sdelay $0x3  }
0x92: {  	_ =	strace s17  }
0x93: {  	s2 =	sld [smem:$0x3FFC];
	_ =	sdelay $0x3  }
0x94: {  	_ =	strace s2  }
0x95: {  	s2 =	sld [smem:$0x3FFD];
	_ =	sdelay $0x3  }
0x96: {  	_ =	strace s2  }
0x97: {  	_ =	strace $0x8FFFFFFF  }
0x98: {  	s18 =	sld [smem:$0x3FDB];
	_ =	sdelay $0x1  }
0x99: {  	s19 =	simm.s32 $_scs_section_size  }
0x9a: {  	s4 =	simm.s32 $_size__tile_overlayer_lowered;
	s5 =	simm.s32 $_tile_overlayer_lowered  }
0x9b: {  	s22 =	simm.s32 $0x1BFF;
	s21 =	sshll.u32 s5, $0x1;
	s2 =	sadd.s32 s19, s18  }
0x9c: {  	s6 =	simm.s32 $0x0;
	s20 =	sshll.u32 s4, $0x1;
	s4 =	sadd.s32 s21, s2  }
0x9d: {  	[timem:s6], [sflag:s22] =	dma.local [hbm:s4], s20  }
0x9e: {  	_ =	swait.ge [sflag:s22], s20  }
0x9f: {  	s3 =	ssub.s32 $0x0, s20;
	[sflag:s22] =	ssyncset.done $0x0  }
0xa0: {  	[sflag:s22] =	ssyncadd.s32 s3;
	_ =	sdelay $0x1  }
0xa1: {  	s23 =	simm.s32 $0x1B8B  }
0xa2: {  	_ =	swait.ge [sflag:s23], $0x1  }
0xa3: {  	[sflag:s23] =	ssyncset.done $0x0  }
0xa4: {  	s25 =	simm.s32 $0x1B8E;
	s24 =	sld [smem:$0x3FFE];
	[sflag:s23] =	ssyncadd.s32 $0xFFFFFFFF  }
0xa5: {  	s26 =	simm.s32 $execute0_lowered;
	[smem:$0x3FD2] =	sst s25  }
0xa6: {  	s4 =	sshll.u32 s26, $0x1;
	_ =	strace $0x80000049;
	[dreg:$0x1] =	wrdreg $0xFFFFFFFF  }
0xa7: {  	s28 =	simm.s32 $_size_execute0_lowered;
	s2 =	sadd.s32 s2, s4;
	[dreg:$0x0] =	wrdreg $0x0  }
0xa8: {  	s4 =	sshll.u32 s28, $0x1;
	[dreg:$0x2] =	wrdreg s2  }
0xa9: {  	[dreg:$0x3] =	wrdreg s4  }
0xaa: {  	[dreg:$0x4] =	wrdreg $0xC0  }
0xab: {  	_ =	task [dreg:s6], $0x5FFFF  }
0xac: {  	[dreg:$0x1] =	wrdreg $0xFFFFFFFF  }
0xad: {  	[dreg:$0x0] =	wrdreg $0x60  }
0xae: {  	[dreg:$0x2] =	wrdreg s24  }
0xaf: {  	[dreg:$0x3] =	wrdreg $0x14D000  }
0xb0: {  	[dreg:$0x4] =	wrdreg $0x9  }
0xb1: {  	_ =	task.clear_ibuf [dreg:s6], $0x5FFFF;
	_ =	strace $0x90000049  }
0xb2: {  	s29 =	simm.s32 $0x9;
	_ =	strace $0x8000004B  }
0xb3: {  	_ =	swait.ge [sflag:s29], $0x1  }
0xb4: {  	[sflag:s29] =	ssyncadd.s32 $0xFFFFFFFF  }
0xb5: {  	_ =	strace $0x9000004B  }
0xb6: {  	_ =	sfence  }
0xb7: {  	s30 =	sld [smem:$0x0];
	_ =	sdelay $0x2  }
0xb8: {  	s31 =	sshll.u32 s1, $0xD;
	s1 =	sshrl.u32 s1, $0x2  }
0xb9: {  	s3 =	sand.u32 $0x4000, s31;
	s1 =	sadd.s32 s1, s30  }
0xba: {  	s0 =	sor.u32 s3, s0;
	s1 =	sshll.u32 s1, $0x11  }
0xbb: {  	s0 =	sor.u32 s1, s0  }
0xbc: {  	s0 =	sadd.s32 $0x8F2B, s0  }
0xbd: {  	[sflag:s0] =	ssyncadd.remote.s32 $0x1  }
0xbe: {  	_ =	sfence.sel $0xFFFF  }
0xbf: {  	[dreg:$0x0] =	wrdreg $0xFFFFFFFF;
	(pc) =	sbr.abs _section_cstart, $3  }
0xc0: {  	[dreg:$0x1] =	wrdreg $0xFFFFFFFF  }
0xc1: {  	_ =	task.clear_ibuf [dreg:s6], $0x2FFFF;
	_ =	strace $0x9FFFFFFF  }
0xc2: {  	(tm) =	ssettm $0x7FFFFFFF  }
0xc3: {  	_ =	shalt  }
tec
execute0_lowered:
.L_overlay_start_1:
0x0: {  	(tag) =	ssettag $0x1  }
0x1: {  	s6 =	rddreg [dreg:$0x0]  }
0x2: {  	s1 =	rddreg [dreg:$0x1]  }
0x3: {  	s0 =	rddreg [dreg:$0x2]  }
0x4: {  	s2 =	simm.s32 $0x0;
	s3 =	srdreg.scid;
	s16 =	simm.s32 $0x80  }
0x5: {  	s17 =	simm.s32 $0x4F00;
	s18 =	simm.s32 $0x6F00;
	s19 =	simm.s32 $0x100  }
0x6: {  	s20 =	simm.s32 $0x8F00;
	s21 =	simm.s32 $0x3;
	s22 =	simm.s32 $0x4D00  }
0x7: {  	s23 =	simm.s32 $0x4D80;
	s26 =	simm.s32 $0x0;
	[smem:$0x7FF] =	sst s2  }
0x8: {  	s4 =	sadd.s32 $0x15E00, s6;
	s5 =	sand.u32 $0x1, s3;
	s3 =	stileid.u32  }
0x9: {  	s9 =	sadd.s32 $0x2400, s6;
	s14 =	sadd.s32 $0xC040, s6;
	_ =	strace $0x8000004A  }
0xa: {  	s7 =	smul.u32 $0x13C00, s5;
	s8 =	sshll.u32 s5, $0x4;
	s5 =	ssub.s32 $0x2, s5  }
0xb: {  	s13 =	smul.u32 $0x9E00, s3;
	s31 =	sshll.u32 s3, $0x4;
	s12 =	sor.u32 s3, s8  }
0xc: {  	s30 =	sshrl.u32 s5, $0x1;
	s15 =	sor.u32 $0x9C00, s31;
	s10 =	sadd.s32 s7, s6  }
0xd: {  	s8 =	smul.u32 $0x4E0, s12;
	s11 =	ssub.s32 s5, s30;
	s7 =	sadd.s32 s13, s1  }
0xe: {  	s25 =	sshrl.u32 s13, $0x3;
	p0 =	sgt.u32 s12, $0x3;
	s12 =	simm.s32 $0xAF00  }
0xf: {  	s13 =	simm.s32 $0x4;
	s24 =	sadd.s32 $0x29E00, s10;
	s10 =	smax.u32 s11, $0x1  }
0x10: {  	s11 =	simm.s32 $0x2780;
	s5 =	sadd.s32 s9, s8;
	s6 =	sadd.s32 s8, s14  }
0x11: {  	s8 =	sadd.s32 s9, s15;
	s9 =	sadd.s32 s15, s14;
	s14 =	simm.s32 $0x1  }
0x12: {  	v0 =	vimm.f32 $0.0e+00;
	s15 =	simm.s32 $0x2;
	s24 =	sadd.s32 s25, s24;
	s25 =	simm.s32 $0x4E00  }
.LBB2_1:
0x13: {  	[tilespmem:s2], [sflag:$0x1] =	stream.linear.gather [hbm4b:s5+s2], $0x2700, $0x38;
	[tilespmem:$0x1EB00] =	vst v63  }
0x14: {  	s29 =	simm.s32 $0x100;
	s28 =	simm.s32 $0x0  }
0x15: {  	[tilespmem:s11], [sflag:$0x2] =	stream.linear.gather [hbm4b:s6+s2], $0x2700, $0x38;
	[tilespmem:$0x1EB00] =	vst v63  }
.LBB2_2:
0x16: {  	p1 =	sne.s32 s29, $0x27700;
	[tilespmem:s28+$0xAF30] =	vst v0;
	s30 =	smov.u32 s29;
	s29 =	sadd.s32 $0x100, s29  }
.Ltmp0:
0x17: {  	[tilespmem:s28+$0xAF20] =	vst v0;
	(pc) =	sbr.rel @p1 .LBB2_2-.Ltmp0, $3  }
0x18: {  	[tilespmem:s28+$0xAF00] =	vst v0  }
0x19: {  	[tilespmem:s28+$0xAF10] =	vst v0;
	_ =	sdelay $0x1  }
0x1a: {  	s28 =	sshra.s32 s30, $0x2  }
0x1b: {  	[tilespmem:s28+$0xAF30] =	vst v0  }
0x1c: {  	[tilespmem:s28+$0xAF20] =	vst v0  }
0x1d: {  	[tilespmem:s28+$0xAF00] =	vst v0  }
0x1e: {  	[tilespmem:s28+$0xAF10] =	vst v0  }
0x1f: {  	[spmem:s7] =	stream.linear.scatter [tilespmem:s12], [sflag:$0x4], $0x9E00, $0x38;
	[tilespmem:$0x1EB00] =	vst v63  }
0x20: {  	_ =	swait.ge [sflag:s13], $0x9E00  }
0x21: {  	[sflag:s13] =	ssyncset.done $0x0  }
0x22: {  	[sflag:s13] =	ssyncadd.s32 $0xFFFF6200  }
0x23: {  	_ =	swait.ge [sflag:s14], $0x2700  }
0x24: {  	[sflag:s14] =	ssyncset.done $0x0  }
0x25: {  	[sflag:s14] =	ssyncadd.s32 $0xFFFFD900  }
0x26: {  	_ =	swait.ge [sflag:s15], $0x2700  }
0x27: {  	[sflag:s15] =	ssyncset.done $0x0  }
0x28: {  	s28 =	simm.s32 @!p0 $0x0;
	s29 =	simm.s32 @!p0 $0x2700;
	[sflag:s15] =	ssyncadd.s32 $0xFFFFD900  }
0x29: {  	[tilespmem:s29], [sflag:$0x4] =	stream.linear.gather @!p0 [hbm4b:s8+s28], $0x80, $0x38;
	[tilespmem:$0x1EB00] =	vst v63  }
0x2a: {  	s29 =	simm.s32 @!p0 $0x4  }
0x2b: {  	_ =	swait.ge @!p0 [sflag:s29], $0x80  }
0x2c: {  	[sflag:s29] =	ssyncset.done @!p0 $0x0  }
0x2d: {  	s30 =	simm.s32 @!p0 $0x4E80;
	[sflag:s29] =	ssyncadd.s32 @!p0 $0xFFFFFF80  }
0x2e: {  	[tilespmem:s30], [sflag:$0x4] =	stream.linear.gather @!p0 [hbm4b:s9+s28], $0x80, $0x38;
	[tilespmem:$0x1EB00] =	vst v63  }
0x2f: {  	_ =	swait.ge @!p0 [sflag:s29], $0x80  }
0x30: {  	[sflag:s29] =	ssyncset.done @!p0 $0x0  }
0x31: {  	[sflag:s29] =	ssyncadd.s32 @!p0 $0xFFFFFF80  }
0x32: {  	s28 =	simm.s32 $0x0;
	[bflag:$0x0] =	sbarrier.arrive $0xFFFF  }
0x33: {  	[tilespmem:s17], [sflag:$0x1] =	stream.indirect.gather [hbm4b:s4+s16], $0x40, s28, s16, $0xb8;
	[tilespmem:$0x1EB00] =	vst v63  }
0x34: {  	_ = 	snop  }
0x35: {  	[tilespmem:s18], [sflag:$0x2] =	stream.indirect.gather [hbm4b:s4+s16], $0x40, s16, s16, $0xb8;
	[tilespmem:$0x1EB00] =	vst v63  }
0x36: {  	_ = 	snop  }
0x37: {  	[tilespmem:s20], [sflag:$0x3] =	stream.indirect.gather [hbm4b:s4+s16], $0x40, s19, s16, $0xb8;
	[tilespmem:$0x1EB00] =	vst v63  }
0x38: {  	_ =	swait.ge [sflag:s14], $0x2000  }
0x39: {  	[sflag:s14] =	ssyncset.done $0x0  }
0x3a: {  	s28 =	simm.s32 $0x2780;
	[sflag:s14] =	ssyncadd.s32 $0xFFFFE000  }
0x3b: {  	[spmem:s1] =	stream.indirect.scatter.add.f32 [tilespmem:s17], [sflag:$0x4], $0x40, s28, s16, $0xb8;
	[tilespmem:$0x1EB00] =	vst v63  }
0x3c: {  	_ =	swait.ge [sflag:s13], $0x2000  }
0x3d: {  	[sflag:s13] =	ssyncset.done $0x0  }
0x3e: {  	s28 =	simm.s32 $0x180;
	[sflag:s13] =	ssyncadd.s32 $0xFFFFE000  }
0x3f: {  	[tilespmem:s17], [sflag:$0x1] =	stream.indirect.gather [hbm4b:s4+s16], $0x40, s28, s16, $0xb8;
	[tilespmem:$0x1EB00] =	vst v63  }
0x40: {  	_ =	swait.ge [sflag:s15], $0x2000  }
0x41: {  	[sflag:s15] =	ssyncset.done $0x0  }
0x42: {  	s28 =	simm.s32 $0x2800;
	[sflag:s15] =	ssyncadd.s32 $0xFFFFE000  }
0x43: {  	[spmem:s1] =	stream.indirect.scatter.add.f32 [tilespmem:s18], [sflag:$0x4], $0x40, s28, s16, $0xb8;
	[tilespmem:$0x1EB00] =	vst v63  }
0x44: {  	_ =	swait.ge [sflag:s13], $0x2000  }
0x45: {  	[sflag:s13] =	ssyncset.done $0x0  }
0x46: {  	s28 =	simm.s32 $0x200;
	[sflag:s13] =	ssyncadd.s32 $0xFFFFE000  }
0x47: {  	[tilespmem:s18], [sflag:$0x2] =	stream.indirect.gather [hbm4b:s4+s16], $0x40, s28, s16, $0xb8;
	[tilespmem:$0x1EB00] =	vst v63  }
0x48: {  	_ =	swait.ge [sflag:s21], $0x2000  }
0x49: {  	[sflag:s21] =	ssyncset.done $0x0  }
0x4a: {  	s28 =	simm.s32 $0x2880;
	[sflag:s21] =	ssyncadd.s32 $0xFFFFE000  }
0x4b: {  	[spmem:s1] =	stream.indirect.scatter.add.f32 [tilespmem:s20], [sflag:$0x4], $0x40, s28, s16, $0xb8;
	[tilespmem:$0x1EB00] =	vst v63  }
0x4c: {  	_ =	swait.ge [sflag:s13], $0x2000  }
0x4d: {  	[sflag:s13] =	ssyncset.done $0x0  }
0x4e: {  	s29 =	simm.s32 $0x280;
	s28 =	simm.s32 $0x600;
	[sflag:s13] =	ssyncadd.s32 $0xFFFFE000  }
.LBB2_4:
0x4f: {  	[tilespmem:s20], [sflag:$0x3] =	stream.indirect.gather [hbm4b:s4+s16], $0x40, s29, s16, $0xb8;
	[tilespmem:$0x1EB00] =	vst v63  }
0x50: {  	s29 =	smov.u32 s28  }
0x51: {  	p1 =	sne.s32 s28, $0x9000;
	s28 =	sadd.s32 $0x600, s28;
	_ =	swait.ge [sflag:s14], $0x2000  }
0x52: {  	s29 =	sshra.s32 s29, $0x2;
	[sflag:s14] =	ssyncset.done $0x0  }
0x53: {  	s30 =	sadd.s32 $0x2780, s29;
	[sflag:s14] =	ssyncadd.s32 $0xFFFFE000  }
0x54: {  	[spmem:s1] =	stream.indirect.scatter.add.f32 [tilespmem:s17], [sflag:$0x4], $0x40, s30, s16, $0xb8;
	[tilespmem:$0x1EB00] =	vst v63  }
0x55: {  	_ =	swait.ge [sflag:s13], $0x2000  }
0x56: {  	[sflag:s13] =	ssyncset.done $0x0  }
0x57: {  	s30 =	sadd.s32 $0x180, s29;
	[sflag:s13] =	ssyncadd.s32 $0xFFFFE000  }
0x58: {  	[tilespmem:s17], [sflag:$0x1] =	stream.indirect.gather [hbm4b:s4+s16], $0x40, s30, s16, $0xb8;
	[tilespmem:$0x1EB00] =	vst v63  }
0x59: {  	_ =	swait.ge [sflag:s15], $0x2000  }
0x5a: {  	[sflag:s15] =	ssyncset.done $0x0  }
0x5b: {  	s30 =	sadd.s32 $0x2800, s29;
	[sflag:s15] =	ssyncadd.s32 $0xFFFFE000  }
0x5c: {  	[spmem:s1] =	stream.indirect.scatter.add.f32 [tilespmem:s18], [sflag:$0x4], $0x40, s30, s16, $0xb8;
	[tilespmem:$0x1EB00] =	vst v63  }
0x5d: {  	_ =	swait.ge [sflag:s13], $0x2000  }
0x5e: {  	[sflag:s13] =	ssyncset.done $0x0  }
0x5f: {  	s30 =	sadd.s32 $0x200, s29;
	[sflag:s13] =	ssyncadd.s32 $0xFFFFE000  }
0x60: {  	[tilespmem:s18], [sflag:$0x2] =	stream.indirect.gather [hbm4b:s4+s16], $0x40, s30, s16, $0xb8;
	[tilespmem:$0x1EB00] =	vst v63  }
0x61: {  	_ =	swait.ge [sflag:s21], $0x2000  }
0x62: {  	[sflag:s21] =	ssyncset.done $0x0  }
.Ltmp1:
0x63: {  	s30 =	sadd.s32 $0x2880, s29;
	[sflag:s21] =	ssyncadd.s32 $0xFFFFE000;
	(pc) =	sbr.rel @p1 .LBB2_4-.Ltmp1, $4  }
0x64: {  	[spmem:s1] =	stream.indirect.scatter.add.f32 [tilespmem:s20], [sflag:$0x4], $0x40, s30, s16, $0xb8;
	[tilespmem:$0x1EB00] =	vst v63  }
0x65: {  	_ =	swait.ge [sflag:s13], $0x2000  }
0x66: {  	[sflag:s13] =	ssyncset.done $0x0  }
0x67: {  	s29 =	sadd.s32 $0x280, s29;
	[sflag:s13] =	ssyncadd.s32 $0xFFFFE000  }
0x68: {  	[tilespmem:s20], [sflag:$0x3] =	stream.indirect.gather [hbm4b:s4+s16], $0x40, s29, s16, $0xb8;
	[tilespmem:$0x1EB00] =	vst v63  }
0x69: {  	_ =	swait.ge [sflag:s14], $0x2000  }
0x6a: {  	[sflag:s14] =	ssyncset.done $0x0  }
0x6b: {  	[sflag:s14] =	ssyncadd.s32 $0xFFFFE000  }
0x6c: {  	[spmem:s1] =	stream.indirect.scatter.add.f32 [tilespmem:s17], [sflag:$0x4], $0x40, s22, s16, $0xb8;
	[tilespmem:$0x1EB00] =	vst v63  }
0x6d: {  	_ =	swait.ge [sflag:s13], $0x2000  }
0x6e: {  	[sflag:s13] =	ssyncset.done $0x0  }
0x6f: {  	[sflag:s13] =	ssyncadd.s32 $0xFFFFE000  }
0x70: {  	_ =	swait.ge [sflag:s15], $0x2000  }
0x71: {  	[sflag:s15] =	ssyncset.done $0x0  }
0x72: {  	[sflag:s15] =	ssyncadd.s32 $0xFFFFE000  }
0x73: {  	[spmem:s1] =	stream.indirect.scatter.add.f32 [tilespmem:s18], [sflag:$0x4], $0x40, s23, s16, $0xb8;
	[tilespmem:$0x1EB00] =	vst v63  }
0x74: {  	_ =	swait.ge [sflag:s13], $0x2000  }
0x75: {  	[sflag:s13] =	ssyncset.done $0x0  }
0x76: {  	[sflag:s13] =	ssyncadd.s32 $0xFFFFE000  }
0x77: {  	_ =	swait.ge [sflag:s21], $0x2000  }
0x78: {  	[sflag:s21] =	ssyncset.done $0x0  }
0x79: {  	[sflag:s21] =	ssyncadd.s32 $0xFFFFE000  }
0x7a: {  	[spmem:s1] =	stream.indirect.scatter.add.f32 [tilespmem:s20], [sflag:$0x4], $0x40, s25, s16, $0xb8;
	[tilespmem:$0x1EB00] =	vst v63  }
0x7b: {  	_ =	swait.ge [sflag:s13], $0x2000  }
0x7c: {  	s28 =	simm.s32 @!p0 $0x80;
	[sflag:s13] =	ssyncset.done $0x0  }
0x7d: {  	s29 =	simm.s32 @!p0 $0x2700;
	s30 =	simm.s32 @!p0 $0x4F00;
	[sflag:s13] =	ssyncadd.s32 $0xFFFFE000  }
0x7e: {  	[tilespmem:s30], [sflag:$0x1] =	stream.indirect.gather @!p0 [hbm4b:s4+s28], $0x40, s29, s28, $0xb8;
	[tilespmem:$0x1EB00] =	vst v63  }
0x7f: {  	s29 =	simm.s32 @!p0 $0x1  }
0x80: {  	_ =	swait.ge @!p0 [sflag:s29], $0x2000  }
0x81: {  	[sflag:s29] =	ssyncset.done @!p0 $0x0  }
0x82: {  	[sflag:s29] =	ssyncadd.s32 @!p0 $0xFFFFE000;
	s29 =	simm.s32 @!p0 $0x4E80  }
0x83: {  	[spmem:s1] =	stream.indirect.scatter.add.f32 @!p0 [tilespmem:s30], [sflag:$0x4], $0x40, s29, s28, $0xb8;
	[tilespmem:$0x1EB00] =	vst v63  }
0x84: {  	s28 =	simm.s32 @!p0 $0x4  }
0x85: {  	_ =	swait.ge @!p0 [sflag:s28], $0x2000  }
0x86: {  	[sflag:s28] =	ssyncset.done @!p0 $0x0  }
0x87: {  	[sflag:s28] =	ssyncadd.s32 @!p0 $0xFFFFE000  }
0x88: {  	[bflag:$0x0] =	sbarrier.arrive $0xFFFF  }
0x89: {  	[tilespmem:s12], [sflag:$0x4] =	stream.linear.gather [spmem:s7], $0x9E00, $0x38;
	[tilespmem:$0x1EB00] =	vst v63  }
0x8a: {  	s26 =	sadd.s32 $0x1, s26;
	_ =	swait.ge [sflag:s13], $0x9E00  }
0x8b: {  	p1 =	sne.s32 s26, s10;
	[sflag:s13] =	ssyncset.done $0x0  }
.Ltmp2:
0x8c: {  	[sflag:s13] =	ssyncadd.s32 $0xFFFF6200;
	(pc) =	sbr.rel @p1 .LBB2_1-.Ltmp2, $4  }
0x8d: {  	[hbm4b:s24+s2] =	stream.linear.scatter [tilespmem:s12], [sflag:$0x4], $0x9E00, $0x38;
	[tilespmem:$0x1EB00] =	vst v63  }
0x8e: {  	_ =	swait.ge [sflag:s13], $0x9E00  }
0x8f: {  	[sflag:s13] =	ssyncset.done $0x0  }
0x90: {  	[sflag:s13] =	ssyncadd.s32 $0xFFFF6200  }
0x91: {  	_ =	sfence.sel $0x180000  }
0x92: {  	[bflag:$0x0] =	sbarrier.arrive $0xFFFF  }
0x93: {  	p0 =	sne.s32 s3, $0x0;
	_ =	strace $0x9000004A  }
0x94: {  	s0 =	sadd.s32 @!p0 $0x100000, s0;
	[bflag:$0x2] =	sbarrier.arrive $0xFFFF  }
0x95: {  	[sflag:s0] =	ssyncadd.tile.s32 @!p0 $0x1;
	_ =	shalt  }
.Lfunc_end2:
_tile_overlayer_lowered:
.L_overlay_start_2:
0x96: {  	(tag) =	ssettag $0x2  }
0x97: {  	s0 =	rddreg [dreg:$0x0];
	s2 =	stileid.u32  }
0x98: {  	s1 =	rddreg [dreg:$0x1];
	p0 =	sne.s32 s2, $0x0  }
0x99: {  	s3 =	rddreg [dreg:$0x2];
	[bflag:$0x3] =	sbarrier.arrive $0xFFFF;
	s2 =	simm.s32 @!p0 $0x1C04  }
0x9a: {  	[timem:s3], [sflag:s2] =	dma.local @!p0 [hbm:s0], s1  }
0x9b: {  	s0 =	simm.s32 @!p0 $0x4  }
0x9c: {  	_ =	swait.ge @!p0 [sflag:s0], s1  }
0x9d: {  	s1 =	ssub.s32 @!p0 $0x0, s1;
	[sflag:s0] =	ssyncset.done @!p0 $0x0  }
0x9e: {  	[sflag:s0] =	ssyncadd.s32 @!p0 s1  }
0x9f: {  	[bflag:$0x3] =	sbarrier.arrive $0xFFFF  }
0xa0: {  	_ =	shalt  }

// kernel: kernel.14.cloned.1.call-start
scs
__scs_entry_jumppad:
0x0: {  	(pc) =	sbr.rel $0x88, $3  }
0x1: {  	(tag) =	ssettag $0x0;
	lr =	simm.s32 $0x1  }
0x2: {  	[smem:$0x3F97] =	sst lr;
	_ =	strace $0xD0000000  }
0x3: {  	_ = 	snop  }
0x4: {  	_ = 	snop  }
0x5: {  	_ = 	snop  }
0x6: {  	_ = 	snop  }
0x7: {  	_ = 	snop  }
__scs_overlays_trampoline_lowered:
0x8: {  	[smem:$0x3FA6] =	sst s0  }
0x9: {  	[smem:$0x3FA7] =	sst s1  }
0xa: {  	[smem:$0x3FA8] =	sst s2  }
0xb: {  	[smem:$0x3FA9] =	sst s3  }
0xc: {  	[smem:$0x3FAA] =	sst s4  }
0xd: {  	[smem:$0x3FAB] =	sst s5  }
0xe: {  	[smem:$0x3FAC] =	sst s6  }
0xf: {  	[smem:$0x3FAD] =	sst s7  }
0x10: {  	[smem:$0x3FAE] =	sst s8  }
0x11: {  	[smem:$0x3FAF] =	sst s9;
	s0 =	simm.s32 @!p0 $0x0  }
0x12: {  	s1 =	sld [smem:$0x3F95];
	s0 =	simm.s32 @p0 $0x1  }
0x13: {  	[smem:$0x3FB0] =	sst s0;
	s0 =	simm.s32 @!p1 $0x0  }
0x14: {  	s2 =	sld [smem:$0x3F94];
	s0 =	simm.s32 @p1 $0x1  }
0x15: {  	[smem:$0x3FB1] =	sst s0;
	s0 =	simm.s32 @!p2 $0x0  }
0x16: {  	s3 =	sld [smem:$0x3FDB];
	s0 =	simm.s32 @p2 $0x1  }
0x17: {  	s4 =	simm.s32 $0x1BF5;
	[smem:$0x3FB3] =	sst s0  }
0x18: {  	s0 =	sld [smem:$0x3F96];
	_ =	swait.ge [sflag:s4], $0x0  }
0x19: {  	s7 =	sld [smem:$0x3F97]  }
0x1a: {  	s8 =	sadd.s32 $0xFFFFE003, lr  }
0x1b: {  	s9 =	sadd.s32 $0xFFFFFEF7, lr;
	s5 =	simm.s32 $0xFFFFFFFF;
	p2 =	slt.u32 s8, $0xFFFFF086  }
0x1c: {  	p1 =	slt.u32 s9, $0xF7A;
	s5 =	simm.s32 @!p2 $0x0  }
0x1d: {  	s5 =	simm.s32 @p1 $0x1;
	p0 =	seq.s32 s7, s2  }
0x1e: {  	s7 =	smul.u32 @!p0 $0xF7A, s2;
	p2 =	seq.s32 @!p0 s5, $0x0  }
0x1f: {  	s9 =	smul.u32 $0xF7A, s1;
	s8 =	simm.s32 @!p0 $0x1BF5;
	p2 =	por !p2, p0  }
0x20: {  	[sflag:s8] =	ssyncset.s32 @!p0 $0xFFFFF086;
	s6 =	sadd.s32 @!p0 s3, s7;
	s7 =	simm.s32 @!p0 $0x108  }
0x21: {  	s3 =	sadd.s32 s3, s9;
	s6 =	sadd.s32 @!p0 $0x88, s6;
	s7 =	simm.s32 @p2 $0x1082  }
0x22: {  	[simem:s7], [sflag:s8] =	dma.local @!p0 [hbm:s6], $0xF7A  }
0x23: {  	s9 =	sor.u32 $0xD0000000, s2;
	s6 =	simm.s32 $0x108;
	_ =	swait.ge @!p0 [sflag:s8], $0x0  }
0x24: {  	s3 =	sadd.s32 $0x88, s3;
	s6 =	simm.s32 @!p1 $0x1082;
	[sflag:s4] =	ssyncset.s32 $0xFFFFF086  }
0x25: {  	[simem:s6], [sflag:s4] =	dma.local [hbm:s3], $0xF7A  }
0x26: {  	[smem:$0x3F97] =	sst s1;
	(tag) =	ssettag s2;
	_ =	strace s9  }
0x27: {  	s1 =	sld [smem:$0x3FA7]  }
0x28: {  	s2 =	sld [smem:$0x3FA8]  }
0x29: {  	s4 =	sld [smem:$0x3FAA]  }
0x2a: {  	p0 =	seq.s32 s5, $0x0;
	s5 =	sld [smem:$0x3FAB]  }
0x2b: {  	s6 =	sld [smem:$0x3FAC]  }
0x2c: {  	s7 =	sld [smem:$0x3FAD]  }
0x2d: {  	s3 =	simm.s32 $0x108;
	s8 =	sld [smem:$0x3FAE]  }
0x2e: {  	s3 =	simm.s32 @!p0 $0x1082;
	s9 =	sld [smem:$0x3FAF]  }
0x2f: {  	lr =	sadd.s32 s0, s3;
	s0 =	sld [smem:$0x3FA6]  }
0x30: {  	s3 =	sld [smem:$0x3FA9]  }
0x31: {  	[smem:$0x3FB2] =	sst s10  }
0x32: {  	s10 =	sld [smem:$0x3FB0];
	_ =	sdelay $0x3  }
0x33: {  	p0 =	seq.s32 s10, $0x1;
	s10 =	sld [smem:$0x3FB2];
	_ =	sdelay $0x3  }
0x34: {  	[smem:$0x3FB2] =	sst s10  }
0x35: {  	s10 =	sld [smem:$0x3FB1];
	_ =	sdelay $0x3  }
0x36: {  	p1 =	seq.s32 s10, $0x1;
	s10 =	sld [smem:$0x3FB2];
	_ =	sdelay $0x3  }
0x37: {  	[smem:$0x3FB2] =	sst s10  }
0x38: {  	s10 =	sld [smem:$0x3FB3]  }
0x39: {  	_ = 	snop;
	(pc) =	sbr.ind lr, $3  }
0x3a: {  	_ = 	snop  }
0x3b: {  	_ = 	snop  }
0x3c: {  	p2 =	seq.s32 s10, $0x1;
	s10 =	sld [smem:$0x3FB2]  }
0x3d: {  	_ =	shalt  }
0x3e: {  	_ =	shalt  }
0x3f: {  	_ =	shalt  }
0x40: {  	_ =	shalt  }
0x41: {  	_ =	shalt  }
0x42: {  	_ =	shalt  }
0x43: {  	_ =	shalt  }
0x44: {  	_ =	shalt  }
0x45: {  	_ =	shalt  }
0x46: {  	_ =	shalt  }
0x47: {  	_ =	shalt  }
0x48: {  	_ =	shalt  }
0x49: {  	_ =	shalt  }
0x4a: {  	_ =	shalt  }
0x4b: {  	_ =	shalt  }
0x4c: {  	_ =	shalt  }
0x4d: {  	_ =	shalt  }
0x4e: {  	_ =	shalt  }
0x4f: {  	_ =	shalt  }
0x50: {  	_ =	shalt  }
0x51: {  	_ =	shalt  }
0x52: {  	_ =	shalt  }
0x53: {  	_ =	shalt  }
0x54: {  	_ =	shalt  }
0x55: {  	_ =	shalt  }
0x56: {  	_ =	shalt  }
0x57: {  	_ =	shalt  }
0x58: {  	_ =	shalt  }
0x59: {  	_ =	shalt  }
0x5a: {  	_ =	shalt  }
0x5b: {  	_ =	shalt  }
0x5c: {  	_ =	shalt  }
0x5d: {  	_ =	shalt  }
0x5e: {  	_ =	shalt  }
0x5f: {  	_ =	shalt  }
0x60: {  	_ =	shalt  }
0x61: {  	_ =	shalt  }
0x62: {  	_ =	shalt  }
0x63: {  	_ =	shalt  }
0x64: {  	_ =	shalt  }
0x65: {  	_ =	shalt  }
0x66: {  	_ =	shalt  }
0x67: {  	_ =	shalt  }
0x68: {  	_ =	shalt  }
0x69: {  	_ =	shalt  }
0x6a: {  	_ =	shalt  }
0x6b: {  	_ =	shalt  }
0x6c: {  	_ =	shalt  }
0x6d: {  	_ =	shalt  }
0x6e: {  	_ =	shalt  }
0x6f: {  	_ =	shalt  }
0x70: {  	_ =	shalt  }
0x71: {  	_ =	shalt  }
0x72: {  	_ =	shalt  }
0x73: {  	_ =	shalt  }
0x74: {  	_ =	shalt  }
0x75: {  	_ =	shalt  }
0x76: {  	_ =	shalt  }
0x77: {  	_ =	shalt  }
0x78: {  	_ =	shalt  }
0x79: {  	_ =	shalt  }
0x7a: {  	_ =	shalt  }
0x7b: {  	_ =	shalt  }
0x7c: {  	_ =	shalt  }
0x7d: {  	_ =	shalt  }
0x7e: {  	_ =	shalt  }
0x7f: {  	_ =	shalt  }
0x80: {  	_ =	shalt  }
0x81: {  	_ =	shalt  }
0x82: {  	_ =	shalt  }
0x83: {  	_ =	shalt  }
0x84: {  	_ =	shalt  }
0x85: {  	_ =	shalt  }
0x86: {  	_ =	shalt  }
0x87: {  	_ =	shalt  }
.Lfunc_end0:
.L_simem_size_0:
called_computation.2_lowered:
.L_overlay_start_0:
0x88: {  	s2 =	sld [smem:$0x3FD9]  }
0x89: {  	s3 =	sld [smem:$0x3FFE];
	_ =	sdelay $0x1  }
0x8a: {  	s1 =	srdreg.scid  }
0x8b: {  	s0 =	sand.u32 $0x1, s1  }
0x8c: {  	s16 =	sshll.u32 s0, $0xA;
	s2 =	sadd.s32 s3, s2  }
0x8d: {  	s2 =	sadd.s32 s2, s16  }
0x8e: {  	[smem:$0x3FBE] =	sst s2  }
0x8f: {  	_ = 	snop  }
0x90: {  	(tm) =	ssettm $0x1  }
0x91: {  	s17 =	sld [smem:$0x3FFB];
	_ =	sdelay $0x3  }
0x92: {  	_ =	strace s17  }
0x93: {  	s2 =	sld [smem:$0x3FFC];
	_ =	sdelay $0x3  }
0x94: {  	_ =	strace s2  }
0x95: {  	s2 =	sld [smem:$0x3FFD];
	_ =	sdelay $0x3  }
0x96: {  	_ =	strace s2  }
0x97: {  	_ =	strace $0x8FFFFFFF  }
0x98: {  	s18 =	sld [smem:$0x3FDB];
	_ =	sdelay $0x1  }
0x99: {  	s19 =	simm.s32 $_scs_section_size  }
0x9a: {  	s4 =	simm.s32 $_size__tile_overlayer_lowered;
	s5 =	simm.s32 $_tile_overlayer_lowered  }
0x9b: {  	s22 =	simm.s32 $0x1BFF;
	s21 =	sshll.u32 s5, $0x1;
	s2 =	sadd.s32 s19, s18  }
0x9c: {  	s6 =	simm.s32 $0x0;
	s20 =	sshll.u32 s4, $0x1;
	s4 =	sadd.s32 s21, s2  }
0x9d: {  	[timem:s6], [sflag:s22] =	dma.local [hbm:s4], s20  }
0x9e: {  	_ =	swait.ge [sflag:s22], s20  }
0x9f: {  	s3 =	ssub.s32 $0x0, s20;
	[sflag:s22] =	ssyncset.done $0x0  }
0xa0: {  	[sflag:s22] =	ssyncadd.s32 s3;
	_ =	sdelay $0x1  }
0xa1: {  	s23 =	simm.s32 $0x1B8B  }
0xa2: {  	_ =	swait.ge [sflag:s23], $0x1  }
0xa3: {  	[sflag:s23] =	ssyncset.done $0x0  }
0xa4: {  	s25 =	simm.s32 $0x1B8E;
	s24 =	sld [smem:$0x3FFE];
	[sflag:s23] =	ssyncadd.s32 $0xFFFFFFFF  }
0xa5: {  	s26 =	simm.s32 $execute0_lowered;
	[smem:$0x3FD2] =	sst s25  }
0xa6: {  	s4 =	sshll.u32 s26, $0x1;
	_ =	strace $0x8000004C;
	[dreg:$0x1] =	wrdreg $0xFFFFFFFF  }
0xa7: {  	s28 =	simm.s32 $_size_execute0_lowered;
	s2 =	sadd.s32 s2, s4;
	[dreg:$0x0] =	wrdreg $0x0  }
0xa8: {  	s4 =	sshll.u32 s28, $0x1;
	[dreg:$0x2] =	wrdreg s2  }
0xa9: {  	[dreg:$0x3] =	wrdreg s4  }
0xaa: {  	[dreg:$0x4] =	wrdreg $0xC0  }
0xab: {  	_ =	task [dreg:s6], $0x5FFFF  }
0xac: {  	[dreg:$0x1] =	wrdreg $0xFFFFFFFF  }
0xad: {  	[dreg:$0x0] =	wrdreg $0x60  }
0xae: {  	[dreg:$0x2] =	wrdreg s24  }
0xaf: {  	[dreg:$0x3] =	wrdreg $0x14D000  }
0xb0: {  	[dreg:$0x4] =	wrdreg $0x9  }
0xb1: {  	_ =	task.clear_ibuf [dreg:s6], $0x5FFFF;
	_ =	strace $0x9000004C  }
0xb2: {  	s29 =	simm.s32 $0x9;
	_ =	strace $0x8000004E  }
0xb3: {  	_ =	swait.ge [sflag:s29], $0x1  }
0xb4: {  	[sflag:s29] =	ssyncadd.s32 $0xFFFFFFFF  }
0xb5: {  	_ =	strace $0x9000004E  }
0xb6: {  	_ =	sfence  }
0xb7: {  	s30 =	sld [smem:$0x0];
	_ =	sdelay $0x2  }
0xb8: {  	s31 =	sshll.u32 s1, $0xD;
	s1 =	sshrl.u32 s1, $0x2  }
0xb9: {  	s3 =	sand.u32 $0x4000, s31;
	s1 =	sadd.s32 s1, s30  }
0xba: {  	s0 =	sor.u32 s3, s0;
	s1 =	sshll.u32 s1, $0x11  }
0xbb: {  	s0 =	sor.u32 s1, s0  }
0xbc: {  	s0 =	sadd.s32 $0x8F2B, s0  }
0xbd: {  	[sflag:s0] =	ssyncadd.remote.s32 $0x1  }
0xbe: {  	_ =	sfence.sel $0xFFFF  }
0xbf: {  	[dreg:$0x0] =	wrdreg $0xFFFFFFFF;
	(pc) =	sbr.abs _section_cstart, $3  }
0xc0: {  	[dreg:$0x1] =	wrdreg $0xFFFFFFFF  }
0xc1: {  	_ =	task.clear_ibuf [dreg:s6], $0x2FFFF;
	_ =	strace $0x9FFFFFFF  }
0xc2: {  	(tm) =	ssettm $0x7FFFFFFF  }
0xc3: {  	_ =	shalt  }
tec
execute0_lowered:
.L_overlay_start_1:
0x0: {  	(tag) =	ssettag $0x1  }
0x1: {  	s6 =	rddreg [dreg:$0x0]  }
0x2: {  	s1 =	rddreg [dreg:$0x1]  }
0x3: {  	s0 =	rddreg [dreg:$0x2]  }
0x4: {  	s2 =	simm.s32 $0x0;
	s3 =	srdreg.scid;
	s16 =	simm.s32 $0x80  }
0x5: {  	s17 =	simm.s32 $0x4F00;
	s18 =	simm.s32 $0x6F00;
	s19 =	simm.s32 $0x100  }
0x6: {  	s20 =	simm.s32 $0x8F00;
	s21 =	simm.s32 $0x3;
	s22 =	simm.s32 $0x4D00  }
0x7: {  	s23 =	simm.s32 $0x4D80;
	s26 =	simm.s32 $0x0;
	[smem:$0x7FF] =	sst s2  }
0x8: {  	s4 =	sadd.s32 $0x15E00, s6;
	s5 =	sand.u32 $0x1, s3;
	s3 =	stileid.u32  }
0x9: {  	s9 =	sadd.s32 $0x2400, s6;
	s14 =	sadd.s32 $0xC040, s6;
	_ =	strace $0x8000004D  }
0xa: {  	s7 =	smul.u32 $0x13C00, s5;
	s8 =	sshll.u32 s5, $0x4;
	s5 =	ssub.s32 $0x2, s5  }
0xb: {  	s13 =	smul.u32 $0x9E00, s3;
	s31 =	sshll.u32 s3, $0x4;
	s12 =	sor.u32 s3, s8  }
0xc: {  	s30 =	sshrl.u32 s5, $0x1;
	s15 =	sor.u32 $0x9C00, s31;
	s10 =	sadd.s32 s7, s6  }
0xd: {  	s8 =	smul.u32 $0x4E0, s12;
	s11 =	ssub.s32 s5, s30;
	s7 =	sadd.s32 s13, s1  }
0xe: {  	s25 =	sshrl.u32 s13, $0x3;
	p0 =	sgt.u32 s12, $0x3;
	s12 =	simm.s32 $0xAF00  }
0xf: {  	s13 =	simm.s32 $0x4;
	s24 =	sadd.s32 $0x29800, s10;
	s10 =	smax.u32 s11, $0x1  }
0x10: {  	s11 =	simm.s32 $0x2780;
	s5 =	sadd.s32 s9, s8;
	s6 =	sadd.s32 s8, s14  }
0x11: {  	s8 =	sadd.s32 s9, s15;
	s9 =	sadd.s32 s15, s14;
	s14 =	simm.s32 $0x1  }
0x12: {  	v0 =	vimm.f32 $0.0e+00;
	s15 =	simm.s32 $0x2;
	s24 =	sadd.s32 s25, s24;
	s25 =	simm.s32 $0x4E00  }
.LBB2_1:
0x13: {  	[tilespmem:s2], [sflag:$0x1] =	stream.linear.gather [hbm4b:s5+s2], $0x2700, $0x38;
	[tilespmem:$0x1EB00] =	vst v63  }
0x14: {  	s29 =	simm.s32 $0x100;
	s28 =	simm.s32 $0x0  }
0x15: {  	[tilespmem:s11], [sflag:$0x2] =	stream.linear.gather [hbm4b:s6+s2], $0x2700, $0x38;
	[tilespmem:$0x1EB00] =	vst v63  }
.LBB2_2:
0x16: {  	p1 =	sne.s32 s29, $0x27700;
	[tilespmem:s28+$0xAF30] =	vst v0;
	s30 =	smov.u32 s29;
	s29 =	sadd.s32 $0x100, s29  }
.Ltmp0:
0x17: {  	[tilespmem:s28+$0xAF20] =	vst v0;
	(pc) =	sbr.rel @p1 .LBB2_2-.Ltmp0, $3  }
0x18: {  	[tilespmem:s28+$0xAF00] =	vst v0  }
0x19: {  	[tilespmem:s28+$0xAF10] =	vst v0;
	_ =	sdelay $0x1  }
0x1a: {  	s28 =	sshra.s32 s30, $0x2  }
0x1b: {  	[tilespmem:s28+$0xAF30] =	vst v0  }
0x1c: {  	[tilespmem:s28+$0xAF20] =	vst v0  }
0x1d: {  	[tilespmem:s28+$0xAF00] =	vst v0  }
0x1e: {  	[tilespmem:s28+$0xAF10] =	vst v0  }
0x1f: {  	[spmem:s7] =	stream.linear.scatter [tilespmem:s12], [sflag:$0x4], $0x9E00, $0x38;
	[tilespmem:$0x1EB00] =	vst v63  }
0x20: {  	_ =	swait.ge [sflag:s13], $0x9E00  }
0x21: {  	[sflag:s13] =	ssyncset.done $0x0  }
0x22: {  	[sflag:s13] =	ssyncadd.s32 $0xFFFF6200  }
0x23: {  	_ =	swait.ge [sflag:s14], $0x2700  }
0x24: {  	[sflag:s14] =	ssyncset.done $0x0  }
0x25: {  	[sflag:s14] =	ssyncadd.s32 $0xFFFFD900  }
0x26: {  	_ =	swait.ge [sflag:s15], $0x2700  }
0x27: {  	[sflag:s15] =	ssyncset.done $0x0  }
0x28: {  	s28 =	simm.s32 @!p0 $0x0;
	s29 =	simm.s32 @!p0 $0x2700;
	[sflag:s15] =	ssyncadd.s32 $0xFFFFD900  }
0x29: {  	[tilespmem:s29], [sflag:$0x4] =	stream.linear.gather @!p0 [hbm4b:s8+s28], $0x80, $0x38;
	[tilespmem:$0x1EB00] =	vst v63  }
0x2a: {  	s29 =	simm.s32 @!p0 $0x4  }
0x2b: {  	_ =	swait.ge @!p0 [sflag:s29], $0x80  }
0x2c: {  	[sflag:s29] =	ssyncset.done @!p0 $0x0  }
0x2d: {  	s30 =	simm.s32 @!p0 $0x4E80;
	[sflag:s29] =	ssyncadd.s32 @!p0 $0xFFFFFF80  }
0x2e: {  	[tilespmem:s30], [sflag:$0x4] =	stream.linear.gather @!p0 [hbm4b:s9+s28], $0x80, $0x38;
	[tilespmem:$0x1EB00] =	vst v63  }
0x2f: {  	_ =	swait.ge @!p0 [sflag:s29], $0x80  }
0x30: {  	[sflag:s29] =	ssyncset.done @!p0 $0x0  }
0x31: {  	[sflag:s29] =	ssyncadd.s32 @!p0 $0xFFFFFF80  }
0x32: {  	s28 =	simm.s32 $0x0;
	[bflag:$0x0] =	sbarrier.arrive $0xFFFF  }
0x33: {  	[tilespmem:s17], [sflag:$0x1] =	stream.indirect.gather [hbm4b:s4+s16], $0x40, s28, s16, $0xb8;
	[tilespmem:$0x1EB00] =	vst v63  }
0x34: {  	_ = 	snop  }
0x35: {  	[tilespmem:s18], [sflag:$0x2] =	stream.indirect.gather [hbm4b:s4+s16], $0x40, s16, s16, $0xb8;
	[tilespmem:$0x1EB00] =	vst v63  }
0x36: {  	_ = 	snop  }
0x37: {  	[tilespmem:s20], [sflag:$0x3] =	stream.indirect.gather [hbm4b:s4+s16], $0x40, s19, s16, $0xb8;
	[tilespmem:$0x1EB00] =	vst v63  }
0x38: {  	_ =	swait.ge [sflag:s14], $0x2000  }
0x39: {  	[sflag:s14] =	ssyncset.done $0x0  }
0x3a: {  	s28 =	simm.s32 $0x2780;
	[sflag:s14] =	ssyncadd.s32 $0xFFFFE000  }
0x3b: {  	[spmem:s1] =	stream.indirect.scatter.add.f32 [tilespmem:s17], [sflag:$0x4], $0x40, s28, s16, $0xb8;
	[tilespmem:$0x1EB00] =	vst v63  }
0x3c: {  	_ =	swait.ge [sflag:s13], $0x2000  }
0x3d: {  	[sflag:s13] =	ssyncset.done $0x0  }
0x3e: {  	s28 =	simm.s32 $0x180;
	[sflag:s13] =	ssyncadd.s32 $0xFFFFE000  }
0x3f: {  	[tilespmem:s17], [sflag:$0x1] =	stream.indirect.gather [hbm4b:s4+s16], $0x40, s28, s16, $0xb8;
	[tilespmem:$0x1EB00] =	vst v63  }
0x40: {  	_ =	swait.ge [sflag:s15], $0x2000  }
0x41: {  	[sflag:s15] =	ssyncset.done $0x0  }
0x42: {  	s28 =	simm.s32 $0x2800;
	[sflag:s15] =	ssyncadd.s32 $0xFFFFE000  }
0x43: {  	[spmem:s1] =	stream.indirect.scatter.add.f32 [tilespmem:s18], [sflag:$0x4], $0x40, s28, s16, $0xb8;
	[tilespmem:$0x1EB00] =	vst v63  }
0x44: {  	_ =	swait.ge [sflag:s13], $0x2000  }
0x45: {  	[sflag:s13] =	ssyncset.done $0x0  }
0x46: {  	s28 =	simm.s32 $0x200;
	[sflag:s13] =	ssyncadd.s32 $0xFFFFE000  }
0x47: {  	[tilespmem:s18], [sflag:$0x2] =	stream.indirect.gather [hbm4b:s4+s16], $0x40, s28, s16, $0xb8;
	[tilespmem:$0x1EB00] =	vst v63  }
0x48: {  	_ =	swait.ge [sflag:s21], $0x2000  }
0x49: {  	[sflag:s21] =	ssyncset.done $0x0  }
0x4a: {  	s28 =	simm.s32 $0x2880;
	[sflag:s21] =	ssyncadd.s32 $0xFFFFE000  }
0x4b: {  	[spmem:s1] =	stream.indirect.scatter.add.f32 [tilespmem:s20], [sflag:$0x4], $0x40, s28, s16, $0xb8;
	[tilespmem:$0x1EB00] =	vst v63  }
0x4c: {  	_ =	swait.ge [sflag:s13], $0x2000  }
0x4d: {  	[sflag:s13] =	ssyncset.done $0x0  }
0x4e: {  	s29 =	simm.s32 $0x280;
	s28 =	simm.s32 $0x600;
	[sflag:s13] =	ssyncadd.s32 $0xFFFFE000  }
.LBB2_4:
0x4f: {  	[tilespmem:s20], [sflag:$0x3] =	stream.indirect.gather [hbm4b:s4+s16], $0x40, s29, s16, $0xb8;
	[tilespmem:$0x1EB00] =	vst v63  }
0x50: {  	s29 =	smov.u32 s28  }
0x51: {  	p1 =	sne.s32 s28, $0x9000;
	s28 =	sadd.s32 $0x600, s28;
	_ =	swait.ge [sflag:s14], $0x2000  }
0x52: {  	s29 =	sshra.s32 s29, $0x2;
	[sflag:s14] =	ssyncset.done $0x0  }
0x53: {  	s30 =	sadd.s32 $0x2780, s29;
	[sflag:s14] =	ssyncadd.s32 $0xFFFFE000  }
0x54: {  	[spmem:s1] =	stream.indirect.scatter.add.f32 [tilespmem:s17], [sflag:$0x4], $0x40, s30, s16, $0xb8;
	[tilespmem:$0x1EB00] =	vst v63  }
0x55: {  	_ =	swait.ge [sflag:s13], $0x2000  }
0x56: {  	[sflag:s13] =	ssyncset.done $0x0  }
0x57: {  	s30 =	sadd.s32 $0x180, s29;
	[sflag:s13] =	ssyncadd.s32 $0xFFFFE000  }
0x58: {  	[tilespmem:s17], [sflag:$0x1] =	stream.indirect.gather [hbm4b:s4+s16], $0x40, s30, s16, $0xb8;
	[tilespmem:$0x1EB00] =	vst v63  }
0x59: {  	_ =	swait.ge [sflag:s15], $0x2000  }
0x5a: {  	[sflag:s15] =	ssyncset.done $0x0  }
0x5b: {  	s30 =	sadd.s32 $0x2800, s29;
	[sflag:s15] =	ssyncadd.s32 $0xFFFFE000  }
0x5c: {  	[spmem:s1] =	stream.indirect.scatter.add.f32 [tilespmem:s18], [sflag:$0x4], $0x40, s30, s16, $0xb8;
	[tilespmem:$0x1EB00] =	vst v63  }
0x5d: {  	_ =	swait.ge [sflag:s13], $0x2000  }
0x5e: {  	[sflag:s13] =	ssyncset.done $0x0  }
0x5f: {  	s30 =	sadd.s32 $0x200, s29;
	[sflag:s13] =	ssyncadd.s32 $0xFFFFE000  }
0x60: {  	[tilespmem:s18], [sflag:$0x2] =	stream.indirect.gather [hbm4b:s4+s16], $0x40, s30, s16, $0xb8;
	[tilespmem:$0x1EB00] =	vst v63  }
0x61: {  	_ =	swait.ge [sflag:s21], $0x2000  }
0x62: {  	[sflag:s21] =	ssyncset.done $0x0  }
.Ltmp1:
0x63: {  	s30 =	sadd.s32 $0x2880, s29;
	[sflag:s21] =	ssyncadd.s32 $0xFFFFE000;
	(pc) =	sbr.rel @p1 .LBB2_4-.Ltmp1, $4  }
0x64: {  	[spmem:s1] =	stream.indirect.scatter.add.f32 [tilespmem:s20], [sflag:$0x4], $0x40, s30, s16, $0xb8;
	[tilespmem:$0x1EB00] =	vst v63  }
0x65: {  	_ =	swait.ge [sflag:s13], $0x2000  }
0x66: {  	[sflag:s13] =	ssyncset.done $0x0  }
0x67: {  	s29 =	sadd.s32 $0x280, s29;
	[sflag:s13] =	ssyncadd.s32 $0xFFFFE000  }
0x68: {  	[tilespmem:s20], [sflag:$0x3] =	stream.indirect.gather [hbm4b:s4+s16], $0x40, s29, s16, $0xb8;
	[tilespmem:$0x1EB00] =	vst v63  }
0x69: {  	_ =	swait.ge [sflag:s14], $0x2000  }
0x6a: {  	[sflag:s14] =	ssyncset.done $0x0  }
0x6b: {  	[sflag:s14] =	ssyncadd.s32 $0xFFFFE000  }
0x6c: {  	[spmem:s1] =	stream.indirect.scatter.add.f32 [tilespmem:s17], [sflag:$0x4], $0x40, s22, s16, $0xb8;
	[tilespmem:$0x1EB00] =	vst v63  }
0x6d: {  	_ =	swait.ge [sflag:s13], $0x2000  }
0x6e: {  	[sflag:s13] =	ssyncset.done $0x0  }
0x6f: {  	[sflag:s13] =	ssyncadd.s32 $0xFFFFE000  }
0x70: {  	_ =	swait.ge [sflag:s15], $0x2000  }
0x71: {  	[sflag:s15] =	ssyncset.done $0x0  }
0x72: {  	[sflag:s15] =	ssyncadd.s32 $0xFFFFE000  }
0x73: {  	[spmem:s1] =	stream.indirect.scatter.add.f32 [tilespmem:s18], [sflag:$0x4], $0x40, s23, s16, $0xb8;
	[tilespmem:$0x1EB00] =	vst v63  }
0x74: {  	_ =	swait.ge [sflag:s13], $0x2000  }
0x75: {  	[sflag:s13] =	ssyncset.done $0x0  }
0x76: {  	[sflag:s13] =	ssyncadd.s32 $0xFFFFE000  }
0x77: {  	_ =	swait.ge [sflag:s21], $0x2000  }
0x78: {  	[sflag:s21] =	ssyncset.done $0x0  }
0x79: {  	[sflag:s21] =	ssyncadd.s32 $0xFFFFE000  }
0x7a: {  	[spmem:s1] =	stream.indirect.scatter.add.f32 [tilespmem:s20], [sflag:$0x4], $0x40, s25, s16, $0xb8;
	[tilespmem:$0x1EB00] =	vst v63  }
0x7b: {  	_ =	swait.ge [sflag:s13], $0x2000  }
0x7c: {  	s28 =	simm.s32 @!p0 $0x80;
	[sflag:s13] =	ssyncset.done $0x0  }
0x7d: {  	s29 =	simm.s32 @!p0 $0x2700;
	s30 =	simm.s32 @!p0 $0x4F00;
	[sflag:s13] =	ssyncadd.s32 $0xFFFFE000  }
0x7e: {  	[tilespmem:s30], [sflag:$0x1] =	stream.indirect.gather @!p0 [hbm4b:s4+s28], $0x40, s29, s28, $0xb8;
	[tilespmem:$0x1EB00] =	vst v63  }
0x7f: {  	s29 =	simm.s32 @!p0 $0x1  }
0x80: {  	_ =	swait.ge @!p0 [sflag:s29], $0x2000  }
0x81: {  	[sflag:s29] =	ssyncset.done @!p0 $0x0  }
0x82: {  	[sflag:s29] =	ssyncadd.s32 @!p0 $0xFFFFE000;
	s29 =	simm.s32 @!p0 $0x4E80  }
0x83: {  	[spmem:s1] =	stream.indirect.scatter.add.f32 @!p0 [tilespmem:s30], [sflag:$0x4], $0x40, s29, s28, $0xb8;
	[tilespmem:$0x1EB00] =	vst v63  }
0x84: {  	s28 =	simm.s32 @!p0 $0x4  }
0x85: {  	_ =	swait.ge @!p0 [sflag:s28], $0x2000  }
0x86: {  	[sflag:s28] =	ssyncset.done @!p0 $0x0  }
0x87: {  	[sflag:s28] =	ssyncadd.s32 @!p0 $0xFFFFE000  }
0x88: {  	[bflag:$0x0] =	sbarrier.arrive $0xFFFF  }
0x89: {  	[tilespmem:s12], [sflag:$0x4] =	stream.linear.gather [spmem:s7], $0x9E00, $0x38;
	[tilespmem:$0x1EB00] =	vst v63  }
0x8a: {  	s26 =	sadd.s32 $0x1, s26;
	_ =	swait.ge [sflag:s13], $0x9E00  }
0x8b: {  	p1 =	sne.s32 s26, s10;
	[sflag:s13] =	ssyncset.done $0x0  }
.Ltmp2:
0x8c: {  	[sflag:s13] =	ssyncadd.s32 $0xFFFF6200;
	(pc) =	sbr.rel @p1 .LBB2_1-.Ltmp2, $4  }
0x8d: {  	[hbm4b:s24+s2] =	stream.linear.scatter [tilespmem:s12], [sflag:$0x4], $0x9E00, $0x38;
	[tilespmem:$0x1EB00] =	vst v63  }
0x8e: {  	_ =	swait.ge [sflag:s13], $0x9E00  }
0x8f: {  	[sflag:s13] =	ssyncset.done $0x0  }
0x90: {  	[sflag:s13] =	ssyncadd.s32 $0xFFFF6200  }
0x91: {  	_ =	sfence.sel $0x180000  }
0x92: {  	[bflag:$0x0] =	sbarrier.arrive $0xFFFF  }
0x93: {  	p0 =	sne.s32 s3, $0x0;
	_ =	strace $0x9000004D  }
0x94: {  	s0 =	sadd.s32 @!p0 $0x100000, s0;
	[bflag:$0x2] =	sbarrier.arrive $0xFFFF  }
0x95: {  	[sflag:s0] =	ssyncadd.tile.s32 @!p0 $0x1;
	_ =	shalt  }
.Lfunc_end2:
_tile_overlayer_lowered:
.L_overlay_start_2:
0x96: {  	(tag) =	ssettag $0x2  }
0x97: {  	s0 =	rddreg [dreg:$0x0];
	s2 =	stileid.u32  }
0x98: {  	s1 =	rddreg [dreg:$0x1];
	p0 =	sne.s32 s2, $0x0  }
0x99: {  	s3 =	rddreg [dreg:$0x2];
	[bflag:$0x3] =	sbarrier.arrive $0xFFFF;
	s2 =	simm.s32 @!p0 $0x1C04  }
0x9a: {  	[timem:s3], [sflag:s2] =	dma.local @!p0 [hbm:s0], s1  }
0x9b: {  	s0 =	simm.s32 @!p0 $0x4  }
0x9c: {  	_ =	swait.ge @!p0 [sflag:s0], s1  }
0x9d: {  	s1 =	ssub.s32 @!p0 $0x0, s1;
	[sflag:s0] =	ssyncset.done @!p0 $0x0  }
0x9e: {  	[sflag:s0] =	ssyncadd.s32 @!p0 s1  }
0x9f: {  	[bflag:$0x3] =	sbarrier.arrive $0xFFFF  }
0xa0: {  	_ =	shalt  }

// kernel: kernel.8.cloned.1.call-start
scs
__scs_entry_jumppad:
0x0: {  	(pc) =	sbr.rel $0x88, $3  }
0x1: {  	(tag) =	ssettag $0x0;
	lr =	simm.s32 $0x1  }
0x2: {  	[smem:$0x3F97] =	sst lr;
	_ =	strace $0xD0000000  }
0x3: {  	_ = 	snop  }
0x4: {  	_ = 	snop  }
0x5: {  	_ = 	snop  }
0x6: {  	_ = 	snop  }
0x7: {  	_ = 	snop  }
__scs_overlays_trampoline_lowered:
0x8: {  	[smem:$0x3FA6] =	sst s0  }
0x9: {  	[smem:$0x3FA7] =	sst s1  }
0xa: {  	[smem:$0x3FA8] =	sst s2  }
0xb: {  	[smem:$0x3FA9] =	sst s3  }
0xc: {  	[smem:$0x3FAA] =	sst s4  }
0xd: {  	[smem:$0x3FAB] =	sst s5  }
0xe: {  	[smem:$0x3FAC] =	sst s6  }
0xf: {  	[smem:$0x3FAD] =	sst s7  }
0x10: {  	[smem:$0x3FAE] =	sst s8  }
0x11: {  	[smem:$0x3FAF] =	sst s9;
	s0 =	simm.s32 @!p0 $0x0  }
0x12: {  	s1 =	sld [smem:$0x3F95];
	s0 =	simm.s32 @p0 $0x1  }
0x13: {  	[smem:$0x3FB0] =	sst s0;
	s0 =	simm.s32 @!p1 $0x0  }
0x14: {  	s2 =	sld [smem:$0x3F94];
	s0 =	simm.s32 @p1 $0x1  }
0x15: {  	[smem:$0x3FB1] =	sst s0;
	s0 =	simm.s32 @!p2 $0x0  }
0x16: {  	s3 =	sld [smem:$0x3FDB];
	s0 =	simm.s32 @p2 $0x1  }
0x17: {  	s4 =	simm.s32 $0x1BF5;
	[smem:$0x3FB3] =	sst s0  }
0x18: {  	s0 =	sld [smem:$0x3F96];
	_ =	swait.ge [sflag:s4], $0x0  }
0x19: {  	s7 =	sld [smem:$0x3F97]  }
0x1a: {  	s8 =	sadd.s32 $0xFFFFE003, lr  }
0x1b: {  	s9 =	sadd.s32 $0xFFFFFEF7, lr;
	s5 =	simm.s32 $0xFFFFFFFF;
	p2 =	slt.u32 s8, $0xFFFFF086  }
0x1c: {  	p1 =	slt.u32 s9, $0xF7A;
	s5 =	simm.s32 @!p2 $0x0  }
0x1d: {  	s5 =	simm.s32 @p1 $0x1;
	p0 =	seq.s32 s7, s2  }
0x1e: {  	s7 =	smul.u32 @!p0 $0xF7A, s2;
	p2 =	seq.s32 @!p0 s5, $0x0  }
0x1f: {  	s9 =	smul.u32 $0xF7A, s1;
	s8 =	simm.s32 @!p0 $0x1BF5;
	p2 =	por !p2, p0  }
0x20: {  	[sflag:s8] =	ssyncset.s32 @!p0 $0xFFFFF086;
	s6 =	sadd.s32 @!p0 s3, s7;
	s7 =	simm.s32 @!p0 $0x108  }
0x21: {  	s3 =	sadd.s32 s3, s9;
	s6 =	sadd.s32 @!p0 $0x88, s6;
	s7 =	simm.s32 @p2 $0x1082  }
0x22: {  	[simem:s7], [sflag:s8] =	dma.local @!p0 [hbm:s6], $0xF7A  }
0x23: {  	s9 =	sor.u32 $0xD0000000, s2;
	s6 =	simm.s32 $0x108;
	_ =	swait.ge @!p0 [sflag:s8], $0x0  }
0x24: {  	s3 =	sadd.s32 $0x88, s3;
	s6 =	simm.s32 @!p1 $0x1082;
	[sflag:s4] =	ssyncset.s32 $0xFFFFF086  }
0x25: {  	[simem:s6], [sflag:s4] =	dma.local [hbm:s3], $0xF7A  }
0x26: {  	[smem:$0x3F97] =	sst s1;
	(tag) =	ssettag s2;
	_ =	strace s9  }
0x27: {  	s1 =	sld [smem:$0x3FA7]  }
0x28: {  	s2 =	sld [smem:$0x3FA8]  }
0x29: {  	s4 =	sld [smem:$0x3FAA]  }
0x2a: {  	p0 =	seq.s32 s5, $0x0;
	s5 =	sld [smem:$0x3FAB]  }
0x2b: {  	s6 =	sld [smem:$0x3FAC]  }
0x2c: {  	s7 =	sld [smem:$0x3FAD]  }
0x2d: {  	s3 =	simm.s32 $0x108;
	s8 =	sld [smem:$0x3FAE]  }
0x2e: {  	s3 =	simm.s32 @!p0 $0x1082;
	s9 =	sld [smem:$0x3FAF]  }
0x2f: {  	lr =	sadd.s32 s0, s3;
	s0 =	sld [smem:$0x3FA6]  }
0x30: {  	s3 =	sld [smem:$0x3FA9]  }
0x31: {  	[smem:$0x3FB2] =	sst s10  }
0x32: {  	s10 =	sld [smem:$0x3FB0];
	_ =	sdelay $0x3  }
0x33: {  	p0 =	seq.s32 s10, $0x1;
	s10 =	sld [smem:$0x3FB2];
	_ =	sdelay $0x3  }
0x34: {  	[smem:$0x3FB2] =	sst s10  }
0x35: {  	s10 =	sld [smem:$0x3FB1];
	_ =	sdelay $0x3  }
0x36: {  	p1 =	seq.s32 s10, $0x1;
	s10 =	sld [smem:$0x3FB2];
	_ =	sdelay $0x3  }
0x37: {  	[smem:$0x3FB2] =	sst s10  }
0x38: {  	s10 =	sld [smem:$0x3FB3]  }
0x39: {  	_ = 	snop;
	(pc) =	sbr.ind lr, $3  }
0x3a: {  	_ = 	snop  }
0x3b: {  	_ = 	snop  }
0x3c: {  	p2 =	seq.s32 s10, $0x1;
	s10 =	sld [smem:$0x3FB2]  }
0x3d: {  	_ =	shalt  }
0x3e: {  	_ =	shalt  }
0x3f: {  	_ =	shalt  }
0x40: {  	_ =	shalt  }
0x41: {  	_ =	shalt  }
0x42: {  	_ =	shalt  }
0x43: {  	_ =	shalt  }
0x44: {  	_ =	shalt  }
0x45: {  	_ =	shalt  }
0x46: {  	_ =	shalt  }
0x47: {  	_ =	shalt  }
0x48: {  	_ =	shalt  }
0x49: {  	_ =	shalt  }
0x4a: {  	_ =	shalt  }
0x4b: {  	_ =	shalt  }
0x4c: {  	_ =	shalt  }
0x4d: {  	_ =	shalt  }
0x4e: {  	_ =	shalt  }
0x4f: {  	_ =	shalt  }
0x50: {  	_ =	shalt  }
0x51: {  	_ =	shalt  }
0x52: {  	_ =	shalt  }
0x53: {  	_ =	shalt  }
0x54: {  	_ =	shalt  }
0x55: {  	_ =	shalt  }
0x56: {  	_ =	shalt  }
0x57: {  	_ =	shalt  }
0x58: {  	_ =	shalt  }
0x59: {  	_ =	shalt  }
0x5a: {  	_ =	shalt  }
0x5b: {  	_ =	shalt  }
0x5c: {  	_ =	shalt  }
0x5d: {  	_ =	shalt  }
0x5e: {  	_ =	shalt  }
0x5f: {  	_ =	shalt  }
0x60: {  	_ =	shalt  }
0x61: {  	_ =	shalt  }
0x62: {  	_ =	shalt  }
0x63: {  	_ =	shalt  }
0x64: {  	_ =	shalt  }
0x65: {  	_ =	shalt  }
0x66: {  	_ =	shalt  }
0x67: {  	_ =	shalt  }
0x68: {  	_ =	shalt  }
0x69: {  	_ =	shalt  }
0x6a: {  	_ =	shalt  }
0x6b: {  	_ =	shalt  }
0x6c: {  	_ =	shalt  }
0x6d: {  	_ =	shalt  }
0x6e: {  	_ =	shalt  }
0x6f: {  	_ =	shalt  }
0x70: {  	_ =	shalt  }
0x71: {  	_ =	shalt  }
0x72: {  	_ =	shalt  }
0x73: {  	_ =	shalt  }
0x74: {  	_ =	shalt  }
0x75: {  	_ =	shalt  }
0x76: {  	_ =	shalt  }
0x77: {  	_ =	shalt  }
0x78: {  	_ =	shalt  }
0x79: {  	_ =	shalt  }
0x7a: {  	_ =	shalt  }
0x7b: {  	_ =	shalt  }
0x7c: {  	_ =	shalt  }
0x7d: {  	_ =	shalt  }
0x7e: {  	_ =	shalt  }
0x7f: {  	_ =	shalt  }
0x80: {  	_ =	shalt  }
0x81: {  	_ =	shalt  }
0x82: {  	_ =	shalt  }
0x83: {  	_ =	shalt  }
0x84: {  	_ =	shalt  }
0x85: {  	_ =	shalt  }
0x86: {  	_ =	shalt  }
0x87: {  	_ =	shalt  }
.Lfunc_end0:
.L_simem_size_0:
called_computation_lowered:
.L_overlay_start_0:
0x88: {  	s2 =	sld [smem:$0x3FD9]  }
0x89: {  	s3 =	sld [smem:$0x3FFE];
	_ =	sdelay $0x1  }
0x8a: {  	s1 =	srdreg.scid  }
0x8b: {  	s0 =	sand.u32 $0x1, s1  }
0x8c: {  	s16 =	sshll.u32 s0, $0xA;
	s2 =	sadd.s32 s3, s2  }
0x8d: {  	s2 =	sadd.s32 s2, s16  }
0x8e: {  	[smem:$0x3FBE] =	sst s2  }
0x8f: {  	_ = 	snop  }
0x90: {  	(tm) =	ssettm $0x1  }
0x91: {  	s17 =	sld [smem:$0x3FFB];
	_ =	sdelay $0x3  }
0x92: {  	_ =	strace s17  }
0x93: {  	s2 =	sld [smem:$0x3FFC];
	_ =	sdelay $0x3  }
0x94: {  	_ =	strace s2  }
0x95: {  	s2 =	sld [smem:$0x3FFD];
	_ =	sdelay $0x3  }
0x96: {  	_ =	strace s2  }
0x97: {  	_ =	strace $0x8FFFFFFF  }
0x98: {  	s18 =	sld [smem:$0x3FDB];
	_ =	sdelay $0x1  }
0x99: {  	s19 =	simm.s32 $_scs_section_size  }
0x9a: {  	s4 =	simm.s32 $_size__tile_overlayer_lowered;
	s5 =	simm.s32 $_tile_overlayer_lowered  }
0x9b: {  	s22 =	simm.s32 $0x1BFF;
	s21 =	sshll.u32 s5, $0x1;
	s2 =	sadd.s32 s19, s18  }
0x9c: {  	s6 =	simm.s32 $0x0;
	s20 =	sshll.u32 s4, $0x1;
	s4 =	sadd.s32 s21, s2  }
0x9d: {  	[timem:s6], [sflag:s22] =	dma.local [hbm:s4], s20  }
0x9e: {  	_ =	swait.ge [sflag:s22], s20  }
0x9f: {  	s3 =	ssub.s32 $0x0, s20;
	[sflag:s22] =	ssyncset.done $0x0  }
0xa0: {  	[sflag:s22] =	ssyncadd.s32 s3;
	_ =	sdelay $0x1  }
0xa1: {  	s23 =	simm.s32 $0x1B8B  }
0xa2: {  	_ =	swait.ge [sflag:s23], $0x1  }
0xa3: {  	[sflag:s23] =	ssyncset.done $0x0  }
0xa4: {  	s25 =	simm.s32 $0x1B8E;
	s24 =	sld [smem:$0x3FFE];
	[sflag:s23] =	ssyncadd.s32 $0xFFFFFFFF  }
0xa5: {  	s26 =	simm.s32 $execute0_lowered;
	[smem:$0x3FD2] =	sst s25  }
0xa6: {  	s4 =	sshll.u32 s26, $0x1;
	_ =	strace $0x80000046;
	[dreg:$0x1] =	wrdreg $0xFFFFFFFF  }
0xa7: {  	s28 =	simm.s32 $_size_execute0_lowered;
	s2 =	sadd.s32 s2, s4;
	[dreg:$0x0] =	wrdreg $0x0  }
0xa8: {  	s4 =	sshll.u32 s28, $0x1;
	[dreg:$0x2] =	wrdreg s2  }
0xa9: {  	[dreg:$0x3] =	wrdreg s4  }
0xaa: {  	[dreg:$0x4] =	wrdreg $0xC0  }
0xab: {  	_ =	task [dreg:s6], $0x5FFFF  }
0xac: {  	[dreg:$0x1] =	wrdreg $0xFFFFFFFF  }
0xad: {  	[dreg:$0x0] =	wrdreg $0x60  }
0xae: {  	[dreg:$0x2] =	wrdreg s24  }
0xaf: {  	[dreg:$0x3] =	wrdreg $0x9  }
0xb0: {  	_ =	task.clear_ibuf [dreg:s6], $0x4FFFF;
	_ =	strace $0x90000046  }
0xb1: {  	s29 =	simm.s32 $0x9;
	_ =	strace $0x80000048  }
0xb2: {  	_ =	swait.ge [sflag:s29], $0x1  }
0xb3: {  	[sflag:s29] =	ssyncadd.s32 $0xFFFFFFFF  }
0xb4: {  	_ =	strace $0x90000048  }
0xb5: {  	_ =	sfence  }
0xb6: {  	s30 =	sld [smem:$0x0];
	_ =	sdelay $0x2  }
0xb7: {  	s31 =	sshll.u32 s1, $0xD;
	s1 =	sshrl.u32 s1, $0x2  }
0xb8: {  	s3 =	sand.u32 $0x4000, s31;
	s1 =	sadd.s32 s1, s30  }
0xb9: {  	s0 =	sor.u32 s3, s0;
	s1 =	sshll.u32 s1, $0x11  }
0xba: {  	s0 =	sor.u32 s1, s0  }
0xbb: {  	s0 =	sadd.s32 $0x8F2B, s0  }
0xbc: {  	[sflag:s0] =	ssyncadd.remote.s32 $0x1  }
0xbd: {  	_ =	sfence.sel $0xFFFF  }
0xbe: {  	[dreg:$0x0] =	wrdreg $0xFFFFFFFF;
	(pc) =	sbr.abs _section_cstart, $3  }
0xbf: {  	[dreg:$0x1] =	wrdreg $0xFFFFFFFF  }
0xc0: {  	_ =	task.clear_ibuf [dreg:s6], $0x2FFFF;
	_ =	strace $0x9FFFFFFF  }
0xc1: {  	(tm) =	ssettm $0x7FFFFFFF  }
tec
execute0_lowered:
.L_overlay_start_1:
0x0: {  	(tag) =	ssettag $0x1  }
0x1: {  	s3 =	rddreg [dreg:$0x0]  }
0x2: {  	s1 =	srdreg.scid;
	s0 =	rddreg [dreg:$0x1];
	s2 =	simm.s32 $0x0  }
0x3: {  	s4 =	sand.u32 $0x1, s1;
	s1 =	stileid.u32;
	[smem:$0x7FF] =	sst s2  }
0x4: {  	s8 =	sadd.s32 $0xC040, s3;
	s5 =	sshll.u32 s4, $0x4;
	s4 =	ssub.s32 $0x2, s4  }
0x5: {  	_ =	strace $0x80000047;
	s10 =	sshll.u32 s1, $0x4;
	s7 =	sor.u32 s1, s5  }
0x6: {  	s6 =	sshrl.u32 s4, $0x1;
	s31 =	sadd.s32 s10, s8;
	s5 =	smul.u32 $0x500, s7  }
0x7: {  	s10 =	simm.s32 $0x0;
	s9 =	smul.u32 $0x4E0, s7;
	s6 =	ssub.s32 s4, s6  }
0x8: {  	s4 =	sadd.s32 $0x9C00, s31;
	p0 =	sgt.u32 s7, $0x3;
	s7 =	simm.s32 $0x1  }
0x9: {  	s6 =	smax.u32 s6, $0x1;
	s5 =	sadd.s32 s5, s3;
	s3 =	sadd.s32 s9, s8  }
0xa: {  	v0 =	vimm.f32 $0.0e+00;
	v1 =	vimm.f32 $1.000000000e+00;
	s8 =	simm.s32 $0x2780;
	s9 =	simm.s32 $0x2;
	s5 =	sadd.s32 $0x15E00, s5  }
.LBB2_1:
0xb: {  	[tilespmem:s2], [sflag:$0x1] =	stream.linear.gather [hbm4b:s3+s2], $0x2700, $0x38;
	[tilespmem:$0x4F80] =	vst v63  }
0xc: {  	s11 =	simm.s32 $0x40;
	s12 =	simm.s32 $0x0  }
.LBB2_2:
0xd: {  	p1 =	sne.s32 s11, $0x9FC0;
	[tilespmem:s12+$0x2780] =	vst v0;
	s12 =	smov.u32 s11;
	s11 =	sadd.s32 $0x40, s11  }
.Ltmp0:
0xe: {  	(pc) =	sbr.rel @p1 .LBB2_2-.Ltmp0, $2  }
0xf: {  	_ =	sdelay $0x2  }
0x10: {  	s12 =	sshra.s32 s12, $0x2  }
0x11: {  	[tilespmem:s12+$0x2780] =	vst v0  }
0x12: {  	_ =	swait.ge [sflag:s7], $0x2700  }
0x13: {  	[sflag:s7] =	ssyncset.done $0x0  }
0x14: {  	s11 =	simm.s32 @!p0 $0x0;
	s12 =	simm.s32 @!p0 $0x2700;
	[sflag:s7] =	ssyncadd.s32 $0xFFFFD900  }
0x15: {  	[tilespmem:s12], [sflag:$0x2] =	stream.linear.gather @!p0 [hbm4b:s4+s11], $0x80, $0x38;
	[tilespmem:$0x4F80] =	vst v63  }
0x16: {  	s12 =	simm.s32 @!p0 $0x2  }
0x17: {  	_ =	swait.ge @!p0 [sflag:s12], $0x80  }
0x18: {  	s11 =	simm.s32 @!p0 $0x4F;
	[sflag:s12] =	ssyncset.done @!p0 $0x0  }
0x19: {  	s11 =	simm.s32 @p0 $0x4E;
	[sflag:s12] =	ssyncadd.s32 @!p0 $0xFFFFFF80;
	s12 =	simm.s32 $0x40  }
.LBB2_4:
0x1a: {  	v2 =	vld [tilespmem:s12+$0xFFFFFFC0];
	_ =	sdelay $0x7  }
0x1b: {  	[tilespmem:v2+s8+$0x0] =	vst.idx.add.f32.msk $0xffff, v1  }
0x1c: {  	v2 =	vld [tilespmem:s12+$0xFFFFFFD0];
	_ =	sdelay $0x7  }
0x1d: {  	[tilespmem:v2+s8+$0x0] =	vst.idx.add.f32.msk $0xffff, v1  }
0x1e: {  	v2 =	vld [tilespmem:s12+$0xFFFFFFE0];
	_ =	sdelay $0x7  }
0x1f: {  	[tilespmem:v2+s8+$0x0] =	vst.idx.add.f32.msk $0xffff, v1  }
0x20: {  	v2 =	vld [tilespmem:s12+$0xFFFFFFF0];
	_ =	sdelay $0x7  }
0x21: {  	[tilespmem:v2+s8+$0x0] =	vst.idx.add.f32.msk $0xffff, v1  }
0x22: {  	v2 =	vld [tilespmem:s12+$0x0];
	_ =	sdelay $0x7  }
0x23: {  	[tilespmem:v2+s8+$0x0] =	vst.idx.add.f32.msk $0xffff, v1  }
0x24: {  	v2 =	vld [tilespmem:s12+$0x10];
	_ =	sdelay $0x7  }
0x25: {  	[tilespmem:v2+s8+$0x0] =	vst.idx.add.f32.msk $0xffff, v1  }
0x26: {  	v2 =	vld [tilespmem:s12+$0x20];
	_ =	sdelay $0x7  }
0x27: {  	[tilespmem:v2+s8+$0x0] =	vst.idx.add.f32.msk $0xffff, v1  }
0x28: {  	v2 =	vld [tilespmem:s12+$0x30];
	_ =	sdelay $0x2  }
0x29: {  	p1 =	sne.s32 s11, $0x1  }
.Ltmp1:
0x2a: {  	_ = 	snop;
	(pc) =	sbr.rel @p1 .LBB2_4-.Ltmp1, $2  }
0x2b: {  	_ =	sdelay $0x2  }
0x2c: {  	s11 =	sadd.s32 $0xFFFFFFFF, s11;
	s12 =	sadd.s32 $0x80, s12;
	[tilespmem:v2+s8+$0x0] =	vst.idx.add.f32.msk $0xffff, v1  }
0x2d: {  	s10 =	sadd.s32 $0x1, s10  }
0x2e: {  	p1 =	sne.s32 s10, s6  }
.Ltmp2:
0x2f: {  	_ = 	snop;
	(pc) =	sbr.rel @p1 .LBB2_1-.Ltmp2, $4  }
0x30: {  	[hbm4b:s5+s2] =	stream.linear.scatter [tilespmem:s8], [sflag:$0x2], $0x2800, $0x38;
	[tilespmem:$0x4F80] =	vst v63  }
0x31: {  	_ =	swait.ge [sflag:s9], $0x2800  }
0x32: {  	[sflag:s9] =	ssyncset.done $0x0  }
0x33: {  	[sflag:s9] =	ssyncadd.s32 $0xFFFFD800  }
0x34: {  	_ =	sfence.sel $0x180000  }
0x35: {  	[bflag:$0x0] =	sbarrier.arrive $0xFFFF  }
0x36: {  	p0 =	sne.s32 s1, $0x0;
	_ =	strace $0x90000047  }
0x37: {  	s0 =	sadd.s32 @!p0 $0x100000, s0;
	[bflag:$0x2] =	sbarrier.arrive $0xFFFF  }
0x38: {  	[sflag:s0] =	ssyncadd.tile.s32 @!p0 $0x1;
	_ =	shalt  }
.Lfunc_end2:
_tile_overlayer_lowered:
.L_overlay_start_2:
0x39: {  	(tag) =	ssettag $0x2  }
0x3a: {  	s0 =	rddreg [dreg:$0x0];
	s2 =	stileid.u32  }
0x3b: {  	s1 =	rddreg [dreg:$0x1];
	p0 =	sne.s32 s2, $0x0  }
0x3c: {  	s3 =	rddreg [dreg:$0x2];
	[bflag:$0x3] =	sbarrier.arrive $0xFFFF;
	s2 =	simm.s32 @!p0 $0x1C02  }
0x3d: {  	[timem:s3], [sflag:s2] =	dma.local @!p0 [hbm:s0], s1  }
0x3e: {  	s0 =	simm.s32 @!p0 $0x2  }
0x3f: {  	_ =	swait.ge @!p0 [sflag:s0], s1  }
0x40: {  	s1 =	ssub.s32 @!p0 $0x0, s1;
	[sflag:s0] =	ssyncset.done @!p0 $0x0  }
0x41: {  	[sflag:s0] =	ssyncadd.s32 @!p0 s1  }
0x42: {  	[bflag:$0x3] =	sbarrier.arrive $0xFFFF  }
0x43: {  	_ =	shalt  }

</sc_bundles>
